<compile_context>
chip_gen: v7x
topology: tpu7x:2x2x1
jax: 0.10.2.dev20260603
libtpu: 0.0.44.dev20260713+nightly
codegen_flags: <defaults>
</compile_context>

<pallas_src>
import functools

import jax
import jax.numpy as jnp
from jax import lax
from jax.experimental import pallas as pl
from jax.experimental.pallas import tpu as pltpu
from jax.experimental.pallas import tpu_sc as plsc

_NUM_EMBEDDINGS = 1000000
_DIM = 64
_BATCH = 16384
_HIST = 50

_NC = 2
_NS = 16
_NW = _NC * _NS
_ROWS_W = _BATCH // _NW
_BB = 128
_NBB = _ROWS_W // _BB
_NBLK = _HIST * _NBB
_T = _NBLK // 2


@functools.partial(
    pl.kernel,
    out_type=jax.ShapeDtypeStruct(
        (_HIST, _DIM // 8, _BATCH // 128, 8, 128), jnp.float32
    ),
    mesh=plsc.VectorSubcoreMesh(core_axis_name="c", subcore_axis_name="s"),
    scratch_types=[
        pltpu.VMEM((_ROWS_W, _HIST), jnp.int32),
        pltpu.VMEM((_HIST, _ROWS_W), jnp.int32),
        pltpu.VMEM((2, _BB, _DIM), jnp.float32),
        pltpu.VMEM((2, _DIM // 8, 1, 8, 128), jnp.float32),
        pltpu.SemaphoreType.DMA,
        pltpu.SemaphoreType.DMA,
    ],
    compiler_params=pltpu.CompilerParams(
        use_tc_tiling_on_sc=False,
        needs_layout_passes=False,
        disable_bounds_checks=True,
    ),
)
def _sc_gather(table_hbm, idx_hbm, out_hbm, idx_v, idxt_v, rows_v, tiles_v,
               gsem, osem):
    wid = lax.axis_index("s") * _NC + lax.axis_index("c")
    base = wid * _ROWS_W
    pltpu.sync_copy(idx_hbm.at[pl.ds(base, _ROWS_W)], idx_v)

    iota = lax.iota(jnp.int32, 16)
    lane_base = [iota + 16 * j for j in range(_ROWS_W // 16)]

    def idxt_body(h, carry):
        col = jnp.broadcast_to(h, (16,)).astype(jnp.int32)
        for k in range(_ROWS_W // 16):
            v = plsc.load_gather(idx_v, [lane_base[k], col])
            idxt_v[h, pl.ds(16 * k, 16)] = v
        return carry

    lax.fori_loop(0, _HIST, idxt_body, 0)

    def fire_gather(i, s):
        h = i // _NBB
        bb = i - h * _NBB
        pltpu.make_async_copy(
            table_hbm.at[idxt_v.at[h, pl.ds(bb * _BB, _BB)]],
            rows_v.at[s],
            gsem,
        ).start()

    def wait_gather(i, s):
        h = i // _NBB
        bb = i - h * _NBB
        pltpu.make_async_copy(
            table_hbm.at[idxt_v.at[h, pl.ds(bb * _BB, _BB)]],
            rows_v.at[s],
            gsem,
        ).wait()

    def transpose_block(s):
        @plsc.parallel_loop(0, _DIM, unroll=16)
        def _(d):
            dblk = d // 8
            r = d - dblk * 8
            col = jnp.broadcast_to(d, (16,)).astype(jnp.int32)
            for j in range(_BB // 16):
                v = plsc.load_gather(rows_v.at[s], [lane_base[j], col])
                tiles_v[s, dblk, 0, r, pl.ds(16 * j, 16)] = v

    def out_copy(i, s, fire):
        h = i // _NBB
        bb = i - h * _NBB
        cp = pltpu.make_async_copy(
            tiles_v.at[s],
            out_hbm.at[h, :, pl.ds(wid * _NBB + bb, 1)],
            osem,
        )
        cp.start() if fire else cp.wait()

    fire_gather(0, 0)

    def body(t, carry):
        i0 = 2 * t
        i1 = i0 + 1
        wait_gather(i0, 0)
        fire_gather(i1, 1)

        @pl.when(t > 0)
        def _():
            out_copy(i0 - 2, 0, False)

        transpose_block(0)
        out_copy(i0, 0, True)

        wait_gather(i1, 1)

        @pl.when(t < _T - 1)
        def _():
            fire_gather(i0 + 2, 0)

        @pl.when(t > 0)
        def _():
            out_copy(i1 - 2, 1, False)

        transpose_block(1)
        out_copy(i1, 1, True)
        return carry

    lax.fori_loop(0, _T, body, 0)
    out_copy(_NBLK - 2, 0, False)
    out_copy(_NBLK - 1, 1, False)


def kernel(input, weight):
    out5 = _sc_gather(weight, input.astype(jnp.int32))
    return jnp.transpose(out5, (2, 4, 0, 1, 3)).reshape(_BATCH, _HIST, _DIM)

# --- scband reference (transcript-rebuilt; emitter-appended) ---
"""Pipeline reference for scband-vocab-parallel-embedding-54296976556197 (READ-ONLY COPY).

The authoritative reference and input builder live on the scoring server;
editing this copy changes nothing except your own understanding.
"""

import jax, jax.numpy as jnp
import numpy as np

NUM_EMBEDDINGS = 1000000
EMBEDDING_DIM = 64
BATCH = 16384
HIST = 50

# Single-process semantics: world_size=1, rank=0 -> this rank owns the full vocab range [0, NUM_EMBEDDINGS).
VOCAB_START = 0
VOCAB_END = NUM_EMBEDDINGS


def setup_inputs(seed: int = 0) -> dict:
    key = jax.random.key(seed)
    k1, k2 = jax.random.split(key)
    inp = jax.random.randint(k1, (BATCH, HIST), 0, NUM_EMBEDDINGS, dtype=jnp.int32).astype(jnp.int64)
    # Embedding table for the local shard, N(0,1) init like torch.nn.Embedding reference distribution.
    weight = jax.random.normal(k2, (NUM_EMBEDDINGS, EMBEDDING_DIM), dtype=jnp.float32)
    return {"input": inp, "weight": weight}


def reference(input, weight):
    # Mask tokens outside this rank's vocab slice.
    mask = (input < VOCAB_START) | (input >= VOCAB_END)
    masked_input = jnp.where(mask, 0, input - VOCAB_START)
    # Local embedding lookup (gather).
    out = jnp.take(weight, masked_input, axis=0)
    # Zero out contributions for tokens owned by other ranks.
    out = jnp.where(mask[..., None], jnp.zeros((), dtype=out.dtype), out)
    # All-reduce across tensor-parallel group; identity for world_size=1.
    return out

if __name__ == "__main__":
    import jax
    _d = setup_inputs()
    print(jax.jit(kernel)(*tuple(_d.values())))

</pallas_src>

<mosaic_0001>
#map = affine_map<(d0, d1) -> (0, 0)>
#map1 = affine_map<(d0, d1) -> (0, 0, 0, 0, 0)>
module attributes {stable_mosaic.version = 14 : i64} {
  func.func @_sc_gather(%arg0: i32, %arg1: i32, %arg2: memref<1000000x64xf32, #tpu.memory_space<hbm>>, %arg3: memref<16384x50xi32, #tpu.memory_space<hbm>>, %arg4: memref<50x8x128x8x128xf32, #tpu.memory_space<hbm>>, %arg5: memref<512x50xi32, #tpu.memory_space<vmem>>, %arg6: memref<50x512xi32, #tpu.memory_space<vmem>>, %arg7: memref<2x128x64xf32, #tpu.memory_space<vmem>>, %arg8: memref<2x8x1x8x128xf32, #tpu.memory_space<vmem>>, %arg9: memref<!tpu.dma_semaphore, #tpu.memory_space<semaphore_mem>>, %arg10: memref<!tpu.dma_semaphore, #tpu.memory_space<semaphore_mem>>) attributes {dimension_semantics = [#tpu.dimension_semantics<core_parallel>, #tpu.dimension_semantics<subcore_parallel>], iteration_bounds = array<i64: 2, 16>, scalar_prefetch = 0 : i64, scratch_operands = 6 : i64, tpu.core_type = #tpu.core_type<sc_vector_subcore>, window_params = [{transform_indices = #map}, {transform_indices = #map}, {transform_indices = #map1}]} {
    %mul3A = arith.constant 2 : i32
    %mul3A_0 = arith.muli %arg1, %mul3A : i32
    %add3A = arith.addi %mul3A_0, %arg0 : i32
    %mul3A_1 = arith.constant 512 : i32
    %mul3A_2 = arith.muli %add3A, %mul3A_1 : i32
    "tpu.region"() ({
      %run_scoped3A = tpu.sem_alloc : memref<!tpu.dma_semaphore, #tpu.memory_space<semaphore_mem>>
      %dma_start3A_176 = arith.constant 0 : i32
      %dma_start3A_177 = tpu.memref_slice %arg3[%mul3A_2, %dma_start3A_176] : memref<16384x50xi32, #tpu.memory_space<hbm>> -> memref<512x50xi32, #tpu.memory_space<hbm>>
      %dma_start3A_178 = arith.constant 0 : i32
      %dma_start3A_179 = tpu.memref_slice %arg3[%mul3A_2, %dma_start3A_178] : memref<16384x50xi32, #tpu.memory_space<hbm>> -> memref<512x50xi32, #tpu.memory_space<hbm>>
      tpu.enqueue_dma source(%dma_start3A_179 : memref<512x50xi32, #tpu.memory_space<hbm>>) target(%arg5 : memref<512x50xi32, #tpu.memory_space<vmem>>) target_semaphore(%run_scoped3A : memref<!tpu.dma_semaphore, #tpu.memory_space<semaphore_mem>>)
      %dma_wait3A_180 = arith.constant 0 : i32
      %dma_wait3A_181 = tpu.memref_slice %arg3[%mul3A_2, %dma_wait3A_180] : memref<16384x50xi32, #tpu.memory_space<hbm>> -> memref<512x50xi32, #tpu.memory_space<hbm>>
      %dma_wait3A_182 = arith.constant 0 : i32
      %dma_wait3A_183 = tpu.memref_slice %arg3[%mul3A_2, %dma_wait3A_182] : memref<16384x50xi32, #tpu.memory_space<hbm>> -> memref<512x50xi32, #tpu.memory_space<hbm>>
      tpu.wait_dma2 semaphore(%run_scoped3A : memref<!tpu.dma_semaphore, #tpu.memory_space<semaphore_mem>>) src(%dma_wait3A_183 : memref<512x50xi32, #tpu.memory_space<hbm>>) dst(%arg5 : memref<512x50xi32, #tpu.memory_space<vmem>>)
      tpu.yield
    }) : () -> ()
    %iota3A = tpu.iota {dimensions = array<i32: 0>} : vector<16xi32>
    %add3A_3 = arith.constant 0 : i32
    %add3A_4 = vector.broadcast %add3A_3 : i32 to vector<16xi32>
    %add3A_5 = arith.addi %iota3A, %add3A_4 : vector<16xi32>
    %add3A_6 = arith.constant 16 : i32
    %add3A_7 = vector.broadcast %add3A_6 : i32 to vector<16xi32>
    %add3A_8 = arith.addi %iota3A, %add3A_7 : vector<16xi32>
    %add3A_9 = arith.constant 32 : i32
    %add3A_10 = vector.broadcast %add3A_9 : i32 to vector<16xi32>
    %add3A_11 = arith.addi %iota3A, %add3A_10 : vector<16xi32>
    %add3A_12 = arith.constant 48 : i32
    %add3A_13 = vector.broadcast %add3A_12 : i32 to vector<16xi32>
    %add3A_14 = arith.addi %iota3A, %add3A_13 : vector<16xi32>
    %add3A_15 = arith.constant 64 : i32
    %add3A_16 = vector.broadcast %add3A_15 : i32 to vector<16xi32>
    %add3A_17 = arith.addi %iota3A, %add3A_16 : vector<16xi32>
    %add3A_18 = arith.constant 80 : i32
    %add3A_19 = vector.broadcast %add3A_18 : i32 to vector<16xi32>
    %add3A_20 = arith.addi %iota3A, %add3A_19 : vector<16xi32>
    %add3A_21 = arith.constant 96 : i32
    %add3A_22 = vector.broadcast %add3A_21 : i32 to vector<16xi32>
    %add3A_23 = arith.addi %iota3A, %add3A_22 : vector<16xi32>
    %add3A_24 = arith.constant 112 : i32
    %add3A_25 = vector.broadcast %add3A_24 : i32 to vector<16xi32>
    %add3A_26 = arith.addi %iota3A, %add3A_25 : vector<16xi32>
    %add3A_27 = arith.constant 128 : i32
    %add3A_28 = vector.broadcast %add3A_27 : i32 to vector<16xi32>
    %add3A_29 = arith.addi %iota3A, %add3A_28 : vector<16xi32>
    %add3A_30 = arith.constant 144 : i32
    %add3A_31 = vector.broadcast %add3A_30 : i32 to vector<16xi32>
    %add3A_32 = arith.addi %iota3A, %add3A_31 : vector<16xi32>
    %add3A_33 = arith.constant 160 : i32
    %add3A_34 = vector.broadcast %add3A_33 : i32 to vector<16xi32>
    %add3A_35 = arith.addi %iota3A, %add3A_34 : vector<16xi32>
    %add3A_36 = arith.constant 176 : i32
    %add3A_37 = vector.broadcast %add3A_36 : i32 to vector<16xi32>
    %add3A_38 = arith.addi %iota3A, %add3A_37 : vector<16xi32>
    %add3A_39 = arith.constant 192 : i32
    %add3A_40 = vector.broadcast %add3A_39 : i32 to vector<16xi32>
    %add3A_41 = arith.addi %iota3A, %add3A_40 : vector<16xi32>
    %add3A_42 = arith.constant 208 : i32
    %add3A_43 = vector.broadcast %add3A_42 : i32 to vector<16xi32>
    %add3A_44 = arith.addi %iota3A, %add3A_43 : vector<16xi32>
    %add3A_45 = arith.constant 224 : i32
    %add3A_46 = vector.broadcast %add3A_45 : i32 to vector<16xi32>
    %add3A_47 = arith.addi %iota3A, %add3A_46 : vector<16xi32>
    %add3A_48 = arith.constant 240 : i32
    %add3A_49 = vector.broadcast %add3A_48 : i32 to vector<16xi32>
    %add3A_50 = arith.addi %iota3A, %add3A_49 : vector<16xi32>
    %add3A_51 = arith.constant 256 : i32
    %add3A_52 = vector.broadcast %add3A_51 : i32 to vector<16xi32>
    %add3A_53 = arith.addi %iota3A, %add3A_52 : vector<16xi32>
    %add3A_54 = arith.constant 272 : i32
    %add3A_55 = vector.broadcast %add3A_54 : i32 to vector<16xi32>
    %add3A_56 = arith.addi %iota3A, %add3A_55 : vector<16xi32>
    %add3A_57 = arith.constant 288 : i32
    %add3A_58 = vector.broadcast %add3A_57 : i32 to vector<16xi32>
    %add3A_59 = arith.addi %iota3A, %add3A_58 : vector<16xi32>
    %add3A_60 = arith.constant 304 : i32
    %add3A_61 = vector.broadcast %add3A_60 : i32 to vector<16xi32>
    %add3A_62 = arith.addi %iota3A, %add3A_61 : vector<16xi32>
    %add3A_63 = arith.constant 320 : i32
    %add3A_64 = vector.broadcast %add3A_63 : i32 to vector<16xi32>
    %add3A_65 = arith.addi %iota3A, %add3A_64 : vector<16xi32>
    %add3A_66 = arith.constant 336 : i32
    %add3A_67 = vector.broadcast %add3A_66 : i32 to vector<16xi32>
    %add3A_68 = arith.addi %iota3A, %add3A_67 : vector<16xi32>
    %add3A_69 = arith.constant 352 : i32
    %add3A_70 = vector.broadcast %add3A_69 : i32 to vector<16xi32>
    %add3A_71 = arith.addi %iota3A, %add3A_70 : vector<16xi32>
    %add3A_72 = arith.constant 368 : i32
    %add3A_73 = vector.broadcast %add3A_72 : i32 to vector<16xi32>
    %add3A_74 = arith.addi %iota3A, %add3A_73 : vector<16xi32>
    %add3A_75 = arith.constant 384 : i32
    %add3A_76 = vector.broadcast %add3A_75 : i32 to vector<16xi32>
    %add3A_77 = arith.addi %iota3A, %add3A_76 : vector<16xi32>
    %add3A_78 = arith.constant 400 : i32
    %add3A_79 = vector.broadcast %add3A_78 : i32 to vector<16xi32>
    %add3A_80 = arith.addi %iota3A, %add3A_79 : vector<16xi32>
    %add3A_81 = arith.constant 416 : i32
    %add3A_82 = vector.broadcast %add3A_81 : i32 to vector<16xi32>
    %add3A_83 = arith.addi %iota3A, %add3A_82 : vector<16xi32>
    %add3A_84 = arith.constant 432 : i32
    %add3A_85 = vector.broadcast %add3A_84 : i32 to vector<16xi32>
    %add3A_86 = arith.addi %iota3A, %add3A_85 : vector<16xi32>
    %add3A_87 = arith.constant 448 : i32
    %add3A_88 = vector.broadcast %add3A_87 : i32 to vector<16xi32>
    %add3A_89 = arith.addi %iota3A, %add3A_88 : vector<16xi32>
    %add3A_90 = arith.constant 464 : i32
    %add3A_91 = vector.broadcast %add3A_90 : i32 to vector<16xi32>
    %add3A_92 = arith.addi %iota3A, %add3A_91 : vector<16xi32>
    %add3A_93 = arith.constant 480 : i32
    %add3A_94 = vector.broadcast %add3A_93 : i32 to vector<16xi32>
    %add3A_95 = arith.addi %iota3A, %add3A_94 : vector<16xi32>
    %add3A_96 = arith.constant 496 : i32
    %add3A_97 = vector.broadcast %add3A_96 : i32 to vector<16xi32>
    %add3A_98 = arith.addi %iota3A, %add3A_97 : vector<16xi32>
    %scan3A = arith.constant 0 : i32
    %scan3A_99 = arith.constant 0 : i32
    %scan3A_100 = arith.constant 50 : i32
    %scan3A_101 = arith.addi %scan3A_99, %scan3A_100 : i32
    %scan3A_102 = arith.constant 1 : i32
    scf.for %scan3A_176 = %scan3A_99 to %scan3A_101 step %scan3A_102  : i32 {
      %broadcast_in_dim3A = vector.broadcast %scan3A_176 : i32 to vector<16xi32>
      %gather3A = tpu.vector_load_idx %arg5[%add3A_5, %broadcast_in_dim3A] : memref<512x50xi32, #tpu.memory_space<vmem>>[vector<16xi32>, vector<16xi32>], vector<16xi32>,
      %swap3A = arith.index_cast %scan3A_176 : i32 to index
      %swap3A_177 = arith.constant 0 : index
      %swap3A_178 = tpu.vector_load %arg6[%swap3A, %swap3A_177] {strides = array<i32>} : memref<50x512xi32, #tpu.memory_space<vmem>>, vector<16xi32>,
      tpu.vector_store %arg6[%swap3A, %swap3A_177], %gather3A {strides = array<i32>} : memref<50x512xi32, #tpu.memory_space<vmem>>, vector<16xi32>,
      %gather3A_179 = tpu.vector_load_idx %arg5[%add3A_8, %broadcast_in_dim3A] : memref<512x50xi32, #tpu.memory_space<vmem>>[vector<16xi32>, vector<16xi32>], vector<16xi32>,
      %swap3A_180 = arith.index_cast %scan3A_176 : i32 to index
      %swap3A_181 = arith.constant 16 : index
      %swap3A_182 = tpu.vector_load %arg6[%swap3A_180, %swap3A_181] {strides = array<i32>} : memref<50x512xi32, #tpu.memory_space<vmem>>, vector<16xi32>,
      tpu.vector_store %arg6[%swap3A_180, %swap3A_181], %gather3A_179 {strides = array<i32>} : memref<50x512xi32, #tpu.memory_space<vmem>>, vector<16xi32>,
      %gather3A_183 = tpu.vector_load_idx %arg5[%add3A_11, %broadcast_in_dim3A] : memref<512x50xi32, #tpu.memory_space<vmem>>[vector<16xi32>, vector<16xi32>], vector<16xi32>,
      %swap3A_184 = arith.index_cast %scan3A_176 : i32 to index
      %swap3A_185 = arith.constant 32 : index
      %swap3A_186 = tpu.vector_load %arg6[%swap3A_184, %swap3A_185] {strides = array<i32>} : memref<50x512xi32, #tpu.memory_space<vmem>>, vector<16xi32>,
      tpu.vector_store %arg6[%swap3A_184, %swap3A_185], %gather3A_183 {strides = array<i32>} : memref<50x512xi32, #tpu.memory_space<vmem>>, vector<16xi32>,
      %gather3A_187 = tpu.vector_load_idx %arg5[%add3A_14, %broadcast_in_dim3A] : memref<512x50xi32, #tpu.memory_space<vmem>>[vector<16xi32>, vector<16xi32>], vector<16xi32>,
      %swap3A_188 = arith.index_cast %scan3A_176 : i32 to index
      %swap3A_189 = arith.constant 48 : index
      %swap3A_190 = tpu.vector_load %arg6[%swap3A_188, %swap3A_189] {strides = array<i32>} : memref<50x512xi32, #tpu.memory_space<vmem>>, vector<16xi32>,
      tpu.vector_store %arg6[%swap3A_188, %swap3A_189], %gather3A_187 {strides = array<i32>} : memref<50x512xi32, #tpu.memory_space<vmem>>, vector<16xi32>,
      %gather3A_191 = tpu.vector_load_idx %arg5[%add3A_17, %broadcast_in_dim3A] : memref<512x50xi32, #tpu.memory_space<vmem>>[vector<16xi32>, vector<16xi32>], vector<16xi32>,
      %swap3A_192 = arith.index_cast %scan3A_176 : i32 to index
      %swap3A_193 = arith.constant 64 : index
      %swap3A_194 = tpu.vector_load %arg6[%swap3A_192, %swap3A_193] {strides = array<i32>} : memref<50x512xi32, #tpu.memory_space<vmem>>, vector<16xi32>,
      tpu.vector_store %arg6[%swap3A_192, %swap3A_193], %gather3A_191 {strides = array<i32>} : memref<50x512xi32, #tpu.memory_space<vmem>>, vector<16xi32>,
      %gather3A_195 = tpu.vector_load_idx %arg5[%add3A_20, %broadcast_in_dim3A] : memref<512x50xi32, #tpu.memory_space<vmem>>[vector<16xi32>, vector<16xi32>], vector<16xi32>,
      %swap3A_196 = arith.index_cast %scan3A_176 : i32 to index
      %swap3A_197 = arith.constant 80 : index
      %swap3A_198 = tpu.vector_load %arg6[%swap3A_196, %swap3A_197] {strides = array<i32>} : memref<50x512xi32, #tpu.memory_space<vmem>>, vector<16xi32>,
      tpu.vector_store %arg6[%swap3A_196, %swap3A_197], %gather3A_195 {strides = array<i32>} : memref<50x512xi32, #tpu.memory_space<vmem>>, vector<16xi32>,
      %gather3A_199 = tpu.vector_load_idx %arg5[%add3A_23, %broadcast_in_dim3A] : memref<512x50xi32, #tpu.memory_space<vmem>>[vector<16xi32>, vector<16xi32>], vector<16xi32>,
      %swap3A_200 = arith.index_cast %scan3A_176 : i32 to index
      %swap3A_201 = arith.constant 96 : index
      %swap3A_202 = tpu.vector_load %arg6[%swap3A_200, %swap3A_201] {strides = array<i32>} : memref<50x512xi32, #tpu.memory_space<vmem>>, vector<16xi32>,
      tpu.vector_store %arg6[%swap3A_200, %swap3A_201], %gather3A_199 {strides = array<i32>} : memref<50x512xi32, #tpu.memory_space<vmem>>, vector<16xi32>,
      %gather3A_203 = tpu.vector_load_idx %arg5[%add3A_26, %broadcast_in_dim3A] : memref<512x50xi32, #tpu.memory_space<vmem>>[vector<16xi32>, vector<16xi32>], vector<16xi32>,
      %swap3A_204 = arith.index_cast %scan3A_176 : i32 to index
      %swap3A_205 = arith.constant 112 : index
      %swap3A_206 = tpu.vector_load %arg6[%swap3A_204, %swap3A_205] {strides = array<i32>} : memref<50x512xi32, #tpu.memory_space<vmem>>, vector<16xi32>,
      tpu.vector_store %arg6[%swap3A_204, %swap3A_205], %gather3A_203 {strides = array<i32>} : memref<50x512xi32, #tpu.memory_space<vmem>>, vector<16xi32>,
      %gather3A_207 = tpu.vector_load_idx %arg5[%add3A_29, %broadcast_in_dim3A] : memref<512x50xi32, #tpu.memory_space<vmem>>[vector<16xi32>, vector<16xi32>], vector<16xi32>,
      %swap3A_208 = arith.index_cast %scan3A_176 : i32 to index
      %swap3A_209 = arith.constant 128 : index
      %swap3A_210 = tpu.vector_load %arg6[%swap3A_208, %swap3A_209] {strides = array<i32>} : memref<50x512xi32, #tpu.memory_space<vmem>>, vector<16xi32>,
      tpu.vector_store %arg6[%swap3A_208, %swap3A_209], %gather3A_207 {strides = array<i32>} : memref<50x512xi32, #tpu.memory_space<vmem>>, vector<16xi32>,
      %gather3A_211 = tpu.vector_load_idx %arg5[%add3A_32, %broadcast_in_dim3A] : memref<512x50xi32, #tpu.memory_space<vmem>>[vector<16xi32>, vector<16xi32>], vector<16xi32>,
      %swap3A_212 = arith.index_cast %scan3A_176 : i32 to index
      %swap3A_213 = arith.constant 144 : index
      %swap3A_214 = tpu.vector_load %arg6[%swap3A_212, %swap3A_213] {strides = array<i32>} : memref<50x512xi32, #tpu.memory_space<vmem>>, vector<16xi32>,
      tpu.vector_store %arg6[%swap3A_212, %swap3A_213], %gather3A_211 {strides = array<i32>} : memref<50x512xi32, #tpu.memory_space<vmem>>, vector<16xi32>,
      %gather3A_215 = tpu.vector_load_idx %arg5[%add3A_35, %broadcast_in_dim3A] : memref<512x50xi32, #tpu.memory_space<vmem>>[vector<16xi32>, vector<16xi32>], vector<16xi32>,
      %swap3A_216 = arith.index_cast %scan3A_176 : i32 to index
      %swap3A_217 = arith.constant 160 : index
      %swap3A_218 = tpu.vector_load %arg6[%swap3A_216, %swap3A_217] {strides = array<i32>} : memref<50x512xi32, #tpu.memory_space<vmem>>, vector<16xi32>,
      tpu.vector_store %arg6[%swap3A_216, %swap3A_217], %gather3A_215 {strides = array<i32>} : memref<50x512xi32, #tpu.memory_space<vmem>>, vector<16xi32>,
      %gather3A_219 = tpu.vector_load_idx %arg5[%add3A_38, %broadcast_in_dim3A] : memref<512x50xi32, #tpu.memory_space<vmem>>[vector<16xi32>, vector<16xi32>], vector<16xi32>,
      %swap3A_220 = arith.index_cast %scan3A_176 : i32 to index
      %swap3A_221 = arith.constant 176 : index
      %swap3A_222 = tpu.vector_load %arg6[%swap3A_220, %swap3A_221] {strides = array<i32>} : memref<50x512xi32, #tpu.memory_space<vmem>>, vector<16xi32>,
      tpu.vector_store %arg6[%swap3A_220, %swap3A_221], %gather3A_219 {strides = array<i32>} : memref<50x512xi32, #tpu.memory_space<vmem>>, vector<16xi32>,
      %gather3A_223 = tpu.vector_load_idx %arg5[%add3A_41, %broadcast_in_dim3A] : memref<512x50xi32, #tpu.memory_space<vmem>>[vector<16xi32>, vector<16xi32>], vector<16xi32>,
      %swap3A_224 = arith.index_cast %scan3A_176 : i32 to index
      %swap3A_225 = arith.constant 192 : index
      %swap3A_226 = tpu.vector_load %arg6[%swap3A_224, %swap3A_225] {strides = array<i32>} : memref<50x512xi32, #tpu.memory_space<vmem>>, vector<16xi32>,
      tpu.vector_store %arg6[%swap3A_224, %swap3A_225], %gather3A_223 {strides = array<i32>} : memref<50x512xi32, #tpu.memory_space<vmem>>, vector<16xi32>,
      %gather3A_227 = tpu.vector_load_idx %arg5[%add3A_44, %broadcast_in_dim3A] : memref<512x50xi32, #tpu.memory_space<vmem>>[vector<16xi32>, vector<16xi32>], vector<16xi32>,
      %swap3A_228 = arith.index_cast %scan3A_176 : i32 to index
      %swap3A_229 = arith.constant 208 : index
      %swap3A_230 = tpu.vector_load %arg6[%swap3A_228, %swap3A_229] {strides = array<i32>} : memref<50x512xi32, #tpu.memory_space<vmem>>, vector<16xi32>,
      tpu.vector_store %arg6[%swap3A_228, %swap3A_229], %gather3A_227 {strides = array<i32>} : memref<50x512xi32, #tpu.memory_space<vmem>>, vector<16xi32>,
      %gather3A_231 = tpu.vector_load_idx %arg5[%add3A_47, %broadcast_in_dim3A] : memref<512x50xi32, #tpu.memory_space<vmem>>[vector<16xi32>, vector<16xi32>], vector<16xi32>,
      %swap3A_232 = arith.index_cast %scan3A_176 : i32 to index
      %swap3A_233 = arith.constant 224 : index
      %swap3A_234 = tpu.vector_load %arg6[%swap3A_232, %swap3A_233] {strides = array<i32>} : memref<50x512xi32, #tpu.memory_space<vmem>>, vector<16xi32>,
      tpu.vector_store %arg6[%swap3A_232, %swap3A_233], %gather3A_231 {strides = array<i32>} : memref<50x512xi32, #tpu.memory_space<vmem>>, vector<16xi32>,
      %gather3A_235 = tpu.vector_load_idx %arg5[%add3A_50, %broadcast_in_dim3A] : memref<512x50xi32, #tpu.memory_space<vmem>>[vector<16xi32>, vector<16xi32>], vector<16xi32>,
      %swap3A_236 = arith.index_cast %scan3A_176 : i32 to index
      %swap3A_237 = arith.constant 240 : index
      %swap3A_238 = tpu.vector_load %arg6[%swap3A_236, %swap3A_237] {strides = array<i32>} : memref<50x512xi32, #tpu.memory_space<vmem>>, vector<16xi32>,
      tpu.vector_store %arg6[%swap3A_236, %swap3A_237], %gather3A_235 {strides = array<i32>} : memref<50x512xi32, #tpu.memory_space<vmem>>, vector<16xi32>,
      %gather3A_239 = tpu.vector_load_idx %arg5[%add3A_53, %broadcast_in_dim3A] : memref<512x50xi32, #tpu.memory_space<vmem>>[vector<16xi32>, vector<16xi32>], vector<16xi32>,
      %swap3A_240 = arith.index_cast %scan3A_176 : i32 to index
      %swap3A_241 = arith.constant 256 : index
      %swap3A_242 = tpu.vector_load %arg6[%swap3A_240, %swap3A_241] {strides = array<i32>} : memref<50x512xi32, #tpu.memory_space<vmem>>, vector<16xi32>,
      tpu.vector_store %arg6[%swap3A_240, %swap3A_241], %gather3A_239 {strides = array<i32>} : memref<50x512xi32, #tpu.memory_space<vmem>>, vector<16xi32>,
      %gather3A_243 = tpu.vector_load_idx %arg5[%add3A_56, %broadcast_in_dim3A] : memref<512x50xi32, #tpu.memory_space<vmem>>[vector<16xi32>, vector<16xi32>], vector<16xi32>,
      %swap3A_244 = arith.index_cast %scan3A_176 : i32 to index
      %swap3A_245 = arith.constant 272 : index
      %swap3A_246 = tpu.vector_load %arg6[%swap3A_244, %swap3A_245] {strides = array<i32>} : memref<50x512xi32, #tpu.memory_space<vmem>>, vector<16xi32>,
      tpu.vector_store %arg6[%swap3A_244, %swap3A_245], %gather3A_243 {strides = array<i32>} : memref<50x512xi32, #tpu.memory_space<vmem>>, vector<16xi32>,
      %gather3A_247 = tpu.vector_load_idx %arg5[%add3A_59, %broadcast_in_dim3A] : memref<512x50xi32, #tpu.memory_space<vmem>>[vector<16xi32>, vector<16xi32>], vector<16xi32>,
      %swap3A_248 = arith.index_cast %scan3A_176 : i32 to index
      %swap3A_249 = arith.constant 288 : index
      %swap3A_250 = tpu.vector_load %arg6[%swap3A_248, %swap3A_249] {strides = array<i32>} : memref<50x512xi32, #tpu.memory_space<vmem>>, vector<16xi32>,
      tpu.vector_store %arg6[%swap3A_248, %swap3A_249], %gather3A_247 {strides = array<i32>} : memref<50x512xi32, #tpu.memory_space<vmem>>, vector<16xi32>,
      %gather3A_251 = tpu.vector_load_idx %arg5[%add3A_62, %broadcast_in_dim3A] : memref<512x50xi32, #tpu.memory_space<vmem>>[vector<16xi32>, vector<16xi32>], vector<16xi32>,
      %swap3A_252 = arith.index_cast %scan3A_176 : i32 to index
      %swap3A_253 = arith.constant 304 : index
      %swap3A_254 = tpu.vector_load %arg6[%swap3A_252, %swap3A_253] {strides = array<i32>} : memref<50x512xi32, #tpu.memory_space<vmem>>, vector<16xi32>,
      tpu.vector_store %arg6[%swap3A_252, %swap3A_253], %gather3A_251 {strides = array<i32>} : memref<50x512xi32, #tpu.memory_space<vmem>>, vector<16xi32>,
      %gather3A_255 = tpu.vector_load_idx %arg5[%add3A_65, %broadcast_in_dim3A] : memref<512x50xi32, #tpu.memory_space<vmem>>[vector<16xi32>, vector<16xi32>], vector<16xi32>,
      %swap3A_256 = arith.index_cast %scan3A_176 : i32 to index
      %swap3A_257 = arith.constant 320 : index
      %swap3A_258 = tpu.vector_load %arg6[%swap3A_256, %swap3A_257] {strides = array<i32>} : memref<50x512xi32, #tpu.memory_space<vmem>>, vector<16xi32>,
      tpu.vector_store %arg6[%swap3A_256, %swap3A_257], %gather3A_255 {strides = array<i32>} : memref<50x512xi32, #tpu.memory_space<vmem>>, vector<16xi32>,
      %gather3A_259 = tpu.vector_load_idx %arg5[%add3A_68, %broadcast_in_dim3A] : memref<512x50xi32, #tpu.memory_space<vmem>>[vector<16xi32>, vector<16xi32>], vector<16xi32>,
      %swap3A_260 = arith.index_cast %scan3A_176 : i32 to index
      %swap3A_261 = arith.constant 336 : index
      %swap3A_262 = tpu.vector_load %arg6[%swap3A_260, %swap3A_261] {strides = array<i32>} : memref<50x512xi32, #tpu.memory_space<vmem>>, vector<16xi32>,
      tpu.vector_store %arg6[%swap3A_260, %swap3A_261], %gather3A_259 {strides = array<i32>} : memref<50x512xi32, #tpu.memory_space<vmem>>, vector<16xi32>,
      %gather3A_263 = tpu.vector_load_idx %arg5[%add3A_71, %broadcast_in_dim3A] : memref<512x50xi32, #tpu.memory_space<vmem>>[vector<16xi32>, vector<16xi32>], vector<16xi32>,
      %swap3A_264 = arith.index_cast %scan3A_176 : i32 to index
      %swap3A_265 = arith.constant 352 : index
      %swap3A_266 = tpu.vector_load %arg6[%swap3A_264, %swap3A_265] {strides = array<i32>} : memref<50x512xi32, #tpu.memory_space<vmem>>, vector<16xi32>,
      tpu.vector_store %arg6[%swap3A_264, %swap3A_265], %gather3A_263 {strides = array<i32>} : memref<50x512xi32, #tpu.memory_space<vmem>>, vector<16xi32>,
      %gather3A_267 = tpu.vector_load_idx %arg5[%add3A_74, %broadcast_in_dim3A] : memref<512x50xi32, #tpu.memory_space<vmem>>[vector<16xi32>, vector<16xi32>], vector<16xi32>,
      %swap3A_268 = arith.index_cast %scan3A_176 : i32 to index
      %swap3A_269 = arith.constant 368 : index
      %swap3A_270 = tpu.vector_load %arg6[%swap3A_268, %swap3A_269] {strides = array<i32>} : memref<50x512xi32, #tpu.memory_space<vmem>>, vector<16xi32>,
      tpu.vector_store %arg6[%swap3A_268, %swap3A_269], %gather3A_267 {strides = array<i32>} : memref<50x512xi32, #tpu.memory_space<vmem>>, vector<16xi32>,
      %gather3A_271 = tpu.vector_load_idx %arg5[%add3A_77, %broadcast_in_dim3A] : memref<512x50xi32, #tpu.memory_space<vmem>>[vector<16xi32>, vector<16xi32>], vector<16xi32>,
      %swap3A_272 = arith.index_cast %scan3A_176 : i32 to index
      %swap3A_273 = arith.constant 384 : index
      %swap3A_274 = tpu.vector_load %arg6[%swap3A_272, %swap3A_273] {strides = array<i32>} : memref<50x512xi32, #tpu.memory_space<vmem>>, vector<16xi32>,
      tpu.vector_store %arg6[%swap3A_272, %swap3A_273], %gather3A_271 {strides = array<i32>} : memref<50x512xi32, #tpu.memory_space<vmem>>, vector<16xi32>,
      %gather3A_275 = tpu.vector_load_idx %arg5[%add3A_80, %broadcast_in_dim3A] : memref<512x50xi32, #tpu.memory_space<vmem>>[vector<16xi32>, vector<16xi32>], vector<16xi32>,
      %swap3A_276 = arith.index_cast %scan3A_176 : i32 to index
      %swap3A_277 = arith.constant 400 : index
      %swap3A_278 = tpu.vector_load %arg6[%swap3A_276, %swap3A_277] {strides = array<i32>} : memref<50x512xi32, #tpu.memory_space<vmem>>, vector<16xi32>,
      tpu.vector_store %arg6[%swap3A_276, %swap3A_277], %gather3A_275 {strides = array<i32>} : memref<50x512xi32, #tpu.memory_space<vmem>>, vector<16xi32>,
      %gather3A_279 = tpu.vector_load_idx %arg5[%add3A_83, %broadcast_in_dim3A] : memref<512x50xi32, #tpu.memory_space<vmem>>[vector<16xi32>, vector<16xi32>], vector<16xi32>,
      %swap3A_280 = arith.index_cast %scan3A_176 : i32 to index
      %swap3A_281 = arith.constant 416 : index
      %swap3A_282 = tpu.vector_load %arg6[%swap3A_280, %swap3A_281] {strides = array<i32>} : memref<50x512xi32, #tpu.memory_space<vmem>>, vector<16xi32>,
      tpu.vector_store %arg6[%swap3A_280, %swap3A_281], %gather3A_279 {strides = array<i32>} : memref<50x512xi32, #tpu.memory_space<vmem>>, vector<16xi32>,
      %gather3A_283 = tpu.vector_load_idx %arg5[%add3A_86, %broadcast_in_dim3A] : memref<512x50xi32, #tpu.memory_space<vmem>>[vector<16xi32>, vector<16xi32>], vector<16xi32>,
      %swap3A_284 = arith.index_cast %scan3A_176 : i32 to index
      %swap3A_285 = arith.constant 432 : index
      %swap3A_286 = tpu.vector_load %arg6[%swap3A_284, %swap3A_285] {strides = array<i32>} : memref<50x512xi32, #tpu.memory_space<vmem>>, vector<16xi32>,
      tpu.vector_store %arg6[%swap3A_284, %swap3A_285], %gather3A_283 {strides = array<i32>} : memref<50x512xi32, #tpu.memory_space<vmem>>, vector<16xi32>,
      %gather3A_287 = tpu.vector_load_idx %arg5[%add3A_89, %broadcast_in_dim3A] : memref<512x50xi32, #tpu.memory_space<vmem>>[vector<16xi32>, vector<16xi32>], vector<16xi32>,
      %swap3A_288 = arith.index_cast %scan3A_176 : i32 to index
      %swap3A_289 = arith.constant 448 : index
      %swap3A_290 = tpu.vector_load %arg6[%swap3A_288, %swap3A_289] {strides = array<i32>} : memref<50x512xi32, #tpu.memory_space<vmem>>, vector<16xi32>,
      tpu.vector_store %arg6[%swap3A_288, %swap3A_289], %gather3A_287 {strides = array<i32>} : memref<50x512xi32, #tpu.memory_space<vmem>>, vector<16xi32>,
      %gather3A_291 = tpu.vector_load_idx %arg5[%add3A_92, %broadcast_in_dim3A] : memref<512x50xi32, #tpu.memory_space<vmem>>[vector<16xi32>, vector<16xi32>], vector<16xi32>,
      %swap3A_292 = arith.index_cast %scan3A_176 : i32 to index
      %swap3A_293 = arith.constant 464 : index
      %swap3A_294 = tpu.vector_load %arg6[%swap3A_292, %swap3A_293] {strides = array<i32>} : memref<50x512xi32, #tpu.memory_space<vmem>>, vector<16xi32>,
      tpu.vector_store %arg6[%swap3A_292, %swap3A_293], %gather3A_291 {strides = array<i32>} : memref<50x512xi32, #tpu.memory_space<vmem>>, vector<16xi32>,
      %gather3A_295 = tpu.vector_load_idx %arg5[%add3A_95, %broadcast_in_dim3A] : memref<512x50xi32, #tpu.memory_space<vmem>>[vector<16xi32>, vector<16xi32>], vector<16xi32>,
      %swap3A_296 = arith.index_cast %scan3A_176 : i32 to index
      %swap3A_297 = arith.constant 480 : index
      %swap3A_298 = tpu.vector_load %arg6[%swap3A_296, %swap3A_297] {strides = array<i32>} : memref<50x512xi32, #tpu.memory_space<vmem>>, vector<16xi32>,
      tpu.vector_store %arg6[%swap3A_296, %swap3A_297], %gather3A_295 {strides = array<i32>} : memref<50x512xi32, #tpu.memory_space<vmem>>, vector<16xi32>,
      %gather3A_299 = tpu.vector_load_idx %arg5[%add3A_98, %broadcast_in_dim3A] : memref<512x50xi32, #tpu.memory_space<vmem>>[vector<16xi32>, vector<16xi32>], vector<16xi32>,
      %swap3A_300 = arith.index_cast %scan3A_176 : i32 to index
      %swap3A_301 = arith.constant 496 : index
      %swap3A_302 = tpu.vector_load %arg6[%swap3A_300, %swap3A_301] {strides = array<i32>} : memref<50x512xi32, #tpu.memory_space<vmem>>, vector<16xi32>,
      tpu.vector_store %arg6[%swap3A_300, %swap3A_301], %gather3A_299 {strides = array<i32>} : memref<50x512xi32, #tpu.memory_space<vmem>>, vector<16xi32>,
    }
    %scan3A_103 = arith.constant 50 : i32
    %dma_start3A = arith.constant 0 : i32
    %dma_start3A_104 = arith.constant 0 : i32
    %dma_start3A_105 = arith.constant 0 : i32
    %dma_start3A_106 = arith.constant 0 : i32
    %dma_start3A_107 = tpu.memref_slice %arg7[%dma_start3A_104, %dma_start3A_105, %dma_start3A_106] : memref<2x128x64xf32, #tpu.memory_space<vmem>> -> memref<1x128x64xf32, #tpu.memory_space<vmem>>
    %dma_start3A_108 = tpu.memref_squeeze %dma_start3A_107 : memref<1x128x64xf32, #tpu.memory_space<vmem>> -> memref<128x64xf32, #tpu.memory_space<vmem>>
    %dma_start3A_109 = arith.constant 0 : i32
    %dma_start3A_110 = tpu.memref_slice %arg6[%dma_start3A, %dma_start3A_109] : memref<50x512xi32, #tpu.memory_space<vmem>> -> memref<1x128xi32, #tpu.memory_space<vmem>>
    %dma_start3A_111 = tpu.memref_squeeze %dma_start3A_110 : memref<1x128xi32, #tpu.memory_space<vmem>> -> memref<128xi32, #tpu.memory_space<vmem>>
    %dma_start3A_112 = arith.constant 0 : i32
    %dma_start3A_113 = arith.constant 0 : i32
    %dma_start3A_114 = tpu.memref_slice %arg2[%dma_start3A_112, %dma_start3A_113] : memref<1000000x64xf32, #tpu.memory_space<hbm>> -> memref<1000000x64xf32, #tpu.memory_space<hbm>>
    tpu.enqueue_indirect_dma source(%dma_start3A_114 : memref<1000000x64xf32, #tpu.memory_space<hbm>>) target(%dma_start3A_108 : memref<128x64xf32, #tpu.memory_space<vmem>>) offsets(%dma_start3A_111 : memref<128xi32, #tpu.memory_space<vmem>>) semaphore(%arg9 : memref<!tpu.dma_semaphore, #tpu.memory_space<semaphore_mem>>)
    %scan3A_115 = arith.constant 0 : i32
    %scan3A_116 = arith.constant 0 : i32
    %scan3A_117 = arith.constant 100 : i32
    %scan3A_118 = arith.addi %scan3A_116, %scan3A_117 : i32
    %scan3A_119 = arith.constant 1 : i32
    scf.for %scan3A_176 = %scan3A_116 to %scan3A_118 step %scan3A_119  : i32 {
      %mul3A_177 = arith.constant 2 : i32
      %mul3A_178 = arith.muli %mul3A_177, %scan3A_176 : i32
      %add3A_179 = arith.constant 1 : i32
      %add3A_180 = arith.addi %mul3A_178, %add3A_179 : i32
      %jit3A = arith.constant 4 : i32
      %div3A = arith.divsi %mul3A_178, %jit3A : i32
      %sign3A = arith.constant 0 : i32
      %sign3A_181 = arith.cmpi sgt, %mul3A_178, %sign3A : i32
      %sign3A_182 = arith.extui %sign3A_181 : i1 to i32
      %sign3A_183 = arith.constant 0 : i32
      %sign3A_184 = arith.cmpi slt, %mul3A_178, %sign3A_183 : i32
      %sign3A_185 = arith.extui %sign3A_184 : i1 to i32
      %sign3A_186 = arith.subi %sign3A_182, %sign3A_185 : i32
      %sign3A_187 = arith.constant 0 : i32
      %sign3A_188 = arith.cmpi sgt, %jit3A, %sign3A_187 : i32
      %sign3A_189 = arith.extui %sign3A_188 : i1 to i32
      %sign3A_190 = arith.constant 0 : i32
      %sign3A_191 = arith.cmpi slt, %jit3A, %sign3A_190 : i32
      %sign3A_192 = arith.extui %sign3A_191 : i1 to i32
      %sign3A_193 = arith.subi %sign3A_189, %sign3A_192 : i32
      %ne3A = arith.cmpi ne, %sign3A_186, %sign3A_193 : i32
      %rem3A = arith.remsi %mul3A_178, %jit3A : i32
      %ne3A_194 = arith.constant 0 : i32
      %ne3A_195 = arith.cmpi ne, %rem3A, %ne3A_194 : i32
      %and3A = arith.andi %ne3A, %ne3A_195 : i1
      %sub3A = arith.constant 1 : i32
      %sub3A_196 = arith.subi %div3A, %sub3A : i32
      %select_n3A = arith.select %and3A, %sub3A_196, %div3A : i32
      %mul3A_197 = arith.constant 4 : i32
      %mul3A_198 = arith.muli %select_n3A, %mul3A_197 : i32
      %sub3A_199 = arith.subi %mul3A_178, %mul3A_198 : i32
      %mul3A_200 = arith.constant 128 : i32
      %mul3A_201 = arith.muli %sub3A_199, %mul3A_200 : i32
      %dma_wait3A_202 = arith.constant 0 : i32
      %dma_wait3A_203 = arith.constant 0 : i32
      %dma_wait3A_204 = arith.constant 0 : i32
      %dma_wait3A_205 = tpu.memref_slice %arg7[%dma_wait3A_202, %dma_wait3A_203, %dma_wait3A_204] : memref<2x128x64xf32, #tpu.memory_space<vmem>> -> memref<1x128x64xf32, #tpu.memory_space<vmem>>
      %dma_wait3A_206 = tpu.memref_squeeze %dma_wait3A_205 : memref<1x128x64xf32, #tpu.memory_space<vmem>> -> memref<128x64xf32, #tpu.memory_space<vmem>>
      %dma_wait3A_207 = tpu.memref_slice %arg6[%select_n3A, %mul3A_201] : memref<50x512xi32, #tpu.memory_space<vmem>> -> memref<1x128xi32, #tpu.memory_space<vmem>>
      %dma_wait3A_208 = tpu.memref_squeeze %dma_wait3A_207 : memref<1x128xi32, #tpu.memory_space<vmem>> -> memref<128xi32, #tpu.memory_space<vmem>>
      %dma_wait3A_209 = arith.constant 0 : i32
      %dma_wait3A_210 = arith.constant 0 : i32
      %dma_wait3A_211 = tpu.memref_slice %arg2[%dma_wait3A_209, %dma_wait3A_210] : memref<1000000x64xf32, #tpu.memory_space<hbm>> -> memref<1000000x64xf32, #tpu.memory_space<hbm>>
      tpu.wait_indirect_dma semaphore(%arg9 : memref<!tpu.dma_semaphore, #tpu.memory_space<semaphore_mem>>) src(%dma_wait3A_211 : memref<1000000x64xf32, #tpu.memory_space<hbm>>) dst(%dma_wait3A_206 : memref<128x64xf32, #tpu.memory_space<vmem>>)
      %jit3A_212 = arith.constant 4 : i32
      %div3A_213 = arith.divsi %add3A_180, %jit3A_212 : i32
      %sign3A_214 = arith.constant 0 : i32
      %sign3A_215 = arith.cmpi sgt, %add3A_180, %sign3A_214 : i32
      %sign3A_216 = arith.extui %sign3A_215 : i1 to i32
      %sign3A_217 = arith.constant 0 : i32
      %sign3A_218 = arith.cmpi slt, %add3A_180, %sign3A_217 : i32
      %sign3A_219 = arith.extui %sign3A_218 : i1 to i32
      %sign3A_220 = arith.subi %sign3A_216, %sign3A_219 : i32
      %sign3A_221 = arith.constant 0 : i32
      %sign3A_222 = arith.cmpi sgt, %jit3A_212, %sign3A_221 : i32
      %sign3A_223 = arith.extui %sign3A_222 : i1 to i32
      %sign3A_224 = arith.constant 0 : i32
      %sign3A_225 = arith.cmpi slt, %jit3A_212, %sign3A_224 : i32
      %sign3A_226 = arith.extui %sign3A_225 : i1 to i32
      %sign3A_227 = arith.subi %sign3A_223, %sign3A_226 : i32
      %ne3A_228 = arith.cmpi ne, %sign3A_220, %sign3A_227 : i32
      %rem3A_229 = arith.remsi %add3A_180, %jit3A_212 : i32
      %ne3A_230 = arith.constant 0 : i32
      %ne3A_231 = arith.cmpi ne, %rem3A_229, %ne3A_230 : i32
      %and3A_232 = arith.andi %ne3A_228, %ne3A_231 : i1
      %sub3A_233 = arith.constant 1 : i32
      %sub3A_234 = arith.subi %div3A_213, %sub3A_233 : i32
      %select_n3A_235 = arith.select %and3A_232, %sub3A_234, %div3A_213 : i32
      %mul3A_236 = arith.constant 4 : i32
      %mul3A_237 = arith.muli %select_n3A_235, %mul3A_236 : i32
      %sub3A_238 = arith.subi %add3A_180, %mul3A_237 : i32
      %mul3A_239 = arith.constant 128 : i32
      %mul3A_240 = arith.muli %sub3A_238, %mul3A_239 : i32
      %dma_start3A_241 = arith.constant 1 : i32
      %dma_start3A_242 = arith.constant 0 : i32
      %dma_start3A_243 = arith.constant 0 : i32
      %dma_start3A_244 = tpu.memref_slice %arg7[%dma_start3A_241, %dma_start3A_242, %dma_start3A_243] : memref<2x128x64xf32, #tpu.memory_space<vmem>> -> memref<1x128x64xf32, #tpu.memory_space<vmem>>
      %dma_start3A_245 = tpu.memref_squeeze %dma_start3A_244 : memref<1x128x64xf32, #tpu.memory_space<vmem>> -> memref<128x64xf32, #tpu.memory_space<vmem>>
      %dma_start3A_246 = tpu.memref_slice %arg6[%select_n3A_235, %mul3A_240] : memref<50x512xi32, #tpu.memory_space<vmem>> -> memref<1x128xi32, #tpu.memory_space<vmem>>
      %dma_start3A_247 = tpu.memref_squeeze %dma_start3A_246 : memref<1x128xi32, #tpu.memory_space<vmem>> -> memref<128xi32, #tpu.memory_space<vmem>>
      %dma_start3A_248 = arith.constant 0 : i32
      %dma_start3A_249 = arith.constant 0 : i32
      %dma_start3A_250 = tpu.memref_slice %arg2[%dma_start3A_248, %dma_start3A_249] : memref<1000000x64xf32, #tpu.memory_space<hbm>> -> memref<1000000x64xf32, #tpu.memory_space<hbm>>
      tpu.enqueue_indirect_dma source(%dma_start3A_250 : memref<1000000x64xf32, #tpu.memory_space<hbm>>) target(%dma_start3A_245 : memref<128x64xf32, #tpu.memory_space<vmem>>) offsets(%dma_start3A_247 : memref<128xi32, #tpu.memory_space<vmem>>) semaphore(%arg9 : memref<!tpu.dma_semaphore, #tpu.memory_space<semaphore_mem>>)
      %gt3A = arith.constant 0 : i32
      %gt3A_251 = arith.cmpi sgt, %scan3A_176, %gt3A : i32
      %convert_element_type3A = arith.extui %gt3A_251 : i1 to i32
      %cond3A = arith.constant 0 : i32
      %cond3A_252 = arith.cmpi ne, %convert_element_type3A, %cond3A : i32
      scf.if %cond3A_252 {
        %sub3A_412 = arith.constant 2 : i32
        %sub3A_413 = arith.subi %mul3A_178, %sub3A_412 : i32
        %jit3A_414 = arith.constant 4 : i32
        %div3A_415 = arith.divsi %sub3A_413, %jit3A_414 : i32
        %sign3A_416 = arith.constant 0 : i32
        %sign3A_417 = arith.cmpi sgt, %sub3A_413, %sign3A_416 : i32
        %sign3A_418 = arith.extui %sign3A_417 : i1 to i32
        %sign3A_419 = arith.constant 0 : i32
        %sign3A_420 = arith.cmpi slt, %sub3A_413, %sign3A_419 : i32
        %sign3A_421 = arith.extui %sign3A_420 : i1 to i32
        %sign3A_422 = arith.subi %sign3A_418, %sign3A_421 : i32
        %sign3A_423 = arith.constant 0 : i32
        %sign3A_424 = arith.cmpi sgt, %jit3A_414, %sign3A_423 : i32
        %sign3A_425 = arith.extui %sign3A_424 : i1 to i32
        %sign3A_426 = arith.constant 0 : i32
        %sign3A_427 = arith.cmpi slt, %jit3A_414, %sign3A_426 : i32
        %sign3A_428 = arith.extui %sign3A_427 : i1 to i32
        %sign3A_429 = arith.subi %sign3A_425, %sign3A_428 : i32
        %ne3A_430 = arith.cmpi ne, %sign3A_422, %sign3A_429 : i32
        %rem3A_431 = arith.remsi %sub3A_413, %jit3A_414 : i32
        %ne3A_432 = arith.constant 0 : i32
        %ne3A_433 = arith.cmpi ne, %rem3A_431, %ne3A_432 : i32
        %and3A_434 = arith.andi %ne3A_430, %ne3A_433 : i1
        %sub3A_435 = arith.constant 1 : i32
        %sub3A_436 = arith.subi %div3A_415, %sub3A_435 : i32
        %select_n3A_437 = arith.select %and3A_434, %sub3A_436, %div3A_415 : i32
        %mul3A_438 = arith.constant 4 : i32
        %mul3A_439 = arith.muli %select_n3A_437, %mul3A_438 : i32
        %sub3A_440 = arith.subi %sub3A_413, %mul3A_439 : i32
        %mul3A_441 = arith.constant 4 : i32
        %mul3A_442 = arith.muli %add3A, %mul3A_441 : i32
        %add3A_443 = arith.addi %mul3A_442, %sub3A_440 : i32
        %dma_wait3A_444 = arith.constant 0 : i32
        %dma_wait3A_445 = arith.constant 0 : i32
        %dma_wait3A_446 = arith.constant 0 : i32
        %dma_wait3A_447 = arith.constant 0 : i32
        %dma_wait3A_448 = arith.constant 0 : i32
        %dma_wait3A_449 = tpu.memref_slice %arg8[%dma_wait3A_444, %dma_wait3A_445, %dma_wait3A_446, %dma_wait3A_447, %dma_wait3A_448] : memref<2x8x1x8x128xf32, #tpu.memory_space<vmem>> -> memref<1x8x1x8x128xf32, #tpu.memory_space<vmem>>
        %dma_wait3A_450 = tpu.memref_squeeze %dma_wait3A_449 : memref<1x8x1x8x128xf32, #tpu.memory_space<vmem>> -> memref<8x1x8x128xf32, #tpu.memory_space<vmem>>
        %dma_wait3A_451 = arith.constant 0 : i32
        %dma_wait3A_452 = arith.constant 0 : i32
        %dma_wait3A_453 = arith.constant 0 : i32
        %dma_wait3A_454 = tpu.memref_slice %arg4[%select_n3A_437, %dma_wait3A_451, %add3A_443, %dma_wait3A_452, %dma_wait3A_453] : memref<50x8x128x8x128xf32, #tpu.memory_space<hbm>> -> memref<1x8x1x8x128xf32, #tpu.memory_space<hbm>>
        %dma_wait3A_455 = tpu.memref_squeeze %dma_wait3A_454 : memref<1x8x1x8x128xf32, #tpu.memory_space<hbm>> -> memref<8x1x8x128xf32, #tpu.memory_space<hbm>>
        %dma_wait3A_456 = arith.constant 0 : i32
        %dma_wait3A_457 = arith.constant 0 : i32
        %dma_wait3A_458 = arith.constant 0 : i32
        %dma_wait3A_459 = tpu.memref_slice %arg4[%select_n3A_437, %dma_wait3A_456, %add3A_443, %dma_wait3A_457, %dma_wait3A_458] : memref<50x8x128x8x128xf32, #tpu.memory_space<hbm>> -> memref<1x8x1x8x128xf32, #tpu.memory_space<hbm>>
        %dma_wait3A_460 = tpu.memref_squeeze %dma_wait3A_459 : memref<1x8x1x8x128xf32, #tpu.memory_space<hbm>> -> memref<8x1x8x128xf32, #tpu.memory_space<hbm>>
        %dma_wait3A_461 = arith.constant 0 : i32
        %dma_wait3A_462 = arith.constant 0 : i32
        %dma_wait3A_463 = arith.constant 0 : i32
        %dma_wait3A_464 = arith.constant 0 : i32
        %dma_wait3A_465 = tpu.memref_slice %arg8[%dma_wait3A_444, %dma_wait3A_461, %dma_wait3A_462, %dma_wait3A_463, %dma_wait3A_464] : memref<2x8x1x8x128xf32, #tpu.memory_space<vmem>> -> memref<1x8x1x8x128xf32, #tpu.memory_space<vmem>>
        %dma_wait3A_466 = tpu.memref_squeeze %dma_wait3A_465 : memref<1x8x1x8x128xf32, #tpu.memory_space<vmem>> -> memref<8x1x8x128xf32, #tpu.memory_space<vmem>>
        tpu.wait_dma2 semaphore(%arg10 : memref<!tpu.dma_semaphore, #tpu.memory_space<semaphore_mem>>) src(%dma_wait3A_466 : memref<8x1x8x128xf32, #tpu.memory_space<vmem>>) dst(%dma_wait3A_460 : memref<8x1x8x128xf32, #tpu.memory_space<hbm>>)
      } else {
      }
      %parallel_loop3A = arith.constant 0 : i32
      %parallel_loop3A_253 = arith.constant 64 : i32
      %parallel_loop3A_254 = arith.constant 1 : i32
      scf.for %parallel_loop3A_412 = %parallel_loop3A to %parallel_loop3A_253 step %parallel_loop3A_254  : i32 {
        %parallel_loop3A_413 = arith.constant 8 : i32
        %parallel_loop3A_414 = arith.divsi %parallel_loop3A_412, %parallel_loop3A_413 : i32
        %parallel_loop3A_415 = arith.constant 0 : i32
        %parallel_loop3A_416 = arith.cmpi sgt, %parallel_loop3A_412, %parallel_loop3A_415 : i32
        %parallel_loop3A_417 = arith.extui %parallel_loop3A_416 : i1 to i32
        %parallel_loop3A_418 = arith.constant 0 : i32
        %parallel_loop3A_419 = arith.cmpi slt, %parallel_loop3A_412, %parallel_loop3A_418 : i32
        %parallel_loop3A_420 = arith.extui %parallel_loop3A_419 : i1 to i32
        %parallel_loop3A_421 = arith.subi %parallel_loop3A_417, %parallel_loop3A_420 : i32
        %parallel_loop3A_422 = arith.constant 0 : i32
        %parallel_loop3A_423 = arith.cmpi sgt, %parallel_loop3A_413, %parallel_loop3A_422 : i32
        %parallel_loop3A_424 = arith.extui %parallel_loop3A_423 : i1 to i32
        %parallel_loop3A_425 = arith.constant 0 : i32
        %parallel_loop3A_426 = arith.cmpi slt, %parallel_loop3A_413, %parallel_loop3A_425 : i32
        %parallel_loop3A_427 = arith.extui %parallel_loop3A_426 : i1 to i32
        %parallel_loop3A_428 = arith.subi %parallel_loop3A_424, %parallel_loop3A_427 : i32
        %parallel_loop3A_429 = arith.cmpi ne, %parallel_loop3A_421, %parallel_loop3A_428 : i32
        %parallel_loop3A_430 = arith.remsi %parallel_loop3A_412, %parallel_loop3A_413 : i32
        %parallel_loop3A_431 = arith.constant 0 : i32
        %parallel_loop3A_432 = arith.cmpi ne, %parallel_loop3A_430, %parallel_loop3A_431 : i32
        %parallel_loop3A_433 = arith.andi %parallel_loop3A_429, %parallel_loop3A_432 : i1
        %parallel_loop3A_434 = arith.constant 1 : i32
        %parallel_loop3A_435 = arith.subi %parallel_loop3A_414, %parallel_loop3A_434 : i32
        %parallel_loop3A_436 = arith.select %parallel_loop3A_433, %parallel_loop3A_435, %parallel_loop3A_414 : i32
        %parallel_loop3A_437 = arith.constant 8 : i32
        %parallel_loop3A_438 = arith.muli %parallel_loop3A_436, %parallel_loop3A_437 : i32
        %parallel_loop3A_439 = arith.subi %parallel_loop3A_412, %parallel_loop3A_438 : i32
        %parallel_loop3A_440 = vector.broadcast %parallel_loop3A_412 : i32 to vector<16xi32>
        %parallel_loop3A_441 = arith.constant 0 : i32
        %parallel_loop3A_442 = arith.constant 0 : i32
        %parallel_loop3A_443 = arith.constant 0 : i32
        %parallel_loop3A_444 = tpu.memref_slice %arg7[%parallel_loop3A_441, %parallel_loop3A_442, %parallel_loop3A_443] : memref<2x128x64xf32, #tpu.memory_space<vmem>> -> memref<1x128x64xf32, #tpu.memory_space<vmem>>
        %parallel_loop3A_445 = tpu.memref_squeeze %parallel_loop3A_444 : memref<1x128x64xf32, #tpu.memory_space<vmem>> -> memref<128x64xf32, #tpu.memory_space<vmem>>
        %parallel_loop3A_446 = tpu.vector_load_idx %parallel_loop3A_445[%add3A_5, %parallel_loop3A_440] : memref<128x64xf32, #tpu.memory_space<vmem>>[vector<16xi32>, vector<16xi32>], vector<16xf32>,
        %parallel_loop3A_447 = arith.constant 0 : i32
        %parallel_loop3A_448 = arith.constant 0 : i32
        %parallel_loop3A_449 = arith.index_cast %parallel_loop3A_447 : i32 to index
        %parallel_loop3A_450 = arith.index_cast %parallel_loop3A_436 : i32 to index
        %parallel_loop3A_451 = arith.index_cast %parallel_loop3A_448 : i32 to index
        %parallel_loop3A_452 = arith.index_cast %parallel_loop3A_439 : i32 to index
        %parallel_loop3A_453 = arith.constant 0 : index
        %parallel_loop3A_454 = tpu.vector_load %arg8[%parallel_loop3A_449, %parallel_loop3A_450, %parallel_loop3A_451, %parallel_loop3A_452, %parallel_loop3A_453] {strides = array<i32>} : memref<2x8x1x8x128xf32, #tpu.memory_space<vmem>>, vector<16xf32>,
        tpu.vector_store %arg8[%parallel_loop3A_449, %parallel_loop3A_450, %parallel_loop3A_451, %parallel_loop3A_452, %parallel_loop3A_453], %parallel_loop3A_446 {strides = array<i32>} : memref<2x8x1x8x128xf32, #tpu.memory_space<vmem>>, vector<16xf32>,
        %parallel_loop3A_455 = arith.constant 0 : i32
        %parallel_loop3A_456 = arith.constant 0 : i32
        %parallel_loop3A_457 = arith.constant 0 : i32
        %parallel_loop3A_458 = tpu.memref_slice %arg7[%parallel_loop3A_455, %parallel_loop3A_456, %parallel_loop3A_457] : memref<2x128x64xf32, #tpu.memory_space<vmem>> -> memref<1x128x64xf32, #tpu.memory_space<vmem>>
        %parallel_loop3A_459 = tpu.memref_squeeze %parallel_loop3A_458 : memref<1x128x64xf32, #tpu.memory_space<vmem>> -> memref<128x64xf32, #tpu.memory_space<vmem>>
        %parallel_loop3A_460 = tpu.vector_load_idx %parallel_loop3A_459[%add3A_8, %parallel_loop3A_440] : memref<128x64xf32, #tpu.memory_space<vmem>>[vector<16xi32>, vector<16xi32>], vector<16xf32>,
        %parallel_loop3A_461 = arith.constant 0 : i32
        %parallel_loop3A_462 = arith.constant 0 : i32
        %parallel_loop3A_463 = arith.index_cast %parallel_loop3A_461 : i32 to index
        %parallel_loop3A_464 = arith.index_cast %parallel_loop3A_436 : i32 to index
        %parallel_loop3A_465 = arith.index_cast %parallel_loop3A_462 : i32 to index
        %parallel_loop3A_466 = arith.index_cast %parallel_loop3A_439 : i32 to index
        %parallel_loop3A_467 = arith.constant 16 : index
        %parallel_loop3A_468 = tpu.vector_load %arg8[%parallel_loop3A_463, %parallel_loop3A_464, %parallel_loop3A_465, %parallel_loop3A_466, %parallel_loop3A_467] {strides = array<i32>} : memref<2x8x1x8x128xf32, #tpu.memory_space<vmem>>, vector<16xf32>,
        tpu.vector_store %arg8[%parallel_loop3A_463, %parallel_loop3A_464, %parallel_loop3A_465, %parallel_loop3A_466, %parallel_loop3A_467], %parallel_loop3A_460 {strides = array<i32>} : memref<2x8x1x8x128xf32, #tpu.memory_space<vmem>>, vector<16xf32>,
        %parallel_loop3A_469 = arith.constant 0 : i32
        %parallel_loop3A_470 = arith.constant 0 : i32
        %parallel_loop3A_471 = arith.constant 0 : i32
        %parallel_loop3A_472 = tpu.memref_slice %arg7[%parallel_loop3A_469, %parallel_loop3A_470, %parallel_loop3A_471] : memref<2x128x64xf32, #tpu.memory_space<vmem>> -> memref<1x128x64xf32, #tpu.memory_space<vmem>>
        %parallel_loop3A_473 = tpu.memref_squeeze %parallel_loop3A_472 : memref<1x128x64xf32, #tpu.memory_space<vmem>> -> memref<128x64xf32, #tpu.memory_space<vmem>>
        %parallel_loop3A_474 = tpu.vector_load_idx %parallel_loop3A_473[%add3A_11, %parallel_loop3A_440] : memref<128x64xf32, #tpu.memory_space<vmem>>[vector<16xi32>, vector<16xi32>], vector<16xf32>,
        %parallel_loop3A_475 = arith.constant 0 : i32
        %parallel_loop3A_476 = arith.constant 0 : i32
        %parallel_loop3A_477 = arith.index_cast %parallel_loop3A_475 : i32 to index
        %parallel_loop3A_478 = arith.index_cast %parallel_loop3A_436 : i32 to index
        %parallel_loop3A_479 = arith.index_cast %parallel_loop3A_476 : i32 to index
        %parallel_loop3A_480 = arith.index_cast %parallel_loop3A_439 : i32 to index
        %parallel_loop3A_481 = arith.constant 32 : index
        %parallel_loop3A_482 = tpu.vector_load %arg8[%parallel_loop3A_477, %parallel_loop3A_478, %parallel_loop3A_479, %parallel_loop3A_480, %parallel_loop3A_481] {strides = array<i32>} : memref<2x8x1x8x128xf32, #tpu.memory_space<vmem>>, vector<16xf32>,
        tpu.vector_store %arg8[%parallel_loop3A_477, %parallel_loop3A_478, %parallel_loop3A_479, %parallel_loop3A_480, %parallel_loop3A_481], %parallel_loop3A_474 {strides = array<i32>} : memref<2x8x1x8x128xf32, #tpu.memory_space<vmem>>, vector<16xf32>,
        %parallel_loop3A_483 = arith.constant 0 : i32
        %parallel_loop3A_484 = arith.constant 0 : i32
        %parallel_loop3A_485 = arith.constant 0 : i32
        %parallel_loop3A_486 = tpu.memref_slice %arg7[%parallel_loop3A_483, %parallel_loop3A_484, %parallel_loop3A_485] : memref<2x128x64xf32, #tpu.memory_space<vmem>> -> memref<1x128x64xf32, #tpu.memory_space<vmem>>
        %parallel_loop3A_487 = tpu.memref_squeeze %parallel_loop3A_486 : memref<1x128x64xf32, #tpu.memory_space<vmem>> -> memref<128x64xf32, #tpu.memory_space<vmem>>
        %parallel_loop3A_488 = tpu.vector_load_idx %parallel_loop3A_487[%add3A_14, %parallel_loop3A_440] : memref<128x64xf32, #tpu.memory_space<vmem>>[vector<16xi32>, vector<16xi32>], vector<16xf32>,
        %parallel_loop3A_489 = arith.constant 0 : i32
        %parallel_loop3A_490 = arith.constant 0 : i32
        %parallel_loop3A_491 = arith.index_cast %parallel_loop3A_489 : i32 to index
        %parallel_loop3A_492 = arith.index_cast %parallel_loop3A_436 : i32 to index
        %parallel_loop3A_493 = arith.index_cast %parallel_loop3A_490 : i32 to index
        %parallel_loop3A_494 = arith.index_cast %parallel_loop3A_439 : i32 to index
        %parallel_loop3A_495 = arith.constant 48 : index
        %parallel_loop3A_496 = tpu.vector_load %arg8[%parallel_loop3A_491, %parallel_loop3A_492, %parallel_loop3A_493, %parallel_loop3A_494, %parallel_loop3A_495] {strides = array<i32>} : memref<2x8x1x8x128xf32, #tpu.memory_space<vmem>>, vector<16xf32>,
        tpu.vector_store %arg8[%parallel_loop3A_491, %parallel_loop3A_492, %parallel_loop3A_493, %parallel_loop3A_494, %parallel_loop3A_495], %parallel_loop3A_488 {strides = array<i32>} : memref<2x8x1x8x128xf32, #tpu.memory_space<vmem>>, vector<16xf32>,
        %parallel_loop3A_497 = arith.constant 0 : i32
        %parallel_loop3A_498 = arith.constant 0 : i32
        %parallel_loop3A_499 = arith.constant 0 : i32
        %parallel_loop3A_500 = tpu.memref_slice %arg7[%parallel_loop3A_497, %parallel_loop3A_498, %parallel_loop3A_499] : memref<2x128x64xf32, #tpu.memory_space<vmem>> -> memref<1x128x64xf32, #tpu.memory_space<vmem>>
        %parallel_loop3A_501 = tpu.memref_squeeze %parallel_loop3A_500 : memref<1x128x64xf32, #tpu.memory_space<vmem>> -> memref<128x64xf32, #tpu.memory_space<vmem>>
        %parallel_loop3A_502 = tpu.vector_load_idx %parallel_loop3A_501[%add3A_17, %parallel_loop3A_440] : memref<128x64xf32, #tpu.memory_space<vmem>>[vector<16xi32>, vector<16xi32>], vector<16xf32>,
        %parallel_loop3A_503 = arith.constant 0 : i32
        %parallel_loop3A_504 = arith.constant 0 : i32
        %parallel_loop3A_505 = arith.index_cast %parallel_loop3A_503 : i32 to index
        %parallel_loop3A_506 = arith.index_cast %parallel_loop3A_436 : i32 to index
        %parallel_loop3A_507 = arith.index_cast %parallel_loop3A_504 : i32 to index
        %parallel_loop3A_508 = arith.index_cast %parallel_loop3A_439 : i32 to index
        %parallel_loop3A_509 = arith.constant 64 : index
        %parallel_loop3A_510 = tpu.vector_load %arg8[%parallel_loop3A_505, %parallel_loop3A_506, %parallel_loop3A_507, %parallel_loop3A_508, %parallel_loop3A_509] {strides = array<i32>} : memref<2x8x1x8x128xf32, #tpu.memory_space<vmem>>, vector<16xf32>,
        tpu.vector_store %arg8[%parallel_loop3A_505, %parallel_loop3A_506, %parallel_loop3A_507, %parallel_loop3A_508, %parallel_loop3A_509], %parallel_loop3A_502 {strides = array<i32>} : memref<2x8x1x8x128xf32, #tpu.memory_space<vmem>>, vector<16xf32>,
        %parallel_loop3A_511 = arith.constant 0 : i32
        %parallel_loop3A_512 = arith.constant 0 : i32
        %parallel_loop3A_513 = arith.constant 0 : i32
        %parallel_loop3A_514 = tpu.memref_slice %arg7[%parallel_loop3A_511, %parallel_loop3A_512, %parallel_loop3A_513] : memref<2x128x64xf32, #tpu.memory_space<vmem>> -> memref<1x128x64xf32, #tpu.memory_space<vmem>>
        %parallel_loop3A_515 = tpu.memref_squeeze %parallel_loop3A_514 : memref<1x128x64xf32, #tpu.memory_space<vmem>> -> memref<128x64xf32, #tpu.memory_space<vmem>>
        %parallel_loop3A_516 = tpu.vector_load_idx %parallel_loop3A_515[%add3A_20, %parallel_loop3A_440] : memref<128x64xf32, #tpu.memory_space<vmem>>[vector<16xi32>, vector<16xi32>], vector<16xf32>,
        %parallel_loop3A_517 = arith.constant 0 : i32
        %parallel_loop3A_518 = arith.constant 0 : i32
        %parallel_loop3A_519 = arith.index_cast %parallel_loop3A_517 : i32 to index
        %parallel_loop3A_520 = arith.index_cast %parallel_loop3A_436 : i32 to index
        %parallel_loop3A_521 = arith.index_cast %parallel_loop3A_518 : i32 to index
        %parallel_loop3A_522 = arith.index_cast %parallel_loop3A_439 : i32 to index
        %parallel_loop3A_523 = arith.constant 80 : index
        %parallel_loop3A_524 = tpu.vector_load %arg8[%parallel_loop3A_519, %parallel_loop3A_520, %parallel_loop3A_521, %parallel_loop3A_522, %parallel_loop3A_523] {strides = array<i32>} : memref<2x8x1x8x128xf32, #tpu.memory_space<vmem>>, vector<16xf32>,
        tpu.vector_store %arg8[%parallel_loop3A_519, %parallel_loop3A_520, %parallel_loop3A_521, %parallel_loop3A_522, %parallel_loop3A_523], %parallel_loop3A_516 {strides = array<i32>} : memref<2x8x1x8x128xf32, #tpu.memory_space<vmem>>, vector<16xf32>,
        %parallel_loop3A_525 = arith.constant 0 : i32
        %parallel_loop3A_526 = arith.constant 0 : i32
        %parallel_loop3A_527 = arith.constant 0 : i32
        %parallel_loop3A_528 = tpu.memref_slice %arg7[%parallel_loop3A_525, %parallel_loop3A_526, %parallel_loop3A_527] : memref<2x128x64xf32, #tpu.memory_space<vmem>> -> memref<1x128x64xf32, #tpu.memory_space<vmem>>
        %parallel_loop3A_529 = tpu.memref_squeeze %parallel_loop3A_528 : memref<1x128x64xf32, #tpu.memory_space<vmem>> -> memref<128x64xf32, #tpu.memory_space<vmem>>
        %parallel_loop3A_530 = tpu.vector_load_idx %parallel_loop3A_529[%add3A_23, %parallel_loop3A_440] : memref<128x64xf32, #tpu.memory_space<vmem>>[vector<16xi32>, vector<16xi32>], vector<16xf32>,
        %parallel_loop3A_531 = arith.constant 0 : i32
        %parallel_loop3A_532 = arith.constant 0 : i32
        %parallel_loop3A_533 = arith.index_cast %parallel_loop3A_531 : i32 to index
        %parallel_loop3A_534 = arith.index_cast %parallel_loop3A_436 : i32 to index
        %parallel_loop3A_535 = arith.index_cast %parallel_loop3A_532 : i32 to index
        %parallel_loop3A_536 = arith.index_cast %parallel_loop3A_439 : i32 to index
        %parallel_loop3A_537 = arith.constant 96 : index
        %parallel_loop3A_538 = tpu.vector_load %arg8[%parallel_loop3A_533, %parallel_loop3A_534, %parallel_loop3A_535, %parallel_loop3A_536, %parallel_loop3A_537] {strides = array<i32>} : memref<2x8x1x8x128xf32, #tpu.memory_space<vmem>>, vector<16xf32>,
        tpu.vector_store %arg8[%parallel_loop3A_533, %parallel_loop3A_534, %parallel_loop3A_535, %parallel_loop3A_536, %parallel_loop3A_537], %parallel_loop3A_530 {strides = array<i32>} : memref<2x8x1x8x128xf32, #tpu.memory_space<vmem>>, vector<16xf32>,
        %parallel_loop3A_539 = arith.constant 0 : i32
        %parallel_loop3A_540 = arith.constant 0 : i32
        %parallel_loop3A_541 = arith.constant 0 : i32
        %parallel_loop3A_542 = tpu.memref_slice %arg7[%parallel_loop3A_539, %parallel_loop3A_540, %parallel_loop3A_541] : memref<2x128x64xf32, #tpu.memory_space<vmem>> -> memref<1x128x64xf32, #tpu.memory_space<vmem>>
        %parallel_loop3A_543 = tpu.memref_squeeze %parallel_loop3A_542 : memref<1x128x64xf32, #tpu.memory_space<vmem>> -> memref<128x64xf32, #tpu.memory_space<vmem>>
        %parallel_loop3A_544 = tpu.vector_load_idx %parallel_loop3A_543[%add3A_26, %parallel_loop3A_440] : memref<128x64xf32, #tpu.memory_space<vmem>>[vector<16xi32>, vector<16xi32>], vector<16xf32>,
        %parallel_loop3A_545 = arith.constant 0 : i32
        %parallel_loop3A_546 = arith.constant 0 : i32
        %parallel_loop3A_547 = arith.index_cast %parallel_loop3A_545 : i32 to index
        %parallel_loop3A_548 = arith.index_cast %parallel_loop3A_436 : i32 to index
        %parallel_loop3A_549 = arith.index_cast %parallel_loop3A_546 : i32 to index
        %parallel_loop3A_550 = arith.index_cast %parallel_loop3A_439 : i32 to index
        %parallel_loop3A_551 = arith.constant 112 : index
        %parallel_loop3A_552 = tpu.vector_load %arg8[%parallel_loop3A_547, %parallel_loop3A_548, %parallel_loop3A_549, %parallel_loop3A_550, %parallel_loop3A_551] {strides = array<i32>} : memref<2x8x1x8x128xf32, #tpu.memory_space<vmem>>, vector<16xf32>,
        tpu.vector_store %arg8[%parallel_loop3A_547, %parallel_loop3A_548, %parallel_loop3A_549, %parallel_loop3A_550, %parallel_loop3A_551], %parallel_loop3A_544 {strides = array<i32>} : memref<2x8x1x8x128xf32, #tpu.memory_space<vmem>>, vector<16xf32>,
      } {sc.loop_unroll_factor = 16 : i64, sc.parallel_access}
      %jit3A_255 = arith.constant 4 : i32
      %div3A_256 = arith.divsi %mul3A_178, %jit3A_255 : i32
      %sign3A_257 = arith.constant 0 : i32
      %sign3A_258 = arith.cmpi sgt, %mul3A_178, %sign3A_257 : i32
      %sign3A_259 = arith.extui %sign3A_258 : i1 to i32
      %sign3A_260 = arith.constant 0 : i32
      %sign3A_261 = arith.cmpi slt, %mul3A_178, %sign3A_260 : i32
      %sign3A_262 = arith.extui %sign3A_261 : i1 to i32
      %sign3A_263 = arith.subi %sign3A_259, %sign3A_262 : i32
      %sign3A_264 = arith.constant 0 : i32
      %sign3A_265 = arith.cmpi sgt, %jit3A_255, %sign3A_264 : i32
      %sign3A_266 = arith.extui %sign3A_265 : i1 to i32
      %sign3A_267 = arith.constant 0 : i32
      %sign3A_268 = arith.cmpi slt, %jit3A_255, %sign3A_267 : i32
      %sign3A_269 = arith.extui %sign3A_268 : i1 to i32
      %sign3A_270 = arith.subi %sign3A_266, %sign3A_269 : i32
      %ne3A_271 = arith.cmpi ne, %sign3A_263, %sign3A_270 : i32
      %rem3A_272 = arith.remsi %mul3A_178, %jit3A_255 : i32
      %ne3A_273 = arith.constant 0 : i32
      %ne3A_274 = arith.cmpi ne, %rem3A_272, %ne3A_273 : i32
      %and3A_275 = arith.andi %ne3A_271, %ne3A_274 : i1
      %sub3A_276 = arith.constant 1 : i32
      %sub3A_277 = arith.subi %div3A_256, %sub3A_276 : i32
      %select_n3A_278 = arith.select %and3A_275, %sub3A_277, %div3A_256 : i32
      %mul3A_279 = arith.constant 4 : i32
      %mul3A_280 = arith.muli %select_n3A_278, %mul3A_279 : i32
      %sub3A_281 = arith.subi %mul3A_178, %mul3A_280 : i32
      %mul3A_282 = arith.constant 4 : i32
      %mul3A_283 = arith.muli %add3A, %mul3A_282 : i32
      %add3A_284 = arith.addi %mul3A_283, %sub3A_281 : i32
      %dma_start3A_285 = arith.constant 0 : i32
      %dma_start3A_286 = arith.constant 0 : i32
      %dma_start3A_287 = arith.constant 0 : i32
      %dma_start3A_288 = arith.constant 0 : i32
      %dma_start3A_289 = arith.constant 0 : i32
      %dma_start3A_290 = tpu.memref_slice %arg8[%dma_start3A_285, %dma_start3A_286, %dma_start3A_287, %dma_start3A_288, %dma_start3A_289] : memref<2x8x1x8x128xf32, #tpu.memory_space<vmem>> -> memref<1x8x1x8x128xf32, #tpu.memory_space<vmem>>
      %dma_start3A_291 = tpu.memref_squeeze %dma_start3A_290 : memref<1x8x1x8x128xf32, #tpu.memory_space<vmem>> -> memref<8x1x8x128xf32, #tpu.memory_space<vmem>>
      %dma_start3A_292 = arith.constant 0 : i32
      %dma_start3A_293 = arith.constant 0 : i32
      %dma_start3A_294 = arith.constant 0 : i32
      %dma_start3A_295 = tpu.memref_slice %arg4[%select_n3A_278, %dma_start3A_292, %add3A_284, %dma_start3A_293, %dma_start3A_294] : memref<50x8x128x8x128xf32, #tpu.memory_space<hbm>> -> memref<1x8x1x8x128xf32, #tpu.memory_space<hbm>>
      %dma_start3A_296 = tpu.memref_squeeze %dma_start3A_295 : memref<1x8x1x8x128xf32, #tpu.memory_space<hbm>> -> memref<8x1x8x128xf32, #tpu.memory_space<hbm>>
      %dma_start3A_297 = arith.constant 0 : i32
      %dma_start3A_298 = arith.constant 0 : i32
      %dma_start3A_299 = arith.constant 0 : i32
      %dma_start3A_300 = tpu.memref_slice %arg4[%select_n3A_278, %dma_start3A_297, %add3A_284, %dma_start3A_298, %dma_start3A_299] : memref<50x8x128x8x128xf32, #tpu.memory_space<hbm>> -> memref<1x8x1x8x128xf32, #tpu.memory_space<hbm>>
      %dma_start3A_301 = tpu.memref_squeeze %dma_start3A_300 : memref<1x8x1x8x128xf32, #tpu.memory_space<hbm>> -> memref<8x1x8x128xf32, #tpu.memory_space<hbm>>
      %dma_start3A_302 = arith.constant 0 : i32
      %dma_start3A_303 = arith.constant 0 : i32
      %dma_start3A_304 = arith.constant 0 : i32
      %dma_start3A_305 = arith.constant 0 : i32
      %dma_start3A_306 = tpu.memref_slice %arg8[%dma_start3A_285, %dma_start3A_302, %dma_start3A_303, %dma_start3A_304, %dma_start3A_305] : memref<2x8x1x8x128xf32, #tpu.memory_space<vmem>> -> memref<1x8x1x8x128xf32, #tpu.memory_space<vmem>>
      %dma_start3A_307 = tpu.memref_squeeze %dma_start3A_306 : memref<1x8x1x8x128xf32, #tpu.memory_space<vmem>> -> memref<8x1x8x128xf32, #tpu.memory_space<vmem>>
      tpu.enqueue_dma source(%dma_start3A_307 : memref<8x1x8x128xf32, #tpu.memory_space<vmem>>) target(%dma_start3A_301 : memref<8x1x8x128xf32, #tpu.memory_space<hbm>>) target_semaphore(%arg10 : memref<!tpu.dma_semaphore, #tpu.memory_space<semaphore_mem>>)
      %jit3A_308 = arith.constant 4 : i32
      %div3A_309 = arith.divsi %add3A_180, %jit3A_308 : i32
      %sign3A_310 = arith.constant 0 : i32
      %sign3A_311 = arith.cmpi sgt, %add3A_180, %sign3A_310 : i32
      %sign3A_312 = arith.extui %sign3A_311 : i1 to i32
      %sign3A_313 = arith.constant 0 : i32
      %sign3A_314 = arith.cmpi slt, %add3A_180, %sign3A_313 : i32
      %sign3A_315 = arith.extui %sign3A_314 : i1 to i32
      %sign3A_316 = arith.subi %sign3A_312, %sign3A_315 : i32
      %sign3A_317 = arith.constant 0 : i32
      %sign3A_318 = arith.cmpi sgt, %jit3A_308, %sign3A_317 : i32
      %sign3A_319 = arith.extui %sign3A_318 : i1 to i32
      %sign3A_320 = arith.constant 0 : i32
      %sign3A_321 = arith.cmpi slt, %jit3A_308, %sign3A_320 : i32
      %sign3A_322 = arith.extui %sign3A_321 : i1 to i32
      %sign3A_323 = arith.subi %sign3A_319, %sign3A_322 : i32
      %ne3A_324 = arith.cmpi ne, %sign3A_316, %sign3A_323 : i32
      %rem3A_325 = arith.remsi %add3A_180, %jit3A_308 : i32
      %ne3A_326 = arith.constant 0 : i32
      %ne3A_327 = arith.cmpi ne, %rem3A_325, %ne3A_326 : i32
      %and3A_328 = arith.andi %ne3A_324, %ne3A_327 : i1
      %sub3A_329 = arith.constant 1 : i32
      %sub3A_330 = arith.subi %div3A_309, %sub3A_329 : i32
      %select_n3A_331 = arith.select %and3A_328, %sub3A_330, %div3A_309 : i32
      %mul3A_332 = arith.constant 4 : i32
      %mul3A_333 = arith.muli %select_n3A_331, %mul3A_332 : i32
      %sub3A_334 = arith.subi %add3A_180, %mul3A_333 : i32
      %mul3A_335 = arith.constant 128 : i32
      %mul3A_336 = arith.muli %sub3A_334, %mul3A_335 : i32
      %dma_wait3A_337 = arith.constant 1 : i32
      %dma_wait3A_338 = arith.constant 0 : i32
      %dma_wait3A_339 = arith.constant 0 : i32
      %dma_wait3A_340 = tpu.memref_slice %arg7[%dma_wait3A_337, %dma_wait3A_338, %dma_wait3A_339] : memref<2x128x64xf32, #tpu.memory_space<vmem>> -> memref<1x128x64xf32, #tpu.memory_space<vmem>>
      %dma_wait3A_341 = tpu.memref_squeeze %dma_wait3A_340 : memref<1x128x64xf32, #tpu.memory_space<vmem>> -> memref<128x64xf32, #tpu.memory_space<vmem>>
      %dma_wait3A_342 = tpu.memref_slice %arg6[%select_n3A_331, %mul3A_336] : memref<50x512xi32, #tpu.memory_space<vmem>> -> memref<1x128xi32, #tpu.memory_space<vmem>>
      %dma_wait3A_343 = tpu.memref_squeeze %dma_wait3A_342 : memref<1x128xi32, #tpu.memory_space<vmem>> -> memref<128xi32, #tpu.memory_space<vmem>>
      %dma_wait3A_344 = arith.constant 0 : i32
      %dma_wait3A_345 = arith.constant 0 : i32
      %dma_wait3A_346 = tpu.memref_slice %arg2[%dma_wait3A_344, %dma_wait3A_345] : memref<1000000x64xf32, #tpu.memory_space<hbm>> -> memref<1000000x64xf32, #tpu.memory_space<hbm>>
      tpu.wait_indirect_dma semaphore(%arg9 : memref<!tpu.dma_semaphore, #tpu.memory_space<semaphore_mem>>) src(%dma_wait3A_346 : memref<1000000x64xf32, #tpu.memory_space<hbm>>) dst(%dma_wait3A_341 : memref<128x64xf32, #tpu.memory_space<vmem>>)
      %lt3A = arith.constant 99 : i32
      %lt3A_347 = arith.cmpi slt, %scan3A_176, %lt3A : i32
      %convert_element_type3A_348 = arith.extui %lt3A_347 : i1 to i32
      %cond3A_349 = arith.constant 0 : i32
      %cond3A_350 = arith.cmpi ne, %convert_element_type3A_348, %cond3A_349 : i32
      scf.if %cond3A_350 {
        %add3A_412 = arith.constant 2 : i32
        %add3A_413 = arith.addi %mul3A_178, %add3A_412 : i32
        %jit3A_414 = arith.constant 4 : i32
        %div3A_415 = arith.divsi %add3A_413, %jit3A_414 : i32
        %sign3A_416 = arith.constant 0 : i32
        %sign3A_417 = arith.cmpi sgt, %add3A_413, %sign3A_416 : i32
        %sign3A_418 = arith.extui %sign3A_417 : i1 to i32
        %sign3A_419 = arith.constant 0 : i32
        %sign3A_420 = arith.cmpi slt, %add3A_413, %sign3A_419 : i32
        %sign3A_421 = arith.extui %sign3A_420 : i1 to i32
        %sign3A_422 = arith.subi %sign3A_418, %sign3A_421 : i32
        %sign3A_423 = arith.constant 0 : i32
        %sign3A_424 = arith.cmpi sgt, %jit3A_414, %sign3A_423 : i32
        %sign3A_425 = arith.extui %sign3A_424 : i1 to i32
        %sign3A_426 = arith.constant 0 : i32
        %sign3A_427 = arith.cmpi slt, %jit3A_414, %sign3A_426 : i32
        %sign3A_428 = arith.extui %sign3A_427 : i1 to i32
        %sign3A_429 = arith.subi %sign3A_425, %sign3A_428 : i32
        %ne3A_430 = arith.cmpi ne, %sign3A_422, %sign3A_429 : i32
        %rem3A_431 = arith.remsi %add3A_413, %jit3A_414 : i32
        %ne3A_432 = arith.constant 0 : i32
        %ne3A_433 = arith.cmpi ne, %rem3A_431, %ne3A_432 : i32
        %and3A_434 = arith.andi %ne3A_430, %ne3A_433 : i1
        %sub3A_435 = arith.constant 1 : i32
        %sub3A_436 = arith.subi %div3A_415, %sub3A_435 : i32
        %select_n3A_437 = arith.select %and3A_434, %sub3A_436, %div3A_415 : i32
        %mul3A_438 = arith.constant 4 : i32
        %mul3A_439 = arith.muli %select_n3A_437, %mul3A_438 : i32
        %sub3A_440 = arith.subi %add3A_413, %mul3A_439 : i32
        %mul3A_441 = arith.constant 128 : i32
        %mul3A_442 = arith.muli %sub3A_440, %mul3A_441 : i32
        %dma_start3A_443 = arith.constant 0 : i32
        %dma_start3A_444 = arith.constant 0 : i32
        %dma_start3A_445 = arith.constant 0 : i32
        %dma_start3A_446 = tpu.memref_slice %arg7[%dma_start3A_443, %dma_start3A_444, %dma_start3A_445] : memref<2x128x64xf32, #tpu.memory_space<vmem>> -> memref<1x128x64xf32, #tpu.memory_space<vmem>>
        %dma_start3A_447 = tpu.memref_squeeze %dma_start3A_446 : memref<1x128x64xf32, #tpu.memory_space<vmem>> -> memref<128x64xf32, #tpu.memory_space<vmem>>
        %dma_start3A_448 = tpu.memref_slice %arg6[%select_n3A_437, %mul3A_442] : memref<50x512xi32, #tpu.memory_space<vmem>> -> memref<1x128xi32, #tpu.memory_space<vmem>>
        %dma_start3A_449 = tpu.memref_squeeze %dma_start3A_448 : memref<1x128xi32, #tpu.memory_space<vmem>> -> memref<128xi32, #tpu.memory_space<vmem>>
        %dma_start3A_450 = arith.constant 0 : i32
        %dma_start3A_451 = arith.constant 0 : i32
        %dma_start3A_452 = tpu.memref_slice %arg2[%dma_start3A_450, %dma_start3A_451] : memref<1000000x64xf32, #tpu.memory_space<hbm>> -> memref<1000000x64xf32, #tpu.memory_space<hbm>>
        tpu.enqueue_indirect_dma source(%dma_start3A_452 : memref<1000000x64xf32, #tpu.memory_space<hbm>>) target(%dma_start3A_447 : memref<128x64xf32, #tpu.memory_space<vmem>>) offsets(%dma_start3A_449 : memref<128xi32, #tpu.memory_space<vmem>>) semaphore(%arg9 : memref<!tpu.dma_semaphore, #tpu.memory_space<semaphore_mem>>)
      } else {
      }
      %gt3A_351 = arith.constant 0 : i32
      %gt3A_352 = arith.cmpi sgt, %scan3A_176, %gt3A_351 : i32
      %convert_element_type3A_353 = arith.extui %gt3A_352 : i1 to i32
      %cond3A_354 = arith.constant 0 : i32
      %cond3A_355 = arith.cmpi ne, %convert_element_type3A_353, %cond3A_354 : i32
      scf.if %cond3A_355 {
        %sub3A_412 = arith.constant 2 : i32
        %sub3A_413 = arith.subi %add3A_180, %sub3A_412 : i32
        %jit3A_414 = arith.constant 4 : i32
        %div3A_415 = arith.divsi %sub3A_413, %jit3A_414 : i32
        %sign3A_416 = arith.constant 0 : i32
        %sign3A_417 = arith.cmpi sgt, %sub3A_413, %sign3A_416 : i32
        %sign3A_418 = arith.extui %sign3A_417 : i1 to i32
        %sign3A_419 = arith.constant 0 : i32
        %sign3A_420 = arith.cmpi slt, %sub3A_413, %sign3A_419 : i32
        %sign3A_421 = arith.extui %sign3A_420 : i1 to i32
        %sign3A_422 = arith.subi %sign3A_418, %sign3A_421 : i32
        %sign3A_423 = arith.constant 0 : i32
        %sign3A_424 = arith.cmpi sgt, %jit3A_414, %sign3A_423 : i32
        %sign3A_425 = arith.extui %sign3A_424 : i1 to i32
        %sign3A_426 = arith.constant 0 : i32
        %sign3A_427 = arith.cmpi slt, %jit3A_414, %sign3A_426 : i32
        %sign3A_428 = arith.extui %sign3A_427 : i1 to i32
        %sign3A_429 = arith.subi %sign3A_425, %sign3A_428 : i32
        %ne3A_430 = arith.cmpi ne, %sign3A_422, %sign3A_429 : i32
        %rem3A_431 = arith.remsi %sub3A_413, %jit3A_414 : i32
        %ne3A_432 = arith.constant 0 : i32
        %ne3A_433 = arith.cmpi ne, %rem3A_431, %ne3A_432 : i32
        %and3A_434 = arith.andi %ne3A_430, %ne3A_433 : i1
        %sub3A_435 = arith.constant 1 : i32
        %sub3A_436 = arith.subi %div3A_415, %sub3A_435 : i32
        %select_n3A_437 = arith.select %and3A_434, %sub3A_436, %div3A_415 : i32
        %mul3A_438 = arith.constant 4 : i32
        %mul3A_439 = arith.muli %select_n3A_437, %mul3A_438 : i32
        %sub3A_440 = arith.subi %sub3A_413, %mul3A_439 : i32
        %mul3A_441 = arith.constant 4 : i32
        %mul3A_442 = arith.muli %add3A, %mul3A_441 : i32
        %add3A_443 = arith.addi %mul3A_442, %sub3A_440 : i32
        %dma_wait3A_444 = arith.constant 1 : i32
        %dma_wait3A_445 = arith.constant 0 : i32
        %dma_wait3A_446 = arith.constant 0 : i32
        %dma_wait3A_447 = arith.constant 0 : i32
        %dma_wait3A_448 = arith.constant 0 : i32
        %dma_wait3A_449 = tpu.memref_slice %arg8[%dma_wait3A_444, %dma_wait3A_445, %dma_wait3A_446, %dma_wait3A_447, %dma_wait3A_448] : memref<2x8x1x8x128xf32, #tpu.memory_space<vmem>> -> memref<1x8x1x8x128xf32, #tpu.memory_space<vmem>>
        %dma_wait3A_450 = tpu.memref_squeeze %dma_wait3A_449 : memref<1x8x1x8x128xf32, #tpu.memory_space<vmem>> -> memref<8x1x8x128xf32, #tpu.memory_space<vmem>>
        %dma_wait3A_451 = arith.constant 0 : i32
        %dma_wait3A_452 = arith.constant 0 : i32
        %dma_wait3A_453 = arith.constant 0 : i32
        %dma_wait3A_454 = tpu.memref_slice %arg4[%select_n3A_437, %dma_wait3A_451, %add3A_443, %dma_wait3A_452, %dma_wait3A_453] : memref<50x8x128x8x128xf32, #tpu.memory_space<hbm>> -> memref<1x8x1x8x128xf32, #tpu.memory_space<hbm>>
        %dma_wait3A_455 = tpu.memref_squeeze %dma_wait3A_454 : memref<1x8x1x8x128xf32, #tpu.memory_space<hbm>> -> memref<8x1x8x128xf32, #tpu.memory_space<hbm>>
        %dma_wait3A_456 = arith.constant 0 : i32
        %dma_wait3A_457 = arith.constant 0 : i32
        %dma_wait3A_458 = arith.constant 0 : i32
        %dma_wait3A_459 = tpu.memref_slice %arg4[%select_n3A_437, %dma_wait3A_456, %add3A_443, %dma_wait3A_457, %dma_wait3A_458] : memref<50x8x128x8x128xf32, #tpu.memory_space<hbm>> -> memref<1x8x1x8x128xf32, #tpu.memory_space<hbm>>
        %dma_wait3A_460 = tpu.memref_squeeze %dma_wait3A_459 : memref<1x8x1x8x128xf32, #tpu.memory_space<hbm>> -> memref<8x1x8x128xf32, #tpu.memory_space<hbm>>
        %dma_wait3A_461 = arith.constant 0 : i32
        %dma_wait3A_462 = arith.constant 0 : i32
        %dma_wait3A_463 = arith.constant 0 : i32
        %dma_wait3A_464 = arith.constant 0 : i32
        %dma_wait3A_465 = tpu.memref_slice %arg8[%dma_wait3A_444, %dma_wait3A_461, %dma_wait3A_462, %dma_wait3A_463, %dma_wait3A_464] : memref<2x8x1x8x128xf32, #tpu.memory_space<vmem>> -> memref<1x8x1x8x128xf32, #tpu.memory_space<vmem>>
        %dma_wait3A_466 = tpu.memref_squeeze %dma_wait3A_465 : memref<1x8x1x8x128xf32, #tpu.memory_space<vmem>> -> memref<8x1x8x128xf32, #tpu.memory_space<vmem>>
        tpu.wait_dma2 semaphore(%arg10 : memref<!tpu.dma_semaphore, #tpu.memory_space<semaphore_mem>>) src(%dma_wait3A_466 : memref<8x1x8x128xf32, #tpu.memory_space<vmem>>) dst(%dma_wait3A_460 : memref<8x1x8x128xf32, #tpu.memory_space<hbm>>)
      } else {
      }
      %parallel_loop3A_356 = arith.constant 0 : i32
      %parallel_loop3A_357 = arith.constant 64 : i32
      %parallel_loop3A_358 = arith.constant 1 : i32
      scf.for %parallel_loop3A_412 = %parallel_loop3A_356 to %parallel_loop3A_357 step %parallel_loop3A_358  : i32 {
        %parallel_loop3A_413 = arith.constant 8 : i32
        %parallel_loop3A_414 = arith.divsi %parallel_loop3A_412, %parallel_loop3A_413 : i32
        %parallel_loop3A_415 = arith.constant 0 : i32
        %parallel_loop3A_416 = arith.cmpi sgt, %parallel_loop3A_412, %parallel_loop3A_415 : i32
        %parallel_loop3A_417 = arith.extui %parallel_loop3A_416 : i1 to i32
        %parallel_loop3A_418 = arith.constant 0 : i32
        %parallel_loop3A_419 = arith.cmpi slt, %parallel_loop3A_412, %parallel_loop3A_418 : i32
        %parallel_loop3A_420 = arith.extui %parallel_loop3A_419 : i1 to i32
        %parallel_loop3A_421 = arith.subi %parallel_loop3A_417, %parallel_loop3A_420 : i32
        %parallel_loop3A_422 = arith.constant 0 : i32
        %parallel_loop3A_423 = arith.cmpi sgt, %parallel_loop3A_413, %parallel_loop3A_422 : i32
        %parallel_loop3A_424 = arith.extui %parallel_loop3A_423 : i1 to i32
        %parallel_loop3A_425 = arith.constant 0 : i32
        %parallel_loop3A_426 = arith.cmpi slt, %parallel_loop3A_413, %parallel_loop3A_425 : i32
        %parallel_loop3A_427 = arith.extui %parallel_loop3A_426 : i1 to i32
        %parallel_loop3A_428 = arith.subi %parallel_loop3A_424, %parallel_loop3A_427 : i32
        %parallel_loop3A_429 = arith.cmpi ne, %parallel_loop3A_421, %parallel_loop3A_428 : i32
        %parallel_loop3A_430 = arith.remsi %parallel_loop3A_412, %parallel_loop3A_413 : i32
        %parallel_loop3A_431 = arith.constant 0 : i32
        %parallel_loop3A_432 = arith.cmpi ne, %parallel_loop3A_430, %parallel_loop3A_431 : i32
        %parallel_loop3A_433 = arith.andi %parallel_loop3A_429, %parallel_loop3A_432 : i1
        %parallel_loop3A_434 = arith.constant 1 : i32
        %parallel_loop3A_435 = arith.subi %parallel_loop3A_414, %parallel_loop3A_434 : i32
        %parallel_loop3A_436 = arith.select %parallel_loop3A_433, %parallel_loop3A_435, %parallel_loop3A_414 : i32
        %parallel_loop3A_437 = arith.constant 8 : i32
        %parallel_loop3A_438 = arith.muli %parallel_loop3A_436, %parallel_loop3A_437 : i32
        %parallel_loop3A_439 = arith.subi %parallel_loop3A_412, %parallel_loop3A_438 : i32
        %parallel_loop3A_440 = vector.broadcast %parallel_loop3A_412 : i32 to vector<16xi32>
        %parallel_loop3A_441 = arith.constant 1 : i32
        %parallel_loop3A_442 = arith.constant 0 : i32
        %parallel_loop3A_443 = arith.constant 0 : i32
        %parallel_loop3A_444 = tpu.memref_slice %arg7[%parallel_loop3A_441, %parallel_loop3A_442, %parallel_loop3A_443] : memref<2x128x64xf32, #tpu.memory_space<vmem>> -> memref<1x128x64xf32, #tpu.memory_space<vmem>>
        %parallel_loop3A_445 = tpu.memref_squeeze %parallel_loop3A_444 : memref<1x128x64xf32, #tpu.memory_space<vmem>> -> memref<128x64xf32, #tpu.memory_space<vmem>>
        %parallel_loop3A_446 = tpu.vector_load_idx %parallel_loop3A_445[%add3A_5, %parallel_loop3A_440] : memref<128x64xf32, #tpu.memory_space<vmem>>[vector<16xi32>, vector<16xi32>], vector<16xf32>,
        %parallel_loop3A_447 = arith.constant 1 : i32
        %parallel_loop3A_448 = arith.constant 0 : i32
        %parallel_loop3A_449 = arith.index_cast %parallel_loop3A_447 : i32 to index
        %parallel_loop3A_450 = arith.index_cast %parallel_loop3A_436 : i32 to index
        %parallel_loop3A_451 = arith.index_cast %parallel_loop3A_448 : i32 to index
        %parallel_loop3A_452 = arith.index_cast %parallel_loop3A_439 : i32 to index
        %parallel_loop3A_453 = arith.constant 0 : index
        %parallel_loop3A_454 = tpu.vector_load %arg8[%parallel_loop3A_449, %parallel_loop3A_450, %parallel_loop3A_451, %parallel_loop3A_452, %parallel_loop3A_453] {strides = array<i32>} : memref<2x8x1x8x128xf32, #tpu.memory_space<vmem>>, vector<16xf32>,
        tpu.vector_store %arg8[%parallel_loop3A_449, %parallel_loop3A_450, %parallel_loop3A_451, %parallel_loop3A_452, %parallel_loop3A_453], %parallel_loop3A_446 {strides = array<i32>} : memref<2x8x1x8x128xf32, #tpu.memory_space<vmem>>, vector<16xf32>,
        %parallel_loop3A_455 = arith.constant 1 : i32
        %parallel_loop3A_456 = arith.constant 0 : i32
        %parallel_loop3A_457 = arith.constant 0 : i32
        %parallel_loop3A_458 = tpu.memref_slice %arg7[%parallel_loop3A_455, %parallel_loop3A_456, %parallel_loop3A_457] : memref<2x128x64xf32, #tpu.memory_space<vmem>> -> memref<1x128x64xf32, #tpu.memory_space<vmem>>
        %parallel_loop3A_459 = tpu.memref_squeeze %parallel_loop3A_458 : memref<1x128x64xf32, #tpu.memory_space<vmem>> -> memref<128x64xf32, #tpu.memory_space<vmem>>
        %parallel_loop3A_460 = tpu.vector_load_idx %parallel_loop3A_459[%add3A_8, %parallel_loop3A_440] : memref<128x64xf32, #tpu.memory_space<vmem>>[vector<16xi32>, vector<16xi32>], vector<16xf32>,
        %parallel_loop3A_461 = arith.constant 1 : i32
        %parallel_loop3A_462 = arith.constant 0 : i32
        %parallel_loop3A_463 = arith.index_cast %parallel_loop3A_461 : i32 to index
        %parallel_loop3A_464 = arith.index_cast %parallel_loop3A_436 : i32 to index
        %parallel_loop3A_465 = arith.index_cast %parallel_loop3A_462 : i32 to index
        %parallel_loop3A_466 = arith.index_cast %parallel_loop3A_439 : i32 to index
        %parallel_loop3A_467 = arith.constant 16 : index
        %parallel_loop3A_468 = tpu.vector_load %arg8[%parallel_loop3A_463, %parallel_loop3A_464, %parallel_loop3A_465, %parallel_loop3A_466, %parallel_loop3A_467] {strides = array<i32>} : memref<2x8x1x8x128xf32, #tpu.memory_space<vmem>>, vector<16xf32>,
        tpu.vector_store %arg8[%parallel_loop3A_463, %parallel_loop3A_464, %parallel_loop3A_465, %parallel_loop3A_466, %parallel_loop3A_467], %parallel_loop3A_460 {strides = array<i32>} : memref<2x8x1x8x128xf32, #tpu.memory_space<vmem>>, vector<16xf32>,
        %parallel_loop3A_469 = arith.constant 1 : i32
        %parallel_loop3A_470 = arith.constant 0 : i32
        %parallel_loop3A_471 = arith.constant 0 : i32
        %parallel_loop3A_472 = tpu.memref_slice %arg7[%parallel_loop3A_469, %parallel_loop3A_470, %parallel_loop3A_471] : memref<2x128x64xf32, #tpu.memory_space<vmem>> -> memref<1x128x64xf32, #tpu.memory_space<vmem>>
        %parallel_loop3A_473 = tpu.memref_squeeze %parallel_loop3A_472 : memref<1x128x64xf32, #tpu.memory_space<vmem>> -> memref<128x64xf32, #tpu.memory_space<vmem>>
        %parallel_loop3A_474 = tpu.vector_load_idx %parallel_loop3A_473[%add3A_11, %parallel_loop3A_440] : memref<128x64xf32, #tpu.memory_space<vmem>>[vector<16xi32>, vector<16xi32>], vector<16xf32>,
        %parallel_loop3A_475 = arith.constant 1 : i32
        %parallel_loop3A_476 = arith.constant 0 : i32
        %parallel_loop3A_477 = arith.index_cast %parallel_loop3A_475 : i32 to index
        %parallel_loop3A_478 = arith.index_cast %parallel_loop3A_436 : i32 to index
        %parallel_loop3A_479 = arith.index_cast %parallel_loop3A_476 : i32 to index
        %parallel_loop3A_480 = arith.index_cast %parallel_loop3A_439 : i32 to index
        %parallel_loop3A_481 = arith.constant 32 : index
        %parallel_loop3A_482 = tpu.vector_load %arg8[%parallel_loop3A_477, %parallel_loop3A_478, %parallel_loop3A_479, %parallel_loop3A_480, %parallel_loop3A_481] {strides = array<i32>} : memref<2x8x1x8x128xf32, #tpu.memory_space<vmem>>, vector<16xf32>,
        tpu.vector_store %arg8[%parallel_loop3A_477, %parallel_loop3A_478, %parallel_loop3A_479, %parallel_loop3A_480, %parallel_loop3A_481], %parallel_loop3A_474 {strides = array<i32>} : memref<2x8x1x8x128xf32, #tpu.memory_space<vmem>>, vector<16xf32>,
        %parallel_loop3A_483 = arith.constant 1 : i32
        %parallel_loop3A_484 = arith.constant 0 : i32
        %parallel_loop3A_485 = arith.constant 0 : i32
        %parallel_loop3A_486 = tpu.memref_slice %arg7[%parallel_loop3A_483, %parallel_loop3A_484, %parallel_loop3A_485] : memref<2x128x64xf32, #tpu.memory_space<vmem>> -> memref<1x128x64xf32, #tpu.memory_space<vmem>>
        %parallel_loop3A_487 = tpu.memref_squeeze %parallel_loop3A_486 : memref<1x128x64xf32, #tpu.memory_space<vmem>> -> memref<128x64xf32, #tpu.memory_space<vmem>>
        %parallel_loop3A_488 = tpu.vector_load_idx %parallel_loop3A_487[%add3A_14, %parallel_loop3A_440] : memref<128x64xf32, #tpu.memory_space<vmem>>[vector<16xi32>, vector<16xi32>], vector<16xf32>,
        %parallel_loop3A_489 = arith.constant 1 : i32
        %parallel_loop3A_490 = arith.constant 0 : i32
        %parallel_loop3A_491 = arith.index_cast %parallel_loop3A_489 : i32 to index
        %parallel_loop3A_492 = arith.index_cast %parallel_loop3A_436 : i32 to index
        %parallel_loop3A_493 = arith.index_cast %parallel_loop3A_490 : i32 to index
        %parallel_loop3A_494 = arith.index_cast %parallel_loop3A_439 : i32 to index
        %parallel_loop3A_495 = arith.constant 48 : index
        %parallel_loop3A_496 = tpu.vector_load %arg8[%parallel_loop3A_491, %parallel_loop3A_492, %parallel_loop3A_493, %parallel_loop3A_494, %parallel_loop3A_495] {strides = array<i32>} : memref<2x8x1x8x128xf32, #tpu.memory_space<vmem>>, vector<16xf32>,
        tpu.vector_store %arg8[%parallel_loop3A_491, %parallel_loop3A_492, %parallel_loop3A_493, %parallel_loop3A_494, %parallel_loop3A_495], %parallel_loop3A_488 {strides = array<i32>} : memref<2x8x1x8x128xf32, #tpu.memory_space<vmem>>, vector<16xf32>,
        %parallel_loop3A_497 = arith.constant 1 : i32
        %parallel_loop3A_498 = arith.constant 0 : i32
        %parallel_loop3A_499 = arith.constant 0 : i32
        %parallel_loop3A_500 = tpu.memref_slice %arg7[%parallel_loop3A_497, %parallel_loop3A_498, %parallel_loop3A_499] : memref<2x128x64xf32, #tpu.memory_space<vmem>> -> memref<1x128x64xf32, #tpu.memory_space<vmem>>
        %parallel_loop3A_501 = tpu.memref_squeeze %parallel_loop3A_500 : memref<1x128x64xf32, #tpu.memory_space<vmem>> -> memref<128x64xf32, #tpu.memory_space<vmem>>
        %parallel_loop3A_502 = tpu.vector_load_idx %parallel_loop3A_501[%add3A_17, %parallel_loop3A_440] : memref<128x64xf32, #tpu.memory_space<vmem>>[vector<16xi32>, vector<16xi32>], vector<16xf32>,
        %parallel_loop3A_503 = arith.constant 1 : i32
        %parallel_loop3A_504 = arith.constant 0 : i32
        %parallel_loop3A_505 = arith.index_cast %parallel_loop3A_503 : i32 to index
        %parallel_loop3A_506 = arith.index_cast %parallel_loop3A_436 : i32 to index
        %parallel_loop3A_507 = arith.index_cast %parallel_loop3A_504 : i32 to index
        %parallel_loop3A_508 = arith.index_cast %parallel_loop3A_439 : i32 to index
        %parallel_loop3A_509 = arith.constant 64 : index
        %parallel_loop3A_510 = tpu.vector_load %arg8[%parallel_loop3A_505, %parallel_loop3A_506, %parallel_loop3A_507, %parallel_loop3A_508, %parallel_loop3A_509] {strides = array<i32>} : memref<2x8x1x8x128xf32, #tpu.memory_space<vmem>>, vector<16xf32>,
        tpu.vector_store %arg8[%parallel_loop3A_505, %parallel_loop3A_506, %parallel_loop3A_507, %parallel_loop3A_508, %parallel_loop3A_509], %parallel_loop3A_502 {strides = array<i32>} : memref<2x8x1x8x128xf32, #tpu.memory_space<vmem>>, vector<16xf32>,
        %parallel_loop3A_511 = arith.constant 1 : i32
        %parallel_loop3A_512 = arith.constant 0 : i32
        %parallel_loop3A_513 = arith.constant 0 : i32
        %parallel_loop3A_514 = tpu.memref_slice %arg7[%parallel_loop3A_511, %parallel_loop3A_512, %parallel_loop3A_513] : memref<2x128x64xf32, #tpu.memory_space<vmem>> -> memref<1x128x64xf32, #tpu.memory_space<vmem>>
        %parallel_loop3A_515 = tpu.memref_squeeze %parallel_loop3A_514 : memref<1x128x64xf32, #tpu.memory_space<vmem>> -> memref<128x64xf32, #tpu.memory_space<vmem>>
        %parallel_loop3A_516 = tpu.vector_load_idx %parallel_loop3A_515[%add3A_20, %parallel_loop3A_440] : memref<128x64xf32, #tpu.memory_space<vmem>>[vector<16xi32>, vector<16xi32>], vector<16xf32>,
        %parallel_loop3A_517 = arith.constant 1 : i32
        %parallel_loop3A_518 = arith.constant 0 : i32
        %parallel_loop3A_519 = arith.index_cast %parallel_loop3A_517 : i32 to index
        %parallel_loop3A_520 = arith.index_cast %parallel_loop3A_436 : i32 to index
        %parallel_loop3A_521 = arith.index_cast %parallel_loop3A_518 : i32 to index
        %parallel_loop3A_522 = arith.index_cast %parallel_loop3A_439 : i32 to index
        %parallel_loop3A_523 = arith.constant 80 : index
        %parallel_loop3A_524 = tpu.vector_load %arg8[%parallel_loop3A_519, %parallel_loop3A_520, %parallel_loop3A_521, %parallel_loop3A_522, %parallel_loop3A_523] {strides = array<i32>} : memref<2x8x1x8x128xf32, #tpu.memory_space<vmem>>, vector<16xf32>,
        tpu.vector_store %arg8[%parallel_loop3A_519, %parallel_loop3A_520, %parallel_loop3A_521, %parallel_loop3A_522, %parallel_loop3A_523], %parallel_loop3A_516 {strides = array<i32>} : memref<2x8x1x8x128xf32, #tpu.memory_space<vmem>>, vector<16xf32>,
        %parallel_loop3A_525 = arith.constant 1 : i32
        %parallel_loop3A_526 = arith.constant 0 : i32
        %parallel_loop3A_527 = arith.constant 0 : i32
        %parallel_loop3A_528 = tpu.memref_slice %arg7[%parallel_loop3A_525, %parallel_loop3A_526, %parallel_loop3A_527] : memref<2x128x64xf32, #tpu.memory_space<vmem>> -> memref<1x128x64xf32, #tpu.memory_space<vmem>>
        %parallel_loop3A_529 = tpu.memref_squeeze %parallel_loop3A_528 : memref<1x128x64xf32, #tpu.memory_space<vmem>> -> memref<128x64xf32, #tpu.memory_space<vmem>>
        %parallel_loop3A_530 = tpu.vector_load_idx %parallel_loop3A_529[%add3A_23, %parallel_loop3A_440] : memref<128x64xf32, #tpu.memory_space<vmem>>[vector<16xi32>, vector<16xi32>], vector<16xf32>,
        %parallel_loop3A_531 = arith.constant 1 : i32
        %parallel_loop3A_532 = arith.constant 0 : i32
        %parallel_loop3A_533 = arith.index_cast %parallel_loop3A_531 : i32 to index
        %parallel_loop3A_534 = arith.index_cast %parallel_loop3A_436 : i32 to index
        %parallel_loop3A_535 = arith.index_cast %parallel_loop3A_532 : i32 to index
        %parallel_loop3A_536 = arith.index_cast %parallel_loop3A_439 : i32 to index
        %parallel_loop3A_537 = arith.constant 96 : index
        %parallel_loop3A_538 = tpu.vector_load %arg8[%parallel_loop3A_533, %parallel_loop3A_534, %parallel_loop3A_535, %parallel_loop3A_536, %parallel_loop3A_537] {strides = array<i32>} : memref<2x8x1x8x128xf32, #tpu.memory_space<vmem>>, vector<16xf32>,
        tpu.vector_store %arg8[%parallel_loop3A_533, %parallel_loop3A_534, %parallel_loop3A_535, %parallel_loop3A_536, %parallel_loop3A_537], %parallel_loop3A_530 {strides = array<i32>} : memref<2x8x1x8x128xf32, #tpu.memory_space<vmem>>, vector<16xf32>,
        %parallel_loop3A_539 = arith.constant 1 : i32
        %parallel_loop3A_540 = arith.constant 0 : i32
        %parallel_loop3A_541 = arith.constant 0 : i32
        %parallel_loop3A_542 = tpu.memref_slice %arg7[%parallel_loop3A_539, %parallel_loop3A_540, %parallel_loop3A_541] : memref<2x128x64xf32, #tpu.memory_space<vmem>> -> memref<1x128x64xf32, #tpu.memory_space<vmem>>
        %parallel_loop3A_543 = tpu.memref_squeeze %parallel_loop3A_542 : memref<1x128x64xf32, #tpu.memory_space<vmem>> -> memref<128x64xf32, #tpu.memory_space<vmem>>
        %parallel_loop3A_544 = tpu.vector_load_idx %parallel_loop3A_543[%add3A_26, %parallel_loop3A_440] : memref<128x64xf32, #tpu.memory_space<vmem>>[vector<16xi32>, vector<16xi32>], vector<16xf32>,
        %parallel_loop3A_545 = arith.constant 1 : i32
        %parallel_loop3A_546 = arith.constant 0 : i32
        %parallel_loop3A_547 = arith.index_cast %parallel_loop3A_545 : i32 to index
        %parallel_loop3A_548 = arith.index_cast %parallel_loop3A_436 : i32 to index
        %parallel_loop3A_549 = arith.index_cast %parallel_loop3A_546 : i32 to index
        %parallel_loop3A_550 = arith.index_cast %parallel_loop3A_439 : i32 to index
        %parallel_loop3A_551 = arith.constant 112 : index
        %parallel_loop3A_552 = tpu.vector_load %arg8[%parallel_loop3A_547, %parallel_loop3A_548, %parallel_loop3A_549, %parallel_loop3A_550, %parallel_loop3A_551] {strides = array<i32>} : memref<2x8x1x8x128xf32, #tpu.memory_space<vmem>>, vector<16xf32>,
        tpu.vector_store %arg8[%parallel_loop3A_547, %parallel_loop3A_548, %parallel_loop3A_549, %parallel_loop3A_550, %parallel_loop3A_551], %parallel_loop3A_544 {strides = array<i32>} : memref<2x8x1x8x128xf32, #tpu.memory_space<vmem>>, vector<16xf32>,
      } {sc.loop_unroll_factor = 16 : i64, sc.parallel_access}
      %jit3A_359 = arith.constant 4 : i32
      %div3A_360 = arith.divsi %add3A_180, %jit3A_359 : i32
      %sign3A_361 = arith.constant 0 : i32
      %sign3A_362 = arith.cmpi sgt, %add3A_180, %sign3A_361 : i32
      %sign3A_363 = arith.extui %sign3A_362 : i1 to i32
      %sign3A_364 = arith.constant 0 : i32
      %sign3A_365 = arith.cmpi slt, %add3A_180, %sign3A_364 : i32
      %sign3A_366 = arith.extui %sign3A_365 : i1 to i32
      %sign3A_367 = arith.subi %sign3A_363, %sign3A_366 : i32
      %sign3A_368 = arith.constant 0 : i32
      %sign3A_369 = arith.cmpi sgt, %jit3A_359, %sign3A_368 : i32
      %sign3A_370 = arith.extui %sign3A_369 : i1 to i32
      %sign3A_371 = arith.constant 0 : i32
      %sign3A_372 = arith.cmpi slt, %jit3A_359, %sign3A_371 : i32
      %sign3A_373 = arith.extui %sign3A_372 : i1 to i32
      %sign3A_374 = arith.subi %sign3A_370, %sign3A_373 : i32
      %ne3A_375 = arith.cmpi ne, %sign3A_367, %sign3A_374 : i32
      %rem3A_376 = arith.remsi %add3A_180, %jit3A_359 : i32
      %ne3A_377 = arith.constant 0 : i32
      %ne3A_378 = arith.cmpi ne, %rem3A_376, %ne3A_377 : i32
      %and3A_379 = arith.andi %ne3A_375, %ne3A_378 : i1
      %sub3A_380 = arith.constant 1 : i32
      %sub3A_381 = arith.subi %div3A_360, %sub3A_380 : i32
      %select_n3A_382 = arith.select %and3A_379, %sub3A_381, %div3A_360 : i32
      %mul3A_383 = arith.constant 4 : i32
      %mul3A_384 = arith.muli %select_n3A_382, %mul3A_383 : i32
      %sub3A_385 = arith.subi %add3A_180, %mul3A_384 : i32
      %mul3A_386 = arith.constant 4 : i32
      %mul3A_387 = arith.muli %add3A, %mul3A_386 : i32
      %add3A_388 = arith.addi %mul3A_387, %sub3A_385 : i32
      %dma_start3A_389 = arith.constant 1 : i32
      %dma_start3A_390 = arith.constant 0 : i32
      %dma_start3A_391 = arith.constant 0 : i32
      %dma_start3A_392 = arith.constant 0 : i32
      %dma_start3A_393 = arith.constant 0 : i32
      %dma_start3A_394 = tpu.memref_slice %arg8[%dma_start3A_389, %dma_start3A_390, %dma_start3A_391, %dma_start3A_392, %dma_start3A_393] : memref<2x8x1x8x128xf32, #tpu.memory_space<vmem>> -> memref<1x8x1x8x128xf32, #tpu.memory_space<vmem>>
      %dma_start3A_395 = tpu.memref_squeeze %dma_start3A_394 : memref<1x8x1x8x128xf32, #tpu.memory_space<vmem>> -> memref<8x1x8x128xf32, #tpu.memory_space<vmem>>
      %dma_start3A_396 = arith.constant 0 : i32
      %dma_start3A_397 = arith.constant 0 : i32
      %dma_start3A_398 = arith.constant 0 : i32
      %dma_start3A_399 = tpu.memref_slice %arg4[%select_n3A_382, %dma_start3A_396, %add3A_388, %dma_start3A_397, %dma_start3A_398] : memref<50x8x128x8x128xf32, #tpu.memory_space<hbm>> -> memref<1x8x1x8x128xf32, #tpu.memory_space<hbm>>
      %dma_start3A_400 = tpu.memref_squeeze %dma_start3A_399 : memref<1x8x1x8x128xf32, #tpu.memory_space<hbm>> -> memref<8x1x8x128xf32, #tpu.memory_space<hbm>>
      %dma_start3A_401 = arith.constant 0 : i32
      %dma_start3A_402 = arith.constant 0 : i32
      %dma_start3A_403 = arith.constant 0 : i32
      %dma_start3A_404 = tpu.memref_slice %arg4[%select_n3A_382, %dma_start3A_401, %add3A_388, %dma_start3A_402, %dma_start3A_403] : memref<50x8x128x8x128xf32, #tpu.memory_space<hbm>> -> memref<1x8x1x8x128xf32, #tpu.memory_space<hbm>>
      %dma_start3A_405 = tpu.memref_squeeze %dma_start3A_404 : memref<1x8x1x8x128xf32, #tpu.memory_space<hbm>> -> memref<8x1x8x128xf32, #tpu.memory_space<hbm>>
      %dma_start3A_406 = arith.constant 0 : i32
      %dma_start3A_407 = arith.constant 0 : i32
      %dma_start3A_408 = arith.constant 0 : i32
      %dma_start3A_409 = arith.constant 0 : i32
      %dma_start3A_410 = tpu.memref_slice %arg8[%dma_start3A_389, %dma_start3A_406, %dma_start3A_407, %dma_start3A_408, %dma_start3A_409] : memref<2x8x1x8x128xf32, #tpu.memory_space<vmem>> -> memref<1x8x1x8x128xf32, #tpu.memory_space<vmem>>
      %dma_start3A_411 = tpu.memref_squeeze %dma_start3A_410 : memref<1x8x1x8x128xf32, #tpu.memory_space<vmem>> -> memref<8x1x8x128xf32, #tpu.memory_space<vmem>>
      tpu.enqueue_dma source(%dma_start3A_411 : memref<8x1x8x128xf32, #tpu.memory_space<vmem>>) target(%dma_start3A_405 : memref<8x1x8x128xf32, #tpu.memory_space<hbm>>) target_semaphore(%arg10 : memref<!tpu.dma_semaphore, #tpu.memory_space<semaphore_mem>>)
    }
    %scan3A_120 = arith.constant 100 : i32
    %mul3A_121 = arith.constant 4 : i32
    %mul3A_122 = arith.muli %add3A, %mul3A_121 : i32
    %add3A_123 = arith.constant 2 : i32
    %add3A_124 = arith.addi %mul3A_122, %add3A_123 : i32
    %dma_wait3A = arith.constant 0 : i32
    %dma_wait3A_125 = arith.constant 49 : i32
    %dma_wait3A_126 = arith.constant 0 : i32
    %dma_wait3A_127 = arith.constant 0 : i32
    %dma_wait3A_128 = arith.constant 0 : i32
    %dma_wait3A_129 = arith.constant 0 : i32
    %dma_wait3A_130 = tpu.memref_slice %arg8[%dma_wait3A, %dma_wait3A_126, %dma_wait3A_127, %dma_wait3A_128, %dma_wait3A_129] : memref<2x8x1x8x128xf32, #tpu.memory_space<vmem>> -> memref<1x8x1x8x128xf32, #tpu.memory_space<vmem>>
    %dma_wait3A_131 = tpu.memref_squeeze %dma_wait3A_130 : memref<1x8x1x8x128xf32, #tpu.memory_space<vmem>> -> memref<8x1x8x128xf32, #tpu.memory_space<vmem>>
    %dma_wait3A_132 = arith.constant 0 : i32
    %dma_wait3A_133 = arith.constant 0 : i32
    %dma_wait3A_134 = arith.constant 0 : i32
    %dma_wait3A_135 = tpu.memref_slice %arg4[%dma_wait3A_125, %dma_wait3A_132, %add3A_124, %dma_wait3A_133, %dma_wait3A_134] : memref<50x8x128x8x128xf32, #tpu.memory_space<hbm>> -> memref<1x8x1x8x128xf32, #tpu.memory_space<hbm>>
    %dma_wait3A_136 = tpu.memref_squeeze %dma_wait3A_135 : memref<1x8x1x8x128xf32, #tpu.memory_space<hbm>> -> memref<8x1x8x128xf32, #tpu.memory_space<hbm>>
    %dma_wait3A_137 = arith.constant 0 : i32
    %dma_wait3A_138 = arith.constant 0 : i32
    %dma_wait3A_139 = arith.constant 0 : i32
    %dma_wait3A_140 = tpu.memref_slice %arg4[%dma_wait3A_125, %dma_wait3A_137, %add3A_124, %dma_wait3A_138, %dma_wait3A_139] : memref<50x8x128x8x128xf32, #tpu.memory_space<hbm>> -> memref<1x8x1x8x128xf32, #tpu.memory_space<hbm>>
    %dma_wait3A_141 = tpu.memref_squeeze %dma_wait3A_140 : memref<1x8x1x8x128xf32, #tpu.memory_space<hbm>> -> memref<8x1x8x128xf32, #tpu.memory_space<hbm>>
    %dma_wait3A_142 = arith.constant 0 : i32
    %dma_wait3A_143 = arith.constant 0 : i32
    %dma_wait3A_144 = arith.constant 0 : i32
    %dma_wait3A_145 = arith.constant 0 : i32
    %dma_wait3A_146 = tpu.memref_slice %arg8[%dma_wait3A, %dma_wait3A_142, %dma_wait3A_143, %dma_wait3A_144, %dma_wait3A_145] : memref<2x8x1x8x128xf32, #tpu.memory_space<vmem>> -> memref<1x8x1x8x128xf32, #tpu.memory_space<vmem>>
    %dma_wait3A_147 = tpu.memref_squeeze %dma_wait3A_146 : memref<1x8x1x8x128xf32, #tpu.memory_space<vmem>> -> memref<8x1x8x128xf32, #tpu.memory_space<vmem>>
    tpu.wait_dma2 semaphore(%arg10 : memref<!tpu.dma_semaphore, #tpu.memory_space<semaphore_mem>>) src(%dma_wait3A_147 : memref<8x1x8x128xf32, #tpu.memory_space<vmem>>) dst(%dma_wait3A_141 : memref<8x1x8x128xf32, #tpu.memory_space<hbm>>)
    %mul3A_148 = arith.constant 4 : i32
    %mul3A_149 = arith.muli %add3A, %mul3A_148 : i32
    %add3A_150 = arith.constant 3 : i32
    %add3A_151 = arith.addi %mul3A_149, %add3A_150 : i32
    %dma_wait3A_152 = arith.constant 1 : i32
    %dma_wait3A_153 = arith.constant 49 : i32
    %dma_wait3A_154 = arith.constant 0 : i32
    %dma_wait3A_155 = arith.constant 0 : i32
    %dma_wait3A_156 = arith.constant 0 : i32
    %dma_wait3A_157 = arith.constant 0 : i32
    %dma_wait3A_158 = tpu.memref_slice %arg8[%dma_wait3A_152, %dma_wait3A_154, %dma_wait3A_155, %dma_wait3A_156, %dma_wait3A_157] : memref<2x8x1x8x128xf32, #tpu.memory_space<vmem>> -> memref<1x8x1x8x128xf32, #tpu.memory_space<vmem>>
    %dma_wait3A_159 = tpu.memref_squeeze %dma_wait3A_158 : memref<1x8x1x8x128xf32, #tpu.memory_space<vmem>> -> memref<8x1x8x128xf32, #tpu.memory_space<vmem>>
    %dma_wait3A_160 = arith.constant 0 : i32
    %dma_wait3A_161 = arith.constant 0 : i32
    %dma_wait3A_162 = arith.constant 0 : i32
    %dma_wait3A_163 = tpu.memref_slice %arg4[%dma_wait3A_153, %dma_wait3A_160, %add3A_151, %dma_wait3A_161, %dma_wait3A_162] : memref<50x8x128x8x128xf32, #tpu.memory_space<hbm>> -> memref<1x8x1x8x128xf32, #tpu.memory_space<hbm>>
    %dma_wait3A_164 = tpu.memref_squeeze %dma_wait3A_163 : memref<1x8x1x8x128xf32, #tpu.memory_space<hbm>> -> memref<8x1x8x128xf32, #tpu.memory_space<hbm>>
    %dma_wait3A_165 = arith.constant 0 : i32
    %dma_wait3A_166 = arith.constant 0 : i32
    %dma_wait3A_167 = arith.constant 0 : i32
    %dma_wait3A_168 = tpu.memref_slice %arg4[%dma_wait3A_153, %dma_wait3A_165, %add3A_151, %dma_wait3A_166, %dma_wait3A_167] : memref<50x8x128x8x128xf32, #tpu.memory_space<hbm>> -> memref<1x8x1x8x128xf32, #tpu.memory_space<hbm>>
    %dma_wait3A_169 = tpu.memref_squeeze %dma_wait3A_168 : memref<1x8x1x8x128xf32, #tpu.memory_space<hbm>> -> memref<8x1x8x128xf32, #tpu.memory_space<hbm>>
    %dma_wait3A_170 = arith.constant 0 : i32
    %dma_wait3A_171 = arith.constant 0 : i32
    %dma_wait3A_172 = arith.constant 0 : i32
    %dma_wait3A_173 = arith.constant 0 : i32
    %dma_wait3A_174 = tpu.memref_slice %arg8[%dma_wait3A_152, %dma_wait3A_170, %dma_wait3A_171, %dma_wait3A_172, %dma_wait3A_173] : memref<2x8x1x8x128xf32, #tpu.memory_space<vmem>> -> memref<1x8x1x8x128xf32, #tpu.memory_space<vmem>>
    %dma_wait3A_175 = tpu.memref_squeeze %dma_wait3A_174 : memref<1x8x1x8x128xf32, #tpu.memory_space<vmem>> -> memref<8x1x8x128xf32, #tpu.memory_space<vmem>>
    tpu.wait_dma2 semaphore(%arg10 : memref<!tpu.dma_semaphore, #tpu.memory_space<semaphore_mem>>) src(%dma_wait3A_175 : memref<8x1x8x128xf32, #tpu.memory_space<vmem>>) dst(%dma_wait3A_169 : memref<8x1x8x128xf32, #tpu.memory_space<hbm>>)
    return
  }
}

</mosaic_0001>

<sc_bundles>
// kernel: kernel.3.cloned.1.call-start
scs
__scs_entry_jumppad:
0x0: {  	(pc) =	sbr.rel $0x88, $3  }
0x1: {  	(tag) =	ssettag $0x0;
	lr =	simm.s32 $0x1  }
0x2: {  	[smem:$0x3F9F] =	sst lr;
	_ =	strace $0xD0000000  }
0x3: {  	_ = 	snop  }
0x4: {  	_ = 	snop  }
0x5: {  	_ = 	snop  }
0x6: {  	_ = 	snop  }
0x7: {  	_ = 	snop  }
__scs_overlays_trampoline_lowered:
0x8: {  	[smem:$0x3FAE] =	sst s0  }
0x9: {  	[smem:$0x3FAF] =	sst s1  }
0xa: {  	[smem:$0x3FB0] =	sst s2  }
0xb: {  	[smem:$0x3FB1] =	sst s3  }
0xc: {  	[smem:$0x3FB2] =	sst s4  }
0xd: {  	[smem:$0x3FB3] =	sst s5  }
0xe: {  	[smem:$0x3FB4] =	sst s6  }
0xf: {  	[smem:$0x3FB5] =	sst s7  }
0x10: {  	[smem:$0x3FB6] =	sst s8  }
0x11: {  	[smem:$0x3FB7] =	sst s9;
	s0 =	simm.s32 @!p0 $0x0  }
0x12: {  	s1 =	sld [smem:$0x3F9D];
	s0 =	simm.s32 @p0 $0x1  }
0x13: {  	[smem:$0x3FB8] =	sst s0;
	s0 =	simm.s32 @!p1 $0x0  }
0x14: {  	s2 =	sld [smem:$0x3F9C];
	s0 =	simm.s32 @p1 $0x1  }
0x15: {  	[smem:$0x3FB9] =	sst s0;
	s0 =	simm.s32 @!p2 $0x0  }
0x16: {  	s3 =	sld [smem:$0x3FDB];
	s0 =	simm.s32 @p2 $0x1  }
0x17: {  	s4 =	simm.s32 $0x1BF5;
	[smem:$0x3FBB] =	sst s0  }
0x18: {  	s0 =	sld [smem:$0x3F9E];
	_ =	swait.ge [sflag:s4], $0x0  }
0x19: {  	s7 =	sld [smem:$0x3F9F]  }
0x1a: {  	s8 =	sadd.s32 $0xFFFFE003, lr  }
0x1b: {  	s9 =	sadd.s32 $0xFFFFFEF7, lr;
	s5 =	simm.s32 $0xFFFFFFFF;
	p2 =	slt.u32 s8, $0xFFFFF086  }
0x1c: {  	p1 =	slt.u32 s9, $0xF7A;
	s5 =	simm.s32 @!p2 $0x0  }
0x1d: {  	s5 =	simm.s32 @p1 $0x1;
	p0 =	seq.s32 s7, s2  }
0x1e: {  	s7 =	smul.u32 @!p0 $0xF7A, s2;
	p2 =	seq.s32 @!p0 s5, $0x0  }
0x1f: {  	s9 =	smul.u32 $0xF7A, s1;
	s8 =	simm.s32 @!p0 $0x1BF5;
	p2 =	por !p2, p0  }
0x20: {  	[sflag:s8] =	ssyncset.s32 @!p0 $0xFFFFF086;
	s6 =	sadd.s32 @!p0 s3, s7;
	s7 =	simm.s32 @!p0 $0x108  }
0x21: {  	s3 =	sadd.s32 s3, s9;
	s6 =	sadd.s32 @!p0 $0x88, s6;
	s7 =	simm.s32 @p2 $0x1082  }
0x22: {  	[simem:s7], [sflag:s8] =	dma.local @!p0 [hbm:s6], $0xF7A  }
0x23: {  	s9 =	sor.u32 $0xD0000000, s2;
	s6 =	simm.s32 $0x108;
	_ =	swait.ge @!p0 [sflag:s8], $0x0  }
0x24: {  	s3 =	sadd.s32 $0x88, s3;
	s6 =	simm.s32 @!p1 $0x1082;
	[sflag:s4] =	ssyncset.s32 $0xFFFFF086  }
0x25: {  	[simem:s6], [sflag:s4] =	dma.local [hbm:s3], $0xF7A  }
0x26: {  	[smem:$0x3F9F] =	sst s1;
	(tag) =	ssettag s2;
	_ =	strace s9  }
0x27: {  	s1 =	sld [smem:$0x3FAF]  }
0x28: {  	s2 =	sld [smem:$0x3FB0]  }
0x29: {  	s4 =	sld [smem:$0x3FB2]  }
0x2a: {  	p0 =	seq.s32 s5, $0x0;
	s5 =	sld [smem:$0x3FB3]  }
0x2b: {  	s6 =	sld [smem:$0x3FB4]  }
0x2c: {  	s7 =	sld [smem:$0x3FB5]  }
0x2d: {  	s3 =	simm.s32 $0x108;
	s8 =	sld [smem:$0x3FB6]  }
0x2e: {  	s3 =	simm.s32 @!p0 $0x1082;
	s9 =	sld [smem:$0x3FB7]  }
0x2f: {  	lr =	sadd.s32 s0, s3;
	s0 =	sld [smem:$0x3FAE]  }
0x30: {  	s3 =	sld [smem:$0x3FB1]  }
0x31: {  	[smem:$0x3FBA] =	sst s10  }
0x32: {  	s10 =	sld [smem:$0x3FB8];
	_ =	sdelay $0x3  }
0x33: {  	p0 =	seq.s32 s10, $0x1;
	s10 =	sld [smem:$0x3FBA];
	_ =	sdelay $0x3  }
0x34: {  	[smem:$0x3FBA] =	sst s10  }
0x35: {  	s10 =	sld [smem:$0x3FB9];
	_ =	sdelay $0x3  }
0x36: {  	p1 =	seq.s32 s10, $0x1;
	s10 =	sld [smem:$0x3FBA];
	_ =	sdelay $0x3  }
0x37: {  	[smem:$0x3FBA] =	sst s10  }
0x38: {  	s10 =	sld [smem:$0x3FBB]  }
0x39: {  	_ = 	snop;
	(pc) =	sbr.ind lr, $3  }
0x3a: {  	_ = 	snop  }
0x3b: {  	_ = 	snop  }
0x3c: {  	p2 =	seq.s32 s10, $0x1;
	s10 =	sld [smem:$0x3FBA]  }
0x3d: {  	_ =	shalt  }
0x3e: {  	_ =	shalt  }
0x3f: {  	_ =	shalt  }
0x40: {  	_ =	shalt  }
0x41: {  	_ =	shalt  }
0x42: {  	_ =	shalt  }
0x43: {  	_ =	shalt  }
0x44: {  	_ =	shalt  }
0x45: {  	_ =	shalt  }
0x46: {  	_ =	shalt  }
0x47: {  	_ =	shalt  }
0x48: {  	_ =	shalt  }
0x49: {  	_ =	shalt  }
0x4a: {  	_ =	shalt  }
0x4b: {  	_ =	shalt  }
0x4c: {  	_ =	shalt  }
0x4d: {  	_ =	shalt  }
0x4e: {  	_ =	shalt  }
0x4f: {  	_ =	shalt  }
0x50: {  	_ =	shalt  }
0x51: {  	_ =	shalt  }
0x52: {  	_ =	shalt  }
0x53: {  	_ =	shalt  }
0x54: {  	_ =	shalt  }
0x55: {  	_ =	shalt  }
0x56: {  	_ =	shalt  }
0x57: {  	_ =	shalt  }
0x58: {  	_ =	shalt  }
0x59: {  	_ =	shalt  }
0x5a: {  	_ =	shalt  }
0x5b: {  	_ =	shalt  }
0x5c: {  	_ =	shalt  }
0x5d: {  	_ =	shalt  }
0x5e: {  	_ =	shalt  }
0x5f: {  	_ =	shalt  }
0x60: {  	_ =	shalt  }
0x61: {  	_ =	shalt  }
0x62: {  	_ =	shalt  }
0x63: {  	_ =	shalt  }
0x64: {  	_ =	shalt  }
0x65: {  	_ =	shalt  }
0x66: {  	_ =	shalt  }
0x67: {  	_ =	shalt  }
0x68: {  	_ =	shalt  }
0x69: {  	_ =	shalt  }
0x6a: {  	_ =	shalt  }
0x6b: {  	_ =	shalt  }
0x6c: {  	_ =	shalt  }
0x6d: {  	_ =	shalt  }
0x6e: {  	_ =	shalt  }
0x6f: {  	_ =	shalt  }
0x70: {  	_ =	shalt  }
0x71: {  	_ =	shalt  }
0x72: {  	_ =	shalt  }
0x73: {  	_ =	shalt  }
0x74: {  	_ =	shalt  }
0x75: {  	_ =	shalt  }
0x76: {  	_ =	shalt  }
0x77: {  	_ =	shalt  }
0x78: {  	_ =	shalt  }
0x79: {  	_ =	shalt  }
0x7a: {  	_ =	shalt  }
0x7b: {  	_ =	shalt  }
0x7c: {  	_ =	shalt  }
0x7d: {  	_ =	shalt  }
0x7e: {  	_ =	shalt  }
0x7f: {  	_ =	shalt  }
0x80: {  	_ =	shalt  }
0x81: {  	_ =	shalt  }
0x82: {  	_ =	shalt  }
0x83: {  	_ =	shalt  }
0x84: {  	_ =	shalt  }
0x85: {  	_ =	shalt  }
0x86: {  	_ =	shalt  }
0x87: {  	_ =	shalt  }
.Lfunc_end0:
.L_simem_size_0:
called_computation_lowered:
.L_overlay_start_0:
0x88: {  	s2 =	sld [smem:$0x3FD9]  }
0x89: {  	s3 =	sld [smem:$0x3FFE];
	_ =	sdelay $0x1  }
0x8a: {  	s1 =	srdreg.scid  }
0x8b: {  	s0 =	sand.u32 $0x1, s1  }
0x8c: {  	s17 =	sshll.u32 s0, $0xA;
	s2 =	sadd.s32 s3, s2  }
0x8d: {  	s2 =	sadd.s32 s2, s17  }
0x8e: {  	[smem:$0x3FC6] =	sst s2  }
0x8f: {  	_ = 	snop  }
0x90: {  	s2 =	sld [smem:$0x3FD0];
	(tm) =	ssettm $0x1  }
0x91: {  	s18 =	sld [smem:$0x3FFB];
	_ =	sdelay $0x3  }
0x92: {  	_ =	strace s18  }
0x93: {  	s3 =	sld [smem:$0x3FFC];
	_ =	sdelay $0x3  }
0x94: {  	_ =	strace s3  }
0x95: {  	s3 =	sld [smem:$0x3FFD];
	_ =	sdelay $0x3  }
0x96: {  	_ =	strace s3  }
0x97: {  	_ =	strace $0x8FFFFFFF  }
0x98: {  	s19 =	sld [smem:$0x3FDB];
	_ =	sdelay $0x1  }
0x99: {  	s4 =	simm.s32 $_scs_section_size  }
0x9a: {  	s5 =	simm.s32 $_size__tile_overlayer_lowered;
	s6 =	simm.s32 $_tile_overlayer_lowered  }
0x9b: {  	s22 =	simm.s32 $0x1BFF;
	s21 =	sshll.u32 s6, $0x1;
	s3 =	sadd.s32 s4, s19  }
0x9c: {  	s7 =	simm.s32 $0x0;
	s20 =	sshll.u32 s5, $0x1;
	s5 =	sadd.s32 s21, s3  }
0x9d: {  	[timem:s7], [sflag:s22] =	dma.local [hbm:s5], s20  }
0x9e: {  	_ =	swait.ge [sflag:s22], s20  }
0x9f: {  	s4 =	ssub.s32 $0x0, s20;
	[sflag:s22] =	ssyncset.done $0x0  }
0xa0: {  	[sflag:s22] =	ssyncadd.s32 s4;
	_ =	sdelay $0x1  }
0xa1: {  	s23 =	simm.s32 $0x1B8B  }
0xa2: {  	_ =	swait.ge [sflag:s23], $0x1  }
0xa3: {  	[sflag:s23] =	ssyncset.done $0x0  }
0xa4: {  	s25 =	simm.s32 $0x1B8E;
	s24 =	sld [smem:$0x3FFE];
	[sflag:s23] =	ssyncadd.s32 $0xFFFFFFFF  }
0xa5: {  	s26 =	simm.s32 $execute0_lowered;
	[smem:$0x3FD2] =	sst s25  }
0xa6: {  	s5 =	sshll.u32 s26, $0x1;
	_ =	strace $0x80000046;
	[dreg:$0x1] =	wrdreg $0xFFFFFFFF  }
0xa7: {  	s28 =	simm.s32 $_size_execute0_lowered;
	s3 =	sadd.s32 s3, s5;
	[dreg:$0x0] =	wrdreg $0x0  }
0xa8: {  	s5 =	sshll.u32 s28, $0x1;
	[dreg:$0x2] =	wrdreg s3  }
0xa9: {  	[dreg:$0x3] =	wrdreg s5  }
0xaa: {  	[dreg:$0x4] =	wrdreg $0xC0  }
0xab: {  	_ =	task [dreg:s7], $0x5FFFF  }
0xac: {  	[dreg:$0x1] =	wrdreg $0xFFFFFFFF  }
0xad: {  	[dreg:$0x0] =	wrdreg $0x60  }
0xae: {  	[dreg:$0x2] =	wrdreg s24  }
0xaf: {  	[dreg:$0x3] =	wrdreg s2  }
0xb0: {  	[dreg:$0x4] =	wrdreg $0x9  }
0xb1: {  	_ =	task.clear_ibuf [dreg:s7], $0x5FFFF;
	_ =	strace $0x90000046  }
0xb2: {  	s29 =	simm.s32 $0x9;
	_ =	strace $0x80000048  }
0xb3: {  	_ =	swait.ge [sflag:s29], $0x1  }
0xb4: {  	[sflag:s29] =	ssyncadd.s32 $0xFFFFFFFF  }
0xb5: {  	_ =	strace $0x90000048  }
0xb6: {  	_ =	sfence  }
0xb7: {  	s30 =	sld [smem:$0x0];
	_ =	sdelay $0x2  }
0xb8: {  	s31 =	sshll.u32 s1, $0xD;
	s1 =	sshrl.u32 s1, $0x2  }
0xb9: {  	s3 =	sand.u32 $0x4000, s31;
	s1 =	sadd.s32 s1, s30  }
0xba: {  	s0 =	sor.u32 s3, s0;
	s1 =	sshll.u32 s1, $0x11  }
0xbb: {  	s0 =	sor.u32 s1, s0  }
0xbc: {  	s0 =	sadd.s32 $0x8F2B, s0  }
0xbd: {  	[sflag:s0] =	ssyncadd.remote.s32 $0x1  }
0xbe: {  	_ =	sfence.sel $0xFFFF  }
0xbf: {  	[dreg:$0x0] =	wrdreg $0xFFFFFFFF;
	(pc) =	sbr.abs _section_cstart, $3  }
0xc0: {  	[dreg:$0x1] =	wrdreg $0xFFFFFFFF  }
0xc1: {  	_ =	task.clear_ibuf [dreg:s7], $0x2FFFF;
	_ =	strace $0x9FFFFFFF  }
0xc2: {  	(tm) =	ssettm $0x7FFFFFFF  }
0xc3: {  	_ =	shalt  }
tec
execute0_lowered:
.L_overlay_start_1:
0x0: {  	(tag) =	ssettag $0x1  }
0x1: {  	v0 =	vlaneseq.u32  }
0x2: {  	v2 =	vmul.u32 $0x40, v0;
	_ =	sdelay $0x1  }
0x3: {  	v3 =	vmul.u32 $0x38, v0;
	v0 =	vor.u32 $0x1800, v2  }
0x4: {  	[tilespmem:$0x1FC10] =	vst v0;
	v0 =	vor.u32 $0x1C00, v2  }
0x5: {  	s5 =	rddreg [dreg:$0x0];
	[tilespmem:$0x1FC20] =	vst v0;
	v0 =	vor.u32 $0x1, v2  }
0x6: {  	s2 =	rddreg [dreg:$0x1];
	s3 =	simm.s32 $0x0;
	[tilespmem:$0x1FC30] =	vst v0;
	v0 =	vor.u32 $0x401, v2  }
0x7: {  	s1 =	srdreg.scid;
	[smem:$0x7FF] =	sst s3;
	[tilespmem:$0x1FC40] =	vst v0;
	v0 =	vor.u32 $0x801, v2  }
0x8: {  	s4 =	sand.u32 $0x1, s1;
	s1 =	rddreg [dreg:$0x2];
	_ =	strace $0x80000047;
	[tilespmem:$0x1FC50] =	vst v0  }
0x9: {  	v4 =	vadd.s32 $0x380, v3;
	[tilespmem:$0x1FCC0] =	vst v3  }
0xa: {  	v5 =	vadd.s32 $0x700, v3;
	[tilespmem:$0x1FCD0] =	vst v4  }
0xb: {  	v6 =	vadd.s32 $0xA80, v3;
	[tilespmem:$0x1FCE0] =	vst v5  }
0xc: {  	v7 =	vadd.s32 $0xE00, v3;
	[tilespmem:$0x1FCF0] =	vst v6  }
0xd: {  	v8 =	vadd.s32 $0x1180, v3;
	[tilespmem:$0x1FD00] =	vst v7  }
0xe: {  	v9 =	vadd.s32 $0x1500, v3;
	[tilespmem:$0x1FD10] =	vst v8  }
0xf: {  	v10 =	vadd.s32 $0x1880, v3;
	[tilespmem:$0x1FD20] =	vst v9  }
0x10: {  	v11 =	vor.u32 $0x1C00, v3;
	[tilespmem:$0x1FD30] =	vst v10  }
0x11: {  	v12 =	vadd.s32 $0x1F80, v3;
	[tilespmem:$0x1FD40] =	vst v11  }
0x12: {  	v13 =	vadd.s32 $0x2300, v3;
	[tilespmem:$0x1FD50] =	vst v12  }
0x13: {  	v14 =	vadd.s32 $0x2680, v3;
	[tilespmem:$0x1FD60] =	vst v13  }
0x14: {  	v15 =	vadd.s32 $0x2A00, v3;
	[tilespmem:$0x1FD70] =	vst v14  }
0x15: {  	v16 =	vadd.s32 $0x2D80, v3;
	[tilespmem:$0x1FD80] =	vst v15  }
0x16: {  	v17 =	vadd.s32 $0x3100, v3;
	[tilespmem:$0x1FD90] =	vst v16  }
0x17: {  	v18 =	vadd.s32 $0x3480, v3;
	[tilespmem:$0x1FDA0] =	vst v17  }
0x18: {  	v19 =	vor.u32 $0x3800, v3;
	[tilespmem:$0x1FDB0] =	vst v18  }
0x19: {  	v20 =	vadd.s32 $0x3B80, v3;
	[tilespmem:$0x1FDC0] =	vst v19  }
0x1a: {  	v21 =	vadd.s32 $0x3F00, v3;
	[tilespmem:$0x1FDD0] =	vst v20  }
0x1b: {  	v22 =	vadd.s32 $0x4280, v3;
	[tilespmem:$0x1FDE0] =	vst v21  }
0x1c: {  	v23 =	vadd.s32 $0x4600, v3;
	[tilespmem:$0x1FDF0] =	vst v22  }
0x1d: {  	v24 =	vadd.s32 $0x4980, v3;
	[tilespmem:$0x1FE00] =	vst v23  }
0x1e: {  	v25 =	vadd.s32 $0x4D00, v3;
	[tilespmem:$0x1FE10] =	vst v24  }
0x1f: {  	v26 =	vadd.s32 $0x5080, v3;
	[tilespmem:$0x1FE20] =	vst v25  }
0x20: {  	v27 =	vor.u32 $0x5400, v3;
	[tilespmem:$0x1FE30] =	vst v26  }
0x21: {  	v28 =	vadd.s32 $0x5780, v3;
	[tilespmem:$0x1FE40] =	vst v27  }
0x22: {  	v29 =	vadd.s32 $0x5B00, v3;
	[tilespmem:$0x1FE50] =	vst v28  }
0x23: {  	v30 =	vadd.s32 $0x5E80, v3;
	[tilespmem:$0x1FE60] =	vst v29  }
0x24: {  	v31 =	vadd.s32 $0x6200, v3;
	[tilespmem:$0x1FE70] =	vst v30  }
0x25: {  	v32 =	vadd.s32 $0x6580, v3;
	[tilespmem:$0x1FE80] =	vst v31  }
0x26: {  	v34 =	vadd.s32 $0x6900, v3;
	[tilespmem:$0x1FE90] =	vst v32  }
0x27: {  	v35 =	vadd.s32 $0x6C80, v3;
	[tilespmem:$0x1FEA0] =	vst v34  }
0x28: {  	[tilespmem:$0x1FEB0] =	vst v35  }
0x29: {  	v49 =	vor.u32 $0x400, v2;
	[tilespmem:$0x1FEC0] =	vst v2  }
0x2a: {  	v52 =	vor.u32 $0x1C02, v2;
	[tilespmem:$0x1FED0] =	vst v49  }
0x2b: {  	v41 =	vor.u32 $0x403, v2;
	[tilespmem:$0x1FEE0] =	vst v52  }
0x2c: {  	v50 =	vor.u32 $0x803, v2;
	[tilespmem:$0x1FEF0] =	vst v41  }
0x2d: {  	v45 =	vor.u32 $0x402, v2;
	[tilespmem:$0x1FF00] =	vst v50  }
0x2e: {  	v51 =	vor.u32 $0x802, v2;
	[tilespmem:$0x1FF10] =	vst v45  }
0x2f: {  	v48 =	vor.u32 $0x800, v2;
	[tilespmem:$0x1FF20] =	vst v51  }
0x30: {  	v61 =	vor.u32 $0xC02, v2;
	[tilespmem:$0x1FF30] =	vst v48  }
0x31: {  	v62 =	vor.u32 $0x1002, v2;
	[tilespmem:$0x1FF40] =	vst v61  }
0x32: {  	v46 =	vor.u32 $0xC03, v2;
	[tilespmem:$0x1FF50] =	vst v62  }
0x33: {  	v53 =	vor.u32 $0x1003, v2;
	[tilespmem:$0x1FF60] =	vst v46  }
0x34: {  	v55 =	vor.u32 $0x1402, v2;
	[tilespmem:$0x1FF70] =	vst v53  }
0x35: {  	v63 =	vor.u32 $0x1801, v2;
	[tilespmem:$0x1FF80] =	vst v55  }
0x36: {  	v59 =	vor.u32 $0x2, v2;
	[tilespmem:$0x1FF90] =	vst v63  }
0x37: {  	v44 =	vor.u32 $0x1403, v2;
	[tilespmem:$0x1FFA0] =	vst v59  }
0x38: {  	v36 =	vor.u32 $0x1802, v2;
	[tilespmem:$0x1FFB0] =	vst v44  }
0x39: {  	v47 =	vor.u32 $0xC00, v2;
	[tilespmem:$0x1FFC0] =	vst v36  }
0x3a: {  	v57 =	vor.u32 $0x1000, v2;
	[tilespmem:$0x1FFD0] =	vst v47  }
0x3b: {  	s0 =	stileid.u32;
	s10 =	simm.s32 $0x7000;
	s11 =	simm.s32 $0xD400;
	v37 =	vor.u32 $0x1400, v2;
	[tilespmem:$0x1FFE0] =	vst v57  }
0x3c: {  	s12 =	simm.s32 $0x1;
	s13 =	simm.s32 $0xF400;
	s14 =	simm.s32 $0x400;
	v0 =	vor.u32 $0xC01, v2;
	[tilespmem:$0x1FFF0] =	vst v37  }
0x3d: {  	s15 =	simm.s32 $0x20000;
	s16 =	simm.s32 $0x11400;
	s6 =	sshll.u32 s0, $0x1;
	[tilespmem:$0x1FC60] =	vst v0;
	v0 =	vor.u32 $0x1001, v2  }
0x3e: {  	s17 =	simm.s32 $0x13400;
	s18 =	simm.s32 $0x2;
	s6 =	sor.u32 s4, s6;
	[tilespmem:$0x1FC70] =	vst v0;
	v0 =	vor.u32 $0x1401, v2  }
0x3f: {  	s19 =	simm.s32 $0x0;
	s8 =	ssub.s32 $0x2, s4;
	s7 =	smul.u32 $0xE00, s6;
	[tilespmem:$0x1FC80] =	vst v0;
	v0 =	vor.u32 $0x1C01, v2  }
0x40: {  	s4 =	sadd.s32 $0xF42A00, s5;
	s9 =	sshrl.u32 s8, $0x1;
	s6 =	sshll.u32 s6, $0x2;
	[tilespmem:$0x1FC90] =	vst v0;
	v0 =	vor.u32 $0x3, v2  }
0x41: {  	v1 =	vimm.s32 $0x0;
	vm0 =	vcmask $0x300;
	s31 =	ssub.s32 s8, s9;
	s8 =	simm.s32 $0x3;
	s5 =	sadd.s32 s7, s5;
	[tilespmem:$0x1FCA0] =	vst v0;
	v0 =	vor.u32 $0x1803, v2  }
0x42: {  	v33 =	vsel vm0, $0x3, v1;
	s9 =	simm.s32 $0x80;
	s7 =	smax.u32 s31, $0x1;
	s5 =	sadd.s32 $0x600, s5;
	[tilespmem:$0x1FCB0] =	vst v0  }
.LBB2_1:
0x43: {  	v0 =	vmov s3  }
0x44: {  	v0 =	vand.u32 $0x3F, v0  }
0x45: {  	v1 =	vadd.s32 v3, v0  }
0x46: {  	[tilespmem:s3], [sflag:$0x3] =	stream.linear.gather [hbm4b:s5+s3], $0x7000, $0x38;
	[tilespmem:$0x15400] =	vst v63  }
0x47: {  	_ =	swait.ge [sflag:s8], $0x7000  }
0x48: {  	[sflag:s8] =	ssyncset.done $0x0  }
0x49: {  	[sflag:s8] =	ssyncadd.s32 $0xFFFF9000  }
0x4a: {  	v1 =	vld.idx.msk [tilespmem:v1+s3+$0x0], $0xffff  }
0x4b: {  	v2 =	vadd.s32 v4, v0;
	_ =	sdelay $0x2  }
0x4c: {  	s20 =	simm.s32 $0x7100  }
0x4d: {  	[tilespmem:s20+$0xFFFFFF00] =	vst v1  }
0x4e: {  	v1 =	vld.idx.msk [tilespmem:v2+s3+$0x0], $0xffff  }
0x4f: {  	v2 =	vadd.s32 v5, v0;
	_ =	sdelay $0x3  }
0x50: {  	[tilespmem:s20+$0xFFFFFF10] =	vst v1  }
0x51: {  	v1 =	vld.idx.msk [tilespmem:v2+s3+$0x0], $0xffff  }
0x52: {  	v2 =	vadd.s32 v6, v0;
	_ =	sdelay $0x3  }
0x53: {  	[tilespmem:s20+$0xFFFFFF20] =	vst v1  }
0x54: {  	v1 =	vld.idx.msk [tilespmem:v2+s3+$0x0], $0xffff  }
0x55: {  	v2 =	vadd.s32 v7, v0;
	_ =	sdelay $0x3  }
0x56: {  	[tilespmem:s20+$0xFFFFFF30] =	vst v1  }
0x57: {  	v1 =	vld.idx.msk [tilespmem:v2+s3+$0x0], $0xffff  }
0x58: {  	v2 =	vadd.s32 v8, v0;
	_ =	sdelay $0x3  }
0x59: {  	[tilespmem:s20+$0xFFFFFF40] =	vst v1  }
0x5a: {  	v1 =	vld.idx.msk [tilespmem:v2+s3+$0x0], $0xffff  }
0x5b: {  	v2 =	vadd.s32 v9, v0;
	_ =	sdelay $0x3  }
0x5c: {  	[tilespmem:s20+$0xFFFFFF50] =	vst v1  }
0x5d: {  	v1 =	vld.idx.msk [tilespmem:v2+s3+$0x0], $0xffff  }
0x5e: {  	v2 =	vadd.s32 v10, v0;
	_ =	sdelay $0x3  }
0x5f: {  	[tilespmem:s20+$0xFFFFFF60] =	vst v1  }
0x60: {  	v1 =	vld.idx.msk [tilespmem:v2+s3+$0x0], $0xffff  }
0x61: {  	v2 =	vadd.s32 v11, v0;
	_ =	sdelay $0x3  }
0x62: {  	[tilespmem:s20+$0xFFFFFF70] =	vst v1  }
0x63: {  	v1 =	vld.idx.msk [tilespmem:v2+s3+$0x0], $0xffff  }
0x64: {  	v2 =	vadd.s32 v12, v0;
	_ =	sdelay $0x3  }
0x65: {  	[tilespmem:s20+$0xFFFFFF80] =	vst v1  }
0x66: {  	v1 =	vld.idx.msk [tilespmem:v2+s3+$0x0], $0xffff  }
0x67: {  	v2 =	vadd.s32 v13, v0;
	_ =	sdelay $0x3  }
0x68: {  	[tilespmem:s20+$0xFFFFFF90] =	vst v1  }
0x69: {  	v1 =	vld.idx.msk [tilespmem:v2+s3+$0x0], $0xffff  }
0x6a: {  	v2 =	vadd.s32 v14, v0;
	_ =	sdelay $0x3  }
0x6b: {  	[tilespmem:s20+$0xFFFFFFA0] =	vst v1  }
0x6c: {  	v1 =	vld.idx.msk [tilespmem:v2+s3+$0x0], $0xffff  }
0x6d: {  	v2 =	vadd.s32 v15, v0;
	_ =	sdelay $0x3  }
0x6e: {  	[tilespmem:s20+$0xFFFFFFB0] =	vst v1  }
0x6f: {  	v1 =	vld.idx.msk [tilespmem:v2+s3+$0x0], $0xffff  }
0x70: {  	v2 =	vadd.s32 v16, v0;
	_ =	sdelay $0x3  }
0x71: {  	[tilespmem:s20+$0xFFFFFFC0] =	vst v1  }
0x72: {  	v1 =	vld.idx.msk [tilespmem:v2+s3+$0x0], $0xffff  }
0x73: {  	v2 =	vadd.s32 v17, v0;
	_ =	sdelay $0x3  }
0x74: {  	[tilespmem:s20+$0xFFFFFFD0] =	vst v1  }
0x75: {  	v1 =	vld.idx.msk [tilespmem:v2+s3+$0x0], $0xffff  }
0x76: {  	v2 =	vadd.s32 v18, v0;
	_ =	sdelay $0x3  }
0x77: {  	[tilespmem:s20+$0xFFFFFFE0] =	vst v1  }
0x78: {  	v1 =	vld.idx.msk [tilespmem:v2+s3+$0x0], $0xffff  }
0x79: {  	v2 =	vadd.s32 v19, v0;
	_ =	sdelay $0x3  }
0x7a: {  	[tilespmem:s20+$0xFFFFFFF0] =	vst v1  }
0x7b: {  	v1 =	vld.idx.msk [tilespmem:v2+s3+$0x0], $0xffff  }
0x7c: {  	v2 =	vadd.s32 v20, v0;
	_ =	sdelay $0x3  }
0x7d: {  	[tilespmem:s20+$0x0] =	vst v1  }
0x7e: {  	v1 =	vld.idx.msk [tilespmem:v2+s3+$0x0], $0xffff  }
0x7f: {  	v2 =	vadd.s32 v21, v0;
	_ =	sdelay $0x3  }
0x80: {  	[tilespmem:s20+$0x10] =	vst v1  }
0x81: {  	v1 =	vld.idx.msk [tilespmem:v2+s3+$0x0], $0xffff  }
0x82: {  	v2 =	vadd.s32 v22, v0;
	_ =	sdelay $0x3  }
0x83: {  	[tilespmem:s20+$0x20] =	vst v1  }
0x84: {  	v1 =	vld.idx.msk [tilespmem:v2+s3+$0x0], $0xffff  }
0x85: {  	v2 =	vadd.s32 v23, v0;
	_ =	sdelay $0x3  }
0x86: {  	[tilespmem:s20+$0x30] =	vst v1  }
0x87: {  	v1 =	vld.idx.msk [tilespmem:v2+s3+$0x0], $0xffff  }
0x88: {  	v2 =	vadd.s32 v24, v0;
	_ =	sdelay $0x3  }
0x89: {  	[tilespmem:s20+$0x40] =	vst v1  }
0x8a: {  	v1 =	vld.idx.msk [tilespmem:v2+s3+$0x0], $0xffff  }
0x8b: {  	v2 =	vadd.s32 v25, v0;
	_ =	sdelay $0x3  }
0x8c: {  	[tilespmem:s20+$0x50] =	vst v1  }
0x8d: {  	v1 =	vld.idx.msk [tilespmem:v2+s3+$0x0], $0xffff  }
0x8e: {  	v2 =	vadd.s32 v26, v0;
	_ =	sdelay $0x3  }
0x8f: {  	[tilespmem:s20+$0x60] =	vst v1  }
0x90: {  	v1 =	vld.idx.msk [tilespmem:v2+s3+$0x0], $0xffff  }
0x91: {  	v2 =	vadd.s32 v27, v0;
	_ =	sdelay $0x3  }
0x92: {  	[tilespmem:s20+$0x70] =	vst v1  }
0x93: {  	v1 =	vld.idx.msk [tilespmem:v2+s3+$0x0], $0xffff  }
0x94: {  	v2 =	vadd.s32 v28, v0;
	_ =	sdelay $0x3  }
0x95: {  	[tilespmem:s20+$0x80] =	vst v1  }
0x96: {  	v1 =	vld.idx.msk [tilespmem:v2+s3+$0x0], $0xffff  }
0x97: {  	v2 =	vadd.s32 v29, v0;
	_ =	sdelay $0x3  }
0x98: {  	[tilespmem:s20+$0x90] =	vst v1  }
0x99: {  	v1 =	vld.idx.msk [tilespmem:v2+s3+$0x0], $0xffff  }
0x9a: {  	v2 =	vadd.s32 v30, v0;
	_ =	sdelay $0x3  }
0x9b: {  	[tilespmem:s20+$0xA0] =	vst v1  }
0x9c: {  	v1 =	vld.idx.msk [tilespmem:v2+s3+$0x0], $0xffff  }
0x9d: {  	v2 =	vadd.s32 v31, v0;
	_ =	sdelay $0x3  }
0x9e: {  	[tilespmem:s20+$0xB0] =	vst v1  }
0x9f: {  	v1 =	vld.idx.msk [tilespmem:v2+s3+$0x0], $0xffff  }
0xa0: {  	v2 =	vadd.s32 v32, v0;
	_ =	sdelay $0x3  }
0xa1: {  	[tilespmem:s20+$0xC0] =	vst v1  }
0xa2: {  	v1 =	vld.idx.msk [tilespmem:v2+s3+$0x0], $0xffff  }
0xa3: {  	v2 =	vadd.s32 v34, v0;
	_ =	sdelay $0x3  }
0xa4: {  	[tilespmem:s20+$0xD0] =	vst v1  }
0xa5: {  	v1 =	vld.idx.msk [tilespmem:v2+s3+$0x0], $0xffff  }
0xa6: {  	v2 =	vadd.s32 v35, v0;
	_ =	sdelay $0x3  }
0xa7: {  	s21 =	simm.s32 $0x1;
	[tilespmem:s20+$0xE0] =	vst v1  }
0xa8: {  	v0 =	vmov s21;
	s21 =	simm.s32 $0x2;
	v1 =	vld.idx.msk [tilespmem:v2+s3+$0x0], $0xffff  }
.LBB2_2:
0xa9: {  	p0 =	sne.s32 s21, $0x31;
	v0 =	vand.u32 $0x3F, v0  }
0xaa: {  	v2 =	vadd.s32 v3, v0;
	_ =	sdelay $0x3  }
0xab: {  	[tilespmem:s20+$0xF0] =	vst v1  }
0xac: {  	v1 =	vld.idx.msk [tilespmem:v2+s3+$0x0], $0xffff;
	_ =	sdelay $0x1  }
0xad: {  	v2 =	vadd.s32 v4, v0;
	_ =	sdelay $0x2  }
0xae: {  	s20 =	sadd.s32 $0x200, s20  }
0xaf: {  	[tilespmem:s20+$0xFFFFFF00] =	vst v1  }
0xb0: {  	v1 =	vld.idx.msk [tilespmem:v2+s3+$0x0], $0xffff;
	_ =	sdelay $0x1  }
0xb1: {  	v2 =	vadd.s32 v5, v0;
	_ =	sdelay $0x3  }
0xb2: {  	[tilespmem:s20+$0xFFFFFF10] =	vst v1  }
0xb3: {  	v1 =	vld.idx.msk [tilespmem:v2+s3+$0x0], $0xffff;
	_ =	sdelay $0x1  }
0xb4: {  	v2 =	vadd.s32 v6, v0;
	_ =	sdelay $0x3  }
0xb5: {  	[tilespmem:s20+$0xFFFFFF20] =	vst v1  }
0xb6: {  	v1 =	vld.idx.msk [tilespmem:v2+s3+$0x0], $0xffff;
	_ =	sdelay $0x1  }
0xb7: {  	v2 =	vadd.s32 v7, v0;
	_ =	sdelay $0x3  }
0xb8: {  	[tilespmem:s20+$0xFFFFFF30] =	vst v1  }
0xb9: {  	v1 =	vld.idx.msk [tilespmem:v2+s3+$0x0], $0xffff;
	_ =	sdelay $0x1  }
0xba: {  	v2 =	vadd.s32 v8, v0;
	_ =	sdelay $0x3  }
0xbb: {  	[tilespmem:s20+$0xFFFFFF40] =	vst v1  }
0xbc: {  	v1 =	vld.idx.msk [tilespmem:v2+s3+$0x0], $0xffff;
	_ =	sdelay $0x1  }
0xbd: {  	v2 =	vadd.s32 v9, v0;
	_ =	sdelay $0x3  }
0xbe: {  	[tilespmem:s20+$0xFFFFFF50] =	vst v1  }
0xbf: {  	v1 =	vld.idx.msk [tilespmem:v2+s3+$0x0], $0xffff;
	_ =	sdelay $0x1  }
0xc0: {  	v2 =	vadd.s32 v10, v0;
	_ =	sdelay $0x3  }
0xc1: {  	[tilespmem:s20+$0xFFFFFF60] =	vst v1  }
0xc2: {  	v1 =	vld.idx.msk [tilespmem:v2+s3+$0x0], $0xffff;
	_ =	sdelay $0x1  }
0xc3: {  	v2 =	vadd.s32 v11, v0;
	_ =	sdelay $0x3  }
0xc4: {  	[tilespmem:s20+$0xFFFFFF70] =	vst v1  }
0xc5: {  	v1 =	vld.idx.msk [tilespmem:v2+s3+$0x0], $0xffff;
	_ =	sdelay $0x1  }
0xc6: {  	v2 =	vadd.s32 v12, v0;
	_ =	sdelay $0x3  }
0xc7: {  	[tilespmem:s20+$0xFFFFFF80] =	vst v1  }
0xc8: {  	v1 =	vld.idx.msk [tilespmem:v2+s3+$0x0], $0xffff;
	_ =	sdelay $0x1  }
0xc9: {  	v2 =	vadd.s32 v13, v0;
	_ =	sdelay $0x3  }
0xca: {  	[tilespmem:s20+$0xFFFFFF90] =	vst v1  }
0xcb: {  	v1 =	vld.idx.msk [tilespmem:v2+s3+$0x0], $0xffff;
	_ =	sdelay $0x1  }
0xcc: {  	v2 =	vadd.s32 v14, v0;
	_ =	sdelay $0x3  }
0xcd: {  	[tilespmem:s20+$0xFFFFFFA0] =	vst v1  }
0xce: {  	v1 =	vld.idx.msk [tilespmem:v2+s3+$0x0], $0xffff;
	_ =	sdelay $0x1  }
0xcf: {  	v2 =	vadd.s32 v15, v0;
	_ =	sdelay $0x3  }
0xd0: {  	[tilespmem:s20+$0xFFFFFFB0] =	vst v1  }
0xd1: {  	v1 =	vld.idx.msk [tilespmem:v2+s3+$0x0], $0xffff;
	_ =	sdelay $0x1  }
0xd2: {  	v2 =	vadd.s32 v16, v0;
	_ =	sdelay $0x3  }
0xd3: {  	[tilespmem:s20+$0xFFFFFFC0] =	vst v1  }
0xd4: {  	v1 =	vld.idx.msk [tilespmem:v2+s3+$0x0], $0xffff;
	_ =	sdelay $0x1  }
0xd5: {  	v2 =	vadd.s32 v17, v0;
	_ =	sdelay $0x3  }
0xd6: {  	[tilespmem:s20+$0xFFFFFFD0] =	vst v1  }
0xd7: {  	v1 =	vld.idx.msk [tilespmem:v2+s3+$0x0], $0xffff;
	_ =	sdelay $0x1  }
0xd8: {  	v2 =	vadd.s32 v18, v0;
	_ =	sdelay $0x3  }
0xd9: {  	[tilespmem:s20+$0xFFFFFFE0] =	vst v1  }
0xda: {  	v1 =	vld.idx.msk [tilespmem:v2+s3+$0x0], $0xffff;
	_ =	sdelay $0x1  }
0xdb: {  	v2 =	vadd.s32 v19, v0;
	_ =	sdelay $0x3  }
0xdc: {  	[tilespmem:s20+$0xFFFFFFF0] =	vst v1  }
0xdd: {  	v1 =	vld.idx.msk [tilespmem:v2+s3+$0x0], $0xffff;
	_ =	sdelay $0x1  }
0xde: {  	v2 =	vadd.s32 v20, v0;
	_ =	sdelay $0x3  }
0xdf: {  	[tilespmem:s20+$0x0] =	vst v1  }
0xe0: {  	v1 =	vld.idx.msk [tilespmem:v2+s3+$0x0], $0xffff;
	_ =	sdelay $0x1  }
0xe1: {  	v2 =	vadd.s32 v21, v0;
	_ =	sdelay $0x3  }
0xe2: {  	[tilespmem:s20+$0x10] =	vst v1  }
0xe3: {  	v1 =	vld.idx.msk [tilespmem:v2+s3+$0x0], $0xffff;
	_ =	sdelay $0x1  }
0xe4: {  	v2 =	vadd.s32 v22, v0;
	_ =	sdelay $0x3  }
0xe5: {  	[tilespmem:s20+$0x20] =	vst v1  }
0xe6: {  	v1 =	vld.idx.msk [tilespmem:v2+s3+$0x0], $0xffff;
	_ =	sdelay $0x1  }
0xe7: {  	v2 =	vadd.s32 v23, v0;
	_ =	sdelay $0x3  }
0xe8: {  	[tilespmem:s20+$0x30] =	vst v1  }
0xe9: {  	v1 =	vld.idx.msk [tilespmem:v2+s3+$0x0], $0xffff;
	_ =	sdelay $0x1  }
0xea: {  	v2 =	vadd.s32 v24, v0;
	_ =	sdelay $0x3  }
0xeb: {  	[tilespmem:s20+$0x40] =	vst v1  }
0xec: {  	v1 =	vld.idx.msk [tilespmem:v2+s3+$0x0], $0xffff;
	_ =	sdelay $0x1  }
0xed: {  	v2 =	vadd.s32 v25, v0;
	_ =	sdelay $0x3  }
0xee: {  	[tilespmem:s20+$0x50] =	vst v1  }
0xef: {  	v1 =	vld.idx.msk [tilespmem:v2+s3+$0x0], $0xffff;
	_ =	sdelay $0x1  }
0xf0: {  	v2 =	vadd.s32 v26, v0;
	_ =	sdelay $0x3  }
0xf1: {  	[tilespmem:s20+$0x60] =	vst v1  }
0xf2: {  	v1 =	vld.idx.msk [tilespmem:v2+s3+$0x0], $0xffff;
	_ =	sdelay $0x1  }
0xf3: {  	v2 =	vadd.s32 v27, v0;
	_ =	sdelay $0x3  }
0xf4: {  	[tilespmem:s20+$0x70] =	vst v1  }
0xf5: {  	v1 =	vld.idx.msk [tilespmem:v2+s3+$0x0], $0xffff;
	_ =	sdelay $0x1  }
0xf6: {  	v2 =	vadd.s32 v28, v0;
	_ =	sdelay $0x3  }
0xf7: {  	[tilespmem:s20+$0x80] =	vst v1  }
0xf8: {  	v1 =	vld.idx.msk [tilespmem:v2+s3+$0x0], $0xffff;
	_ =	sdelay $0x1  }
0xf9: {  	v2 =	vadd.s32 v29, v0;
	_ =	sdelay $0x3  }
0xfa: {  	[tilespmem:s20+$0x90] =	vst v1  }
0xfb: {  	v1 =	vld.idx.msk [tilespmem:v2+s3+$0x0], $0xffff;
	_ =	sdelay $0x1  }
0xfc: {  	v2 =	vadd.s32 v30, v0;
	_ =	sdelay $0x3  }
0xfd: {  	[tilespmem:s20+$0xA0] =	vst v1  }
0xfe: {  	v1 =	vld.idx.msk [tilespmem:v2+s3+$0x0], $0xffff;
	_ =	sdelay $0x1  }
0xff: {  	v2 =	vadd.s32 v31, v0;
	_ =	sdelay $0x3  }
0x100: {  	[tilespmem:s20+$0xB0] =	vst v1  }
0x101: {  	v1 =	vld.idx.msk [tilespmem:v2+s3+$0x0], $0xffff;
	_ =	sdelay $0x1  }
0x102: {  	v2 =	vadd.s32 v32, v0;
	_ =	sdelay $0x3  }
0x103: {  	[tilespmem:s20+$0xC0] =	vst v1  }
0x104: {  	v1 =	vld.idx.msk [tilespmem:v2+s3+$0x0], $0xffff;
	_ =	sdelay $0x1  }
0x105: {  	v2 =	vadd.s32 v34, v0;
	_ =	sdelay $0x3  }
0x106: {  	[tilespmem:s20+$0xD0] =	vst v1  }
0x107: {  	v1 =	vld.idx.msk [tilespmem:v2+s3+$0x0], $0xffff;
	_ =	sdelay $0x1  }
0x108: {  	v2 =	vadd.s32 v35, v0  }
.Ltmp0:
0x109: {  	(pc) =	sbr.rel @p0 .LBB2_2-.Ltmp0, $3  }
0x10a: {  	_ =	sdelay $0x1  }
0x10b: {  	[tilespmem:s20+$0xE0] =	vst v1  }
0x10c: {  	v0 =	vmov s21;
	s21 =	sadd.s32 $0x1, s21;
	v1 =	vld.idx.msk [tilespmem:v2+s3+$0x0], $0xffff  }
0x10d: {  	v0 =	vand.u32 $0x3F, v0  }
0x10e: {  	v2 =	vadd.s32 v3, v0;
	_ =	sdelay $0x3  }
0x10f: {  	[tilespmem:s20+$0xF0] =	vst v1  }
0x110: {  	v1 =	vld.idx.msk [tilespmem:v2+s3+$0x0], $0xffff  }
0x111: {  	v43 =	vadd.s32 v4, v0;
	_ =	sdelay $0x2  }
0x112: {  	s31 =	sadd.s32 $0x200, s20  }
0x113: {  	[tilespmem:s31+$0xFFFFFF00] =	vst v1  }
0x114: {  	v1 =	vld.idx.msk [tilespmem:v43+s3+$0x0], $0xffff  }
0x115: {  	v54 =	vadd.s32 v5, v0;
	_ =	sdelay $0x3  }
0x116: {  	[tilespmem:s31+$0xFFFFFF10] =	vst v1  }
0x117: {  	v1 =	vld.idx.msk [tilespmem:v54+s3+$0x0], $0xffff  }
0x118: {  	v56 =	vadd.s32 v6, v0;
	_ =	sdelay $0x3  }
0x119: {  	[tilespmem:s31+$0xFFFFFF20] =	vst v1  }
0x11a: {  	v1 =	vld.idx.msk [tilespmem:v56+s3+$0x0], $0xffff  }
0x11b: {  	v58 =	vadd.s32 v7, v0;
	_ =	sdelay $0x3  }
0x11c: {  	[tilespmem:s31+$0xFFFFFF30] =	vst v1  }
0x11d: {  	v1 =	vld.idx.msk [tilespmem:v58+s3+$0x0], $0xffff  }
0x11e: {  	v60 =	vadd.s32 v8, v0;
	_ =	sdelay $0x3  }
0x11f: {  	[tilespmem:s31+$0xFFFFFF40] =	vst v1  }
0x120: {  	v1 =	vld.idx.msk [tilespmem:v60+s3+$0x0], $0xffff  }
0x121: {  	v4 =	vadd.s32 v9, v0;
	_ =	sdelay $0x3  }
0x122: {  	[tilespmem:s31+$0xFFFFFF50] =	vst v1  }
0x123: {  	v1 =	vld.idx.msk [tilespmem:v4+s3+$0x0], $0xffff  }
0x124: {  	v5 =	vadd.s32 v10, v0;
	_ =	sdelay $0x3  }
0x125: {  	[tilespmem:s31+$0xFFFFFF60] =	vst v1  }
0x126: {  	v1 =	vld.idx.msk [tilespmem:v5+s3+$0x0], $0xffff  }
0x127: {  	v6 =	vadd.s32 v11, v0;
	_ =	sdelay $0x3  }
0x128: {  	[tilespmem:s31+$0xFFFFFF70] =	vst v1  }
0x129: {  	v1 =	vld.idx.msk [tilespmem:v6+s3+$0x0], $0xffff  }
0x12a: {  	v7 =	vadd.s32 v12, v0;
	_ =	sdelay $0x3  }
0x12b: {  	[tilespmem:s31+$0xFFFFFF80] =	vst v1  }
0x12c: {  	v1 =	vld.idx.msk [tilespmem:v7+s3+$0x0], $0xffff  }
0x12d: {  	v8 =	vadd.s32 v13, v0;
	_ =	sdelay $0x3  }
0x12e: {  	[tilespmem:s31+$0xFFFFFF90] =	vst v1  }
0x12f: {  	v1 =	vld.idx.msk [tilespmem:v8+s3+$0x0], $0xffff  }
0x130: {  	v9 =	vadd.s32 v14, v0;
	_ =	sdelay $0x3  }
0x131: {  	[tilespmem:s31+$0xFFFFFFA0] =	vst v1  }
0x132: {  	v1 =	vld.idx.msk [tilespmem:v9+s3+$0x0], $0xffff  }
0x133: {  	v10 =	vadd.s32 v15, v0;
	_ =	sdelay $0x3  }
0x134: {  	[tilespmem:s31+$0xFFFFFFB0] =	vst v1  }
0x135: {  	v1 =	vld.idx.msk [tilespmem:v10+s3+$0x0], $0xffff  }
0x136: {  	v11 =	vadd.s32 v16, v0;
	_ =	sdelay $0x3  }
0x137: {  	[tilespmem:s31+$0xFFFFFFC0] =	vst v1  }
0x138: {  	v1 =	vld.idx.msk [tilespmem:v11+s3+$0x0], $0xffff  }
0x139: {  	v12 =	vadd.s32 v17, v0;
	_ =	sdelay $0x3  }
0x13a: {  	[tilespmem:s31+$0xFFFFFFD0] =	vst v1  }
0x13b: {  	v1 =	vld.idx.msk [tilespmem:v12+s3+$0x0], $0xffff  }
0x13c: {  	v13 =	vadd.s32 v18, v0;
	_ =	sdelay $0x3  }
0x13d: {  	[tilespmem:s31+$0xFFFFFFE0] =	vst v1  }
0x13e: {  	v1 =	vld.idx.msk [tilespmem:v13+s3+$0x0], $0xffff  }
0x13f: {  	v14 =	vadd.s32 v19, v0;
	_ =	sdelay $0x3  }
0x140: {  	[tilespmem:s31+$0xFFFFFFF0] =	vst v1  }
0x141: {  	v1 =	vld.idx.msk [tilespmem:v14+s3+$0x0], $0xffff  }
0x142: {  	v20 =	vadd.s32 v20, v0;
	_ =	sdelay $0x3  }
0x143: {  	[tilespmem:s31+$0x0] =	vst v1  }
0x144: {  	v1 =	vld.idx.msk [tilespmem:v20+s3+$0x0], $0xffff  }
0x145: {  	v21 =	vadd.s32 v21, v0;
	_ =	sdelay $0x3  }
0x146: {  	[tilespmem:s31+$0x10] =	vst v1  }
0x147: {  	v1 =	vld.idx.msk [tilespmem:v21+s3+$0x0], $0xffff  }
0x148: {  	v22 =	vadd.s32 v22, v0;
	_ =	sdelay $0x3  }
0x149: {  	[tilespmem:s31+$0x20] =	vst v1  }
0x14a: {  	v1 =	vld.idx.msk [tilespmem:v22+s3+$0x0], $0xffff  }
0x14b: {  	v23 =	vadd.s32 v23, v0;
	_ =	sdelay $0x3  }
0x14c: {  	[tilespmem:s31+$0x30] =	vst v1  }
0x14d: {  	v1 =	vld.idx.msk [tilespmem:v23+s3+$0x0], $0xffff  }
0x14e: {  	v36 =	vadd.s32 v24, v0;
	_ =	sdelay $0x3  }
0x14f: {  	[tilespmem:s31+$0x40] =	vst v1  }
0x150: {  	v1 =	vld.idx.msk [tilespmem:v36+s3+$0x0], $0xffff  }
0x151: {  	v38 =	vadd.s32 v25, v0;
	_ =	sdelay $0x3  }
0x152: {  	[tilespmem:s31+$0x50] =	vst v1  }
0x153: {  	v1 =	vld.idx.msk [tilespmem:v38+s3+$0x0], $0xffff  }
0x154: {  	v39 =	vadd.s32 v26, v0;
	_ =	sdelay $0x3  }
0x155: {  	[tilespmem:s31+$0x60] =	vst v1  }
0x156: {  	v1 =	vld.idx.msk [tilespmem:v39+s3+$0x0], $0xffff  }
0x157: {  	v40 =	vadd.s32 v27, v0;
	_ =	sdelay $0x3  }
0x158: {  	[tilespmem:s31+$0x70] =	vst v1  }
0x159: {  	v1 =	vld.idx.msk [tilespmem:v40+s3+$0x0], $0xffff  }
0x15a: {  	v42 =	vadd.s32 v28, v0;
	_ =	sdelay $0x3  }
0x15b: {  	[tilespmem:s31+$0x80] =	vst v1  }
0x15c: {  	v1 =	vld.idx.msk [tilespmem:v42+s3+$0x0], $0xffff  }
0x15d: {  	v43 =	vadd.s32 v29, v0;
	_ =	sdelay $0x3  }
0x15e: {  	[tilespmem:s31+$0x90] =	vst v1  }
0x15f: {  	v1 =	vld.idx.msk [tilespmem:v43+s3+$0x0], $0xffff  }
0x160: {  	v54 =	vadd.s32 v30, v0;
	_ =	sdelay $0x3  }
0x161: {  	[tilespmem:s31+$0xA0] =	vst v1  }
0x162: {  	v1 =	vld.idx.msk [tilespmem:v54+s3+$0x0], $0xffff  }
0x163: {  	v56 =	vadd.s32 v31, v0;
	_ =	sdelay $0x3  }
0x164: {  	[tilespmem:s31+$0xB0] =	vst v1  }
0x165: {  	v1 =	vld.idx.msk [tilespmem:v56+s3+$0x0], $0xffff  }
0x166: {  	v58 =	vadd.s32 v32, v0;
	_ =	sdelay $0x3  }
0x167: {  	[tilespmem:s31+$0xC0] =	vst v1  }
0x168: {  	v1 =	vld.idx.msk [tilespmem:v58+s3+$0x0], $0xffff  }
0x169: {  	v60 =	vadd.s32 v34, v0;
	_ =	sdelay $0x3  }
0x16a: {  	[tilespmem:s31+$0xD0] =	vst v1  }
0x16b: {  	v1 =	vld.idx.msk [tilespmem:v60+s3+$0x0], $0xffff  }
0x16c: {  	v0 =	vadd.s32 v35, v0;
	_ =	sdelay $0x3  }
0x16d: {  	[tilespmem:s31+$0xE0] =	vst v1  }
0x16e: {  	v0 =	vld.idx.msk [tilespmem:v0+s3+$0x0], $0xffff;
	_ =	sdelay $0x4  }
0x16f: {  	s21 =	simm.s32 $0x0;
	s20 =	simm.s32 $0x0;
	[tilespmem:s31+$0xF0] =	vst v0  }
0x170: {  	v16 =	vld [tilespmem:$0x1FCA0];
	v29 =	vmov v45;
	[tilespmem:s11], [sflag:$0x1] =	stream.indirect.gather [hbm4b:s4+s9], $0x40, s10, s9, $0xb8  }
.LBB2_4:
0x171: {  	v0 =	vmov s20;
	s22 =	simm.s32 $0x1  }
0x172: {  	s23 =	simm.s32 $0x2;
	s30 =	simm.s32 $0x3;
	s31 =	simm.s32 $0x4;
	v0 =	vshrl.u32 v0, $0x3;
	v1 =	vmov s22  }
0x173: {  	s24 =	simm.s32 $0x5;
	s25 =	simm.s32 $0x6;
	s26 =	simm.s32 $0x7;
	v2 =	vmov s23;
	v3 =	vmov s30;
	v4 =	vmov s31  }
0x174: {  	v5 =	vmov s24;
	s30 =	simm.s32 $0x8;
	v6 =	vmov s25;
	v7 =	vmov s26;
	s31 =	simm.s32 $0x9  }
0x175: {  	s26 =	simm.s32 $0xA;
	s25 =	simm.s32 $0xB;
	v0 =	vshll.u32 v0, v33;
	v8 =	vmov s30;
	v9 =	vmov s31  }
0x176: {  	v10 =	vmov s26;
	v11 =	vmov s25;
	v1 =	vshrl.u32 v1, $0x3  }
0x177: {  	v2 =	vshrl.u32 v2, $0x3;
	v3 =	vshrl.u32 v3, $0x3;
	v4 =	vshrl.u32 v4, $0x3  }
0x178: {  	s23 =	sshrl.u32 s21, $0x1;
	s30 =	simm.s32 $0xC;
	s31 =	simm.s32 $0xD;
	v5 =	vshrl.u32 v5, $0x3;
	v6 =	vshrl.u32 v6, $0x3;
	v7 =	vshrl.u32 v7, $0x3  }
0x179: {  	s26 =	sshllo.u32 s21, $0x1;
	s24 =	sshll.u32 s23, $0x2;
	v60 =	vbroadcast v0, $0x0;
	v12 =	vmov s30;
	v13 =	vmov s31  }
0x17a: {  	v58 =	vld [tilespmem:$0x1FEC0];
	_ =	swait.ge [sflag:s12], $0x2000;
	s22 =	ssub.s32 s26, s24;
	v8 =	vshrl.u32 v8, $0x3;
	v1 =	vshll.u32 v1, v33;
	v9 =	vshrl.u32 v9, $0x3  }
0x17b: {  	v23 =	vld [tilespmem:$0x1FC30];
	s30 =	simm.s32 $0xE;
	s31 =	sshll.u32 s21, $0x8;
	v2 =	vshll.u32 v2, v33;
	v3 =	vshll.u32 v3, v33;
	v4 =	vshll.u32 v4, v33;
	s26 =	sshll.u32 s22, $0x9  }
0x17c: {  	v5 =	vshll.u32 v5, v33;
	v6 =	vshll.u32 v6, v33;
	v14 =	vmov s30;
	s25 =	sand.u32 $0x3FFFFE00, s31;
	s26 =	sshra.s32 s26, $0x2  }
0x17d: {  	[sflag:s12] =	ssyncset.done $0x0;
	v15 =	vshrl.u32 v12, $0x3;
	v32 =	vbroadcast v1, $0x0;
	v1 =	vshrl.u32 v13, $0x3;
	s25 =	sadd.s32 s26, s25  }
0x17e: {  	p0 =	seq.s32 s21, $0x0;
	v36 =	vmovc v46;
	[sflag:s12] =	ssyncadd.s32 $0xFFFFE000;
	v46 =	vbroadcast v2, $0x0;
	v2 =	vshll.u32 v7, v33;
	v45 =	vbroadcast v3, $0x0;
	s25 =	sadd.s32 $0x7000, s25  }
0x17f: {  	v3 =	vshll.u32 v8, v33;
	v12 =	vbroadcast v4, $0x0;
	v0 =	vor.u32 v58, v60;
	[tilespmem:s13], [sflag:$0x1] =	stream.indirect.gather [hbm4b:s4+s9], $0x40, s25, s9, $0xb8;
	[tilespmem:$0x15400] =	vst v63  }
0x180: {  	v56 =	vmovc v55;
	v55 =	vmovc v44;
	v38 =	vbroadcast v5, $0x0;
	v44 =	vbroadcast v6, $0x0;
	v7 =	vor.u32 v23, v32;
	s25 =	simm.s32 @!p0 $0x2  }
0x181: {  	s30 =	simm.s32 $0xF;
	v17 =	vor.u32 $0x4, v58;
	v18 =	vor.u32 $0x5, v58;
	v8 =	vor.u32 v59, v46;
	_ =	swait.ge @!p0 [sflag:s25], $0x2000  }
0x182: {  	v19 =	vor.u32 $0x6, v58;
	v5 =	vmov s30;
	v4 =	vor.u32 v16, v45;
	[sflag:s25] =	ssyncset.done @!p0 $0x0  }
0x183: {  	v40 =	vbroadcast v3, $0x0;
	v13 =	vor.u32 v17, v12;
	v5 =	vshrl.u32 v5, $0x3;
	v34 =	vld [tilespmem:$0x1FCA0];
	[sflag:s25] =	ssyncadd.s32 @!p0 $0xFFFFE000  }
0x184: {  	v6 =	vor.u32 v18, v38;
	v3 =	vshll.u32 v5, v33;
	v5 =	vshll.u32 v9, v33;
	v0 =	vld.idx.msk [tilespmem:v0+s11+$0x0], $0xffff  }
0x185: {  	v54 =	vor.u32 v19, v44;
	v42 =	vbroadcast v5, $0x0;
	v7 =	vld.idx.msk [tilespmem:v7+s11+$0x0], $0xffff  }
0x186: {  	v21 =	vbroadcast v3, $0x0;
	v5 =	vor.u32 v58, v40;
	v3 =	vld.idx.msk [tilespmem:v8+s11+$0x0], $0xffff  }
0x187: {  	v22 =	vor.u32 $0x7, v58;
	v20 =	vbroadcast v2, $0x0;
	v25 =	vor.u32 v23, v42;
	v2 =	vld.idx.msk [tilespmem:v4+s11+$0x0], $0xffff  }
0x188: {  	v24 =	vmovc v59;
	v10 =	vshrl.u32 v10, $0x3;
	v11 =	vshrl.u32 v11, $0x3;
	v26 =	vshll.u32 v15, v33;
	v16 =	vld.idx.msk [tilespmem:v13+s11+$0x0], $0xffff;
	[tilespmem:$0x1FA60] =	vst v22  }
0x189: {  	v59 =	vmovc v37;
	v37 =	vbroadcast v26, $0x0;
	v8 =	vshll.u32 v10, v33;
	v4 =	vor.u32 v22, v21;
	v6 =	vld.idx.msk [tilespmem:v6+s11+$0x0], $0xffff  }
0x18a: {  	v11 =	vshll.u32 v11, v33;
	v43 =	vbroadcast v8, $0x0;
	v8 =	vor.u32 v22, v20;
	v15 =	vld.idx.msk [tilespmem:v54+s11+$0x0], $0xffff  }
0x18b: {  	v39 =	vbroadcast v11, $0x0;
	v27 =	vshrl.u32 v14, $0x3;
	v14 =	vor.u32 v17, v37;
	v5 =	vld.idx.msk [tilespmem:v5+s11+$0x0], $0xffff;
	[tilespmem:$0x1FA70] =	vst v17  }
0x18c: {  	v1 =	vshll.u32 v1, v33;
	v13 =	vor.u32 v24, v43;
	v17 =	vld.idx.msk [tilespmem:v25+s11+$0x0], $0xffff  }
0x18d: {  	v11 =	vor.u32 v34, v39;
	v34 =	vbroadcast v1, $0x0;
	v24 =	vld [tilespmem:$0x1FC40]  }
0x18e: {  	v26 =	vor.u32 v29, v46;
	v1 =	vshll.u32 v27, v33;
	v4 =	vld.idx.msk [tilespmem:v4+s11+$0x0], $0xffff;
	[tilespmem:$0x1FA80] =	vst v18  }
0x18f: {  	v23 =	vor.u32 $0x407, v58;
	v54 =	vbroadcast v1, $0x0;
	v1 =	vor.u32 v18, v34;
	v18 =	vld.idx.msk [tilespmem:v8+s11+$0x0], $0xffff;
	[tilespmem:$0x1FA90] =	vst v19  }
0x190: {  	s25 =	simm.s32 $0x11800;
	v8 =	vor.u32 v23, v21;
	v14 =	vld.idx.msk [tilespmem:v14+s11+$0x0], $0xffff  }
0x191: {  	v19 =	vor.u32 v19, v54;
	[tilespmem:s25+$0xFFFFFC80] =	vst v7;
	v22 =	vld.idx.msk [tilespmem:v13+s11+$0x0], $0xffff  }
0x192: {  	[tilespmem:s25+$0xFFFFFD00] =	vst v3;
	v35 =	vor.u32 v24, v32;
	v10 =	vld.idx.msk [tilespmem:v11+s11+$0x0], $0xffff  }
0x193: {  	[tilespmem:s25+$0xFFFFFD80] =	vst v2;
	v11 =	vor.u32 $0x404, v58;
	v26 =	vld.idx.msk [tilespmem:v26+s11+$0x0], $0xffff  }
0x194: {  	v7 =	vor.u32 v11, v12;
	[tilespmem:s25+$0x380] =	vst v4;
	v1 =	vld.idx.msk [tilespmem:v1+s11+$0x0], $0xffff  }
0x195: {  	v30 =	vor.u32 $0x406, v58;
	[tilespmem:s25+$0xFFFFFE00] =	vst v16;
	v4 =	vor.u32 v41, v45;
	v27 =	vld.idx.msk [tilespmem:v8+s11+$0x0], $0xffff  }
0x196: {  	v16 =	vor.u32 v30, v44;
	[tilespmem:s25+$0xFFFFFE80] =	vst v6;
	v3 =	vld.idx.msk [tilespmem:v19+s11+$0x0], $0xffff  }
0x197: {  	v6 =	vor.u32 v23, v20;
	v13 =	vor.u32 $0x405, v58;
	v2 =	vld.idx.msk [tilespmem:v35+s11+$0x0], $0xffff;
	[tilespmem:$0x1FAA0] =	vst v23  }
0x198: {  	v25 =	vor.u32 $0x807, v58;
	v19 =	vor.u32 v13, v38;
	[tilespmem:s25+$0xFFFFFF00] =	vst v15  }
0x199: {  	v8 =	vor.u32 v25, v21;
	v28 =	vld.idx.msk [tilespmem:v7+s11+$0x0], $0xffff;
	[tilespmem:s25+$0xFFFFFF80] =	vst v18  }
0x19a: {  	v35 =	vor.u32 v24, v42;
	[tilespmem:s25+$0x0] =	vst v5;
	v4 =	vld.idx.msk [tilespmem:v4+s11+$0x0], $0xffff  }
0x19b: {  	v15 =	vor.u32 v49, v40;
	[tilespmem:s25+$0x80] =	vst v17;
	v5 =	vld.idx.msk [tilespmem:v16+s11+$0x0], $0xffff  }
0x19c: {  	[tilespmem:s25+$0x100] =	vst v22;
	v6 =	vld.idx.msk [tilespmem:v6+s11+$0x0], $0xffff  }
0x19d: {  	v18 =	vor.u32 v29, v43;
	[tilespmem:s25+$0x390] =	vst v27;
	v19 =	vld.idx.msk [tilespmem:v19+s11+$0x0], $0xffff  }
0x19e: {  	v16 =	vor.u32 v41, v39;
	v7 =	vld.idx.msk [tilespmem:v8+s11+$0x0], $0xffff;
	[tilespmem:$0x1FAB0] =	vst v11  }
0x19f: {  	[tilespmem:s25+$0x180] =	vst v10;
	v8 =	vld.idx.msk [tilespmem:v35+s11+$0x0], $0xffff  }
0x1a0: {  	v29 =	vld.idx.msk [tilespmem:v15+s11+$0x0], $0xffff;
	[tilespmem:$0x1FAC0] =	vst v13  }
0x1a1: {  	[tilespmem:s25+$0x200] =	vst v14  }
0x1a2: {  	v9 =	vor.u32 $0xC07, v58;
	v18 =	vld.idx.msk [tilespmem:v18+s11+$0x0], $0xffff;
	[tilespmem:$0x1FAD0] =	vst v30  }
0x1a3: {  	v17 =	vor.u32 v9, v21;
	[tilespmem:s25+$0x3A0] =	vst v7;
	v27 =	vld.idx.msk [tilespmem:v16+s11+$0x0], $0xffff  }
0x1a4: {  	v22 =	vor.u32 v11, v37;
	v16 =	vld [tilespmem:$0x1FCA0];
	[tilespmem:s25+$0x280] =	vst v1  }
0x1a5: {  	v15 =	vor.u32 v13, v34;
	v13 =	vld [tilespmem:$0x1FC50];
	_ =	sdelay $0x1  }
0x1a6: {  	v14 =	vor.u32 v30, v54  }
0x1a7: {  	v7 =	vor.u32 v49, v60;
	v17 =	vld.idx.msk [tilespmem:v17+s11+$0x0], $0xffff;
	[tilespmem:s25+$0x300] =	vst v3  }
0x1a8: {  	v3 =	vld.idx.msk [tilespmem:v22+s11+$0x0], $0xffff;
	v22 =	vor.u32 v51, v46;
	[tilespmem:s25+$0xFFFFFC00] =	vst v0  }
0x1a9: {  	v23 =	vor.u32 $0x1007, v58;
	[tilespmem:s25+$0xFFFFFC90] =	vst v2;
	v1 =	vor.u32 v13, v32  }
0x1aa: {  	v31 =	vor.u32 v23, v21;
	v0 =	vld.idx.msk [tilespmem:v15+s11+$0x0], $0xffff;
	[tilespmem:s25+$0xFFFFFD10] =	vst v26  }
0x1ab: {  	v10 =	vor.u32 $0x804, v58;
	v2 =	vor.u32 v50, v45;
	[tilespmem:s25+$0xFFFFFD90] =	vst v4;
	v35 =	vld.idx.msk [tilespmem:v14+s11+$0x0], $0xffff  }
0x1ac: {  	v49 =	vor.u32 v10, v12;
	v15 =	vor.u32 $0x805, v58;
	[tilespmem:s25+$0xFFFFFE10] =	vst v28;
	v7 =	vld.idx.msk [tilespmem:v7+s11+$0x0], $0xffff  }
0x1ad: {  	v41 =	vor.u32 $0x806, v58;
	v4 =	vor.u32 v15, v38;
	[tilespmem:s25+$0x3B0] =	vst v17;
	v22 =	vld.idx.msk [tilespmem:v22+s11+$0x0], $0xffff  }
0x1ae: {  	v17 =	vor.u32 v41, v44;
	v1 =	vld.idx.msk [tilespmem:v1+s11+$0x0], $0xffff;
	[tilespmem:$0x1FAE0] =	vst v25  }
0x1af: {  	v28 =	vor.u32 v25, v20;
	v31 =	vld.idx.msk [tilespmem:v31+s11+$0x0], $0xffff;
	[tilespmem:s25+$0xFFFFFE90] =	vst v19  }
0x1b0: {  	v2 =	vld.idx.msk [tilespmem:v2+s11+$0x0], $0xffff;
	v19 =	vor.u32 v48, v40;
	[tilespmem:s25+$0xFFFFFF10] =	vst v5  }
0x1b1: {  	v14 =	vor.u32 $0x1407, v58;
	v5 =	vld.idx.msk [tilespmem:v49+s11+$0x0], $0xffff;
	[tilespmem:s25+$0xFFFFFF90] =	vst v6  }
0x1b2: {  	v49 =	vor.u32 v14, v21;
	[tilespmem:s25+$0x10] =	vst v29;
	v4 =	vld.idx.msk [tilespmem:v4+s11+$0x0], $0xffff  }
0x1b3: {  	v6 =	vor.u32 v13, v42;
	[tilespmem:s25+$0x90] =	vst v8;
	v29 =	vld.idx.msk [tilespmem:v17+s11+$0x0], $0xffff  }
0x1b4: {  	v8 =	vld.idx.msk [tilespmem:v28+s11+$0x0], $0xffff;
	[tilespmem:s25+$0x3C0] =	vst v31  }
0x1b5: {  	v31 =	vld.idx.msk [tilespmem:v19+s11+$0x0], $0xffff;
	[tilespmem:$0x1FAF0] =	vst v10  }
0x1b6: {  	[tilespmem:s25+$0x110] =	vst v18  }
0x1b7: {  	v26 =	vld.idx.msk [tilespmem:v49+s11+$0x0], $0xffff;
	[tilespmem:s25+$0x190] =	vst v27  }
0x1b8: {  	v6 =	vld.idx.msk [tilespmem:v6+s11+$0x0], $0xffff;
	[tilespmem:$0x1FB00] =	vst v41  }
0x1b9: {  	v17 =	vor.u32 v51, v43;
	[tilespmem:s25+$0x210] =	vst v3  }
0x1ba: {  	v28 =	vor.u32 v50, v39;
	[tilespmem:s25+$0x290] =	vst v0  }
0x1bb: {  	v19 =	vor.u32 v10, v37;
	[tilespmem:s25+$0x310] =	vst v35  }
0x1bc: {  	v18 =	vor.u32 v15, v34;
	v25 =	vld [tilespmem:$0x1FC60]  }
0x1bd: {  	v13 =	vor.u32 $0x1807, v58;
	v27 =	vor.u32 v41, v54  }
0x1be: {  	v41 =	vor.u32 v13, v21;
	v3 =	vld.idx.msk [tilespmem:v17+s11+$0x0], $0xffff  }
0x1bf: {  	v0 =	vor.u32 v48, v60;
	v28 =	vld.idx.msk [tilespmem:v28+s11+$0x0], $0xffff;
	[tilespmem:s25+$0xFFFFFC10] =	vst v7  }
0x1c0: {  	v11 =	vmov v47;
	v47 =	vld.idx.msk [tilespmem:v19+s11+$0x0], $0xffff;
	v7 =	vor.u32 v61, v46;
	[tilespmem:s25+$0xFFFFFCA0] =	vst v1  }
0x1c1: {  	[tilespmem:s25+$0xFFFFFD20] =	vst v22;
	v48 =	vld.idx.msk [tilespmem:v18+s11+$0x0], $0xffff;
	v35 =	vor.u32 v25, v32  }
0x1c2: {  	v10 =	vor.u32 v36, v45;
	v17 =	vor.u32 $0xC04, v58;
	[tilespmem:s25+$0x3D0] =	vst v26;
	v27 =	vld.idx.msk [tilespmem:v27+s11+$0x0], $0xffff  }
0x1c3: {  	v1 =	vor.u32 v17, v12;
	[tilespmem:s25+$0xFFFFFDA0] =	vst v2;
	v18 =	vor.u32 $0xC05, v58;
	v41 =	vld.idx.msk [tilespmem:v41+s11+$0x0], $0xffff  }
0x1c4: {  	v19 =	vor.u32 $0x1C07, v58;
	[tilespmem:s25+$0xFFFFFE20] =	vst v5;
	v22 =	vor.u32 v18, v38;
	v0 =	vld.idx.msk [tilespmem:v0+s11+$0x0], $0xffff  }
0x1c5: {  	v24 =	vor.u32 $0xC06, v58;
	[tilespmem:s25+$0xFFFFFEA0] =	vst v4;
	v21 =	vor.u32 v19, v21;
	v7 =	vld.idx.msk [tilespmem:v7+s11+$0x0], $0xffff  }
0x1c6: {  	v5 =	vor.u32 v24, v44;
	v2 =	vld.idx.msk [tilespmem:v35+s11+$0x0], $0xffff;
	[tilespmem:$0x1FB10] =	vst v9  }
0x1c7: {  	s31 =	simm.s32 $0x10;
	v4 =	vor.u32 v9, v20;
	v10 =	vld.idx.msk [tilespmem:v10+s11+$0x0], $0xffff;
	[tilespmem:s25+$0xFFFFFF20] =	vst v29  }
0x1c8: {  	v49 =	vor.u32 v11, v40;
	v29 =	vmov s31;
	v1 =	vld.idx.msk [tilespmem:v1+s11+$0x0], $0xffff;
	[tilespmem:s25+$0x3E0] =	vst v41  }
0x1c9: {  	v50 =	vld.idx.msk [tilespmem:v22+s11+$0x0], $0xffff;
	v22 =	vor.u32 v25, v42;
	[tilespmem:s25+$0xFFFFFFA0] =	vst v8;
	v29 =	vshrl.u32 v29, $0x3  }
0x1ca: {  	[tilespmem:s25+$0x20] =	vst v31;
	v21 =	vld.idx.msk [tilespmem:v21+s11+$0x0], $0xffff;
	v8 =	vshll.u32 v29, v33;
	v29 =	vor.u32 v61, v43  }
0x1cb: {  	[tilespmem:s25+$0xA0] =	vst v6;
	v5 =	vld.idx.msk [tilespmem:v5+s11+$0x0], $0xffff  }
0x1cc: {  	[tilespmem:s25+$0x120] =	vst v3;
	v4 =	vld.idx.msk [tilespmem:v4+s11+$0x0], $0xffff  }
0x1cd: {  	[tilespmem:s25+$0x1A0] =	vst v28;
	v31 =	vld.idx.msk [tilespmem:v49+s11+$0x0], $0xffff  }
0x1ce: {  	[tilespmem:s25+$0x220] =	vst v47;
	v9 =	vld.idx.msk [tilespmem:v22+s11+$0x0], $0xffff  }
0x1cf: {  	v29 =	vld.idx.msk [tilespmem:v29+s11+$0x0], $0xffff;
	[tilespmem:$0x1FB20] =	vst v24  }
0x1d0: {  	[tilespmem:s25+$0x3F0] =	vst v21  }
0x1d1: {  	v35 =	vbroadcast v8, $0x0;
	v8 =	vor.u32 v36, v39;
	[tilespmem:s25+$0x2A0] =	vst v48  }
0x1d2: {  	v6 =	vor.u32 v17, v37;
	v21 =	vld [tilespmem:$0x1FC70]  }
0x1d3: {  	v3 =	vor.u32 v58, v35  }
0x1d4: {  	v22 =	vor.u32 v18, v34  }
0x1d5: {  	v36 =	vor.u32 v24, v54  }
0x1d6: {  	v26 =	vmov v52;
	v52 =	vor.u32 v11, v60;
	v8 =	vld.idx.msk [tilespmem:v8+s11+$0x0], $0xffff;
	[tilespmem:s25+$0x320] =	vst v27  }
0x1d7: {  	v6 =	vld.idx.msk [tilespmem:v6+s11+$0x0], $0xffff;
	[tilespmem:s25+$0xFFFFFC20] =	vst v0;
	v61 =	vor.u32 v21, v32  }
0x1d8: {  	[tilespmem:s25+$0xFFFFFCB0] =	vst v2;
	v41 =	vld.idx.msk [tilespmem:v3+s11+$0x0], $0xffff;
	v3 =	vor.u32 v62, v46  }
0x1d9: {  	v11 =	vor.u32 $0x1004, v58;
	v0 =	vor.u32 v53, v45;
	[tilespmem:s25+$0xFFFFFD30] =	vst v7;
	v27 =	vld.idx.msk [tilespmem:v22+s11+$0x0], $0xffff  }
0x1da: {  	v2 =	vor.u32 v11, v12;
	[tilespmem:s25+$0xFFFFFDB0] =	vst v10;
	v22 =	vor.u32 $0x1005, v58;
	v47 =	vld.idx.msk [tilespmem:v36+s11+$0x0], $0xffff  }
0x1db: {  	[tilespmem:s25+$0xFFFFFE30] =	vst v1;
	v49 =	vld.idx.msk [tilespmem:v52+s11+$0x0], $0xffff;
	v36 =	vor.u32 v22, v38  }
0x1dc: {  	v24 =	vor.u32 $0x1006, v58;
	v1 =	vor.u32 v23, v20;
	v10 =	vld.idx.msk [tilespmem:v61+s11+$0x0], $0xffff;
	[tilespmem:$0x1FB30] =	vst v23  }
0x1dd: {  	v61 =	vor.u32 v24, v44;
	v3 =	vld.idx.msk [tilespmem:v3+s11+$0x0], $0xffff;
	[tilespmem:s25+$0xFFFFFEB0] =	vst v50  }
0x1de: {  	v0 =	vld.idx.msk [tilespmem:v0+s11+$0x0], $0xffff;
	[tilespmem:s25+$0xFFFFFF30] =	vst v5  }
0x1df: {  	v25 =	vor.u32 v57, v40;
	v2 =	vld.idx.msk [tilespmem:v2+s11+$0x0], $0xffff;
	[tilespmem:s25+$0xFFFFFFB0] =	vst v4  }
0x1e0: {  	[tilespmem:s25+$0x30] =	vst v31;
	v4 =	vld.idx.msk [tilespmem:v36+s11+$0x0], $0xffff  }
0x1e1: {  	v5 =	vor.u32 v21, v42;
	[tilespmem:s25+$0xB0] =	vst v9;
	v1 =	vld.idx.msk [tilespmem:v1+s11+$0x0], $0xffff  }
0x1e2: {  	v31 =	vld.idx.msk [tilespmem:v61+s11+$0x0], $0xffff;
	[tilespmem:$0x1FB40] =	vst v11  }
0x1e3: {  	[tilespmem:s25+$0x130] =	vst v29  }
0x1e4: {  	v29 =	vld.idx.msk [tilespmem:v25+s11+$0x0], $0xffff;
	[tilespmem:$0x1FB50] =	vst v22  }
0x1e5: {  	[tilespmem:s25+$0x1B0] =	vst v8  }
0x1e6: {  	v5 =	vld.idx.msk [tilespmem:v5+s11+$0x0], $0xffff;
	[tilespmem:$0x1FB60] =	vst v24  }
0x1e7: {  	v36 =	vor.u32 v62, v43;
	[tilespmem:s25+$0x230] =	vst v6  }
0x1e8: {  	v61 =	vor.u32 v53, v39;
	[tilespmem:s25+$0x2B0] =	vst v27  }
0x1e9: {  	v7 =	vor.u32 v11, v37;
	v8 =	vld [tilespmem:$0x1FC80]  }
0x1ea: {  	v62 =	vor.u32 v22, v34  }
0x1eb: {  	v52 =	vor.u32 v24, v54  }
0x1ec: {  	v6 =	vor.u32 v57, v60;
	v51 =	vld.idx.msk [tilespmem:v36+s11+$0x0], $0xffff;
	[tilespmem:s25+$0x330] =	vst v47  }
0x1ed: {  	v48 =	vld.idx.msk [tilespmem:v61+s11+$0x0], $0xffff;
	v57 =	vor.u32 v55, v45;
	[tilespmem:s25+$0xFFFFFC30] =	vst v49  }
0x1ee: {  	v9 =	vld.idx.msk [tilespmem:v7+s11+$0x0], $0xffff;
	[tilespmem:s25+$0xFFFFFCC0] =	vst v10;
	v36 =	vor.u32 v8, v32  }
0x1ef: {  	v61 =	vor.u32 $0x1404, v58;
	v47 =	vor.u32 v56, v46;
	v50 =	vld.idx.msk [tilespmem:v62+s11+$0x0], $0xffff;
	[tilespmem:s25+$0xFFFFFD40] =	vst v3  }
0x1f0: {  	v62 =	vor.u32 v61, v12;
	[tilespmem:s25+$0xFFFFFDC0] =	vst v0;
	v52 =	vld.idx.msk [tilespmem:v52+s11+$0x0], $0xffff  }
0x1f1: {  	v27 =	vor.u32 $0x1405, v58;
	[tilespmem:s25+$0xFFFFFE40] =	vst v2;
	v2 =	vor.u32 v14, v20;
	v3 =	vld.idx.msk [tilespmem:v6+s11+$0x0], $0xffff  }
0x1f2: {  	v21 =	vor.u32 $0x1406, v58;
	[tilespmem:s25+$0xFFFFFEC0] =	vst v4;
	v6 =	vor.u32 v27, v38;
	v4 =	vld.idx.msk [tilespmem:v57+s11+$0x0], $0xffff  }
0x1f3: {  	v0 =	vld.idx.msk [tilespmem:v36+s11+$0x0], $0xffff;
	v36 =	vor.u32 v21, v44  }
0x1f4: {  	[tilespmem:s25+$0xFFFFFF40] =	vst v31;
	v47 =	vld.idx.msk [tilespmem:v47+s11+$0x0], $0xffff  }
0x1f5: {  	v25 =	vmov v54;
	[tilespmem:s25+$0xFFFFFFC0] =	vst v1;
	v57 =	vor.u32 v59, v40;
	v54 =	vld.idx.msk [tilespmem:v62+s11+$0x0], $0xffff  }
0x1f6: {  	[tilespmem:s25+$0x40] =	vst v29;
	v2 =	vld.idx.msk [tilespmem:v2+s11+$0x0], $0xffff  }
0x1f7: {  	[tilespmem:s25+$0xC0] =	vst v5;
	v31 =	vor.u32 v8, v42;
	v1 =	vld.idx.msk [tilespmem:v6+s11+$0x0], $0xffff  }
0x1f8: {  	v53 =	vld.idx.msk [tilespmem:v36+s11+$0x0], $0xffff;
	[tilespmem:$0x1FB70] =	vst v61  }
0x1f9: {  	v7 =	vor.u32 v55, v39;
	[tilespmem:s25+$0x140] =	vst v51  }
0x1fa: {  	v49 =	vld.idx.msk [tilespmem:v57+s11+$0x0], $0xffff;
	[tilespmem:$0x1FB80] =	vst v27  }
0x1fb: {  	[tilespmem:s25+$0x1C0] =	vst v48  }
0x1fc: {  	v48 =	vld.idx.msk [tilespmem:v31+s11+$0x0], $0xffff;
	[tilespmem:$0x1FB90] =	vst v21  }
0x1fd: {  	v6 =	vor.u32 v56, v43;
	[tilespmem:s25+$0x240] =	vst v9  }
0x1fe: {  	v5 =	vor.u32 v61, v37;
	[tilespmem:s25+$0x2C0] =	vst v50;
	v56 =	vld.idx.msk [tilespmem:v7+s11+$0x0], $0xffff  }
0x1ff: {  	v8 =	vor.u32 v21, v25;
	v10 =	vld [tilespmem:$0x1FFA0];
	[tilespmem:s25+$0x340] =	vst v52  }
0x200: {  	v61 =	vor.u32 v59, v60;
	v21 =	vld [tilespmem:$0x1FFC0];
	[tilespmem:s25+$0xFFFFFC40] =	vst v3  }
0x201: {  	v7 =	vld [tilespmem:$0x1FCB0];
	[tilespmem:s25+$0xFFFFFCD0] =	vst v0  }
0x202: {  	v62 =	vor.u32 v63, v32;
	v6 =	vld.idx.msk [tilespmem:v6+s11+$0x0], $0xffff;
	[tilespmem:s25+$0xFFFFFD50] =	vst v47  }
0x203: {  	v51 =	vor.u32 v27, v34;
	v27 =	vor.u32 $0x1804, v58;
	v5 =	vld.idx.msk [tilespmem:v5+s11+$0x0], $0xffff;
	[tilespmem:s25+$0xFFFFFDD0] =	vst v4  }
0x204: {  	v23 =	vor.u32 $0x1806, v58;
	v57 =	vld.idx.msk [tilespmem:v8+s11+$0x0], $0xffff;
	v0 =	vor.u32 v27, v12;
	[tilespmem:s25+$0xFFFFFE50] =	vst v54  }
0x205: {  	v47 =	vld.idx.msk [tilespmem:v61+s11+$0x0], $0xffff;
	v61 =	vor.u32 v23, v44;
	[tilespmem:s25+$0xFFFFFED0] =	vst v1  }
0x206: {  	v8 =	vld [tilespmem:$0x1FC10];
	v3 =	vor.u32 v7, v45  }
0x207: {  	v4 =	vld.idx.msk [tilespmem:v62+s11+$0x0], $0xffff;
	v62 =	vor.u32 v13, v20  }
0x208: {  	v22 =	vor.u32 $0x1805, v58;
	v51 =	vld.idx.msk [tilespmem:v51+s11+$0x0], $0xffff;
	v36 =	vor.u32 v21, v46  }
0x209: {  	v24 =	vmov v60;
	v60 =	vor.u32 v22, v38;
	[tilespmem:s25+$0xFFFFFF50] =	vst v53;
	v30 =	vld.idx.msk [tilespmem:v0+s11+$0x0], $0xffff  }
0x20a: {  	v50 =	vld.idx.msk [tilespmem:v61+s11+$0x0], $0xffff  }
0x20b: {  	[tilespmem:s25+$0xFFFFFFD0] =	vst v2;
	v1 =	vld.idx.msk [tilespmem:v3+s11+$0x0], $0xffff;
	v3 =	vor.u32 v8, v40  }
0x20c: {  	v9 =	vmov v58;
	[tilespmem:s25+$0x50] =	vst v49;
	v2 =	vor.u32 $0x1C03, v58;
	v58 =	vld.idx.msk [tilespmem:v62+s11+$0x0], $0xffff  }
0x20d: {  	v53 =	vor.u32 v63, v42;
	[tilespmem:s25+$0xD0] =	vst v48;
	v52 =	vld.idx.msk [tilespmem:v36+s11+$0x0], $0xffff  }
0x20e: {  	v36 =	vld.idx.msk [tilespmem:v60+s11+$0x0], $0xffff;
	[tilespmem:$0x1FBA0] =	vst v27  }
0x20f: {  	v55 =	vor.u32 v21, v43;
	v21 =	vor.u32 v19, v20;
	v20 =	vld [tilespmem:$0x1FC90];
	[tilespmem:s25+$0x150] =	vst v6  }
0x210: {  	v60 =	vld.idx.msk [tilespmem:v3+s11+$0x0], $0xffff;
	[tilespmem:$0x1FBB0] =	vst v22  }
0x211: {  	[tilespmem:s25+$0x1D0] =	vst v56  }
0x212: {  	v48 =	vor.u32 v7, v39;
	v11 =	vld.idx.msk [tilespmem:v53+s11+$0x0], $0xffff;
	[tilespmem:$0x1FBC0] =	vst v23  }
0x213: {  	v27 =	vor.u32 v27, v37;
	[tilespmem:s25+$0x250] =	vst v5  }
0x214: {  	v54 =	vor.u32 v20, v32;
	v32 =	vor.u32 v22, v34;
	[tilespmem:s25+$0x2D0] =	vst v51  }
0x215: {  	v3 =	vor.u32 $0x1C04, v9;
	[tilespmem:s25+$0x350] =	vst v57  }
0x216: {  	v53 =	vor.u32 v3, v12;
	v12 =	vld.idx.msk [tilespmem:v55+s11+$0x0], $0xffff;
	[tilespmem:s25+$0xFFFFFC50] =	vst v47  }
0x217: {  	s28 =	simm.s32 $0x13;
	v56 =	vor.u32 v23, v25;
	v22 =	vld.idx.msk [tilespmem:v48+s11+$0x0], $0xffff;
	[tilespmem:s25+$0xFFFFFCE0] =	vst v4  }
0x218: {  	v49 =	vmov s28;
	v6 =	vor.u32 v2, v45;
	[tilespmem:s25+$0xFFFFFD60] =	vst v52;
	v63 =	vld.idx.msk [tilespmem:v27+s11+$0x0], $0xffff  }
0x219: {  	s30 =	simm.s32 $0x11;
	v59 =	vshrl.u32 v49, $0x3;
	[tilespmem:s25+$0xFFFFFDE0] =	vst v1;
	v49 =	vld.idx.msk [tilespmem:v32+s11+$0x0], $0xffff  }
0x21a: {  	v0 =	vmov s30;
	v55 =	vor.u32 v8, v24;
	[tilespmem:s25+$0xFFFFFE60] =	vst v30;
	v54 =	vld.idx.msk [tilespmem:v54+s11+$0x0], $0xffff  }
0x21b: {  	s31 =	simm.s32 $0x12;
	v46 =	vor.u32 v26, v46;
	v61 =	vshrl.u32 v0, $0x3;
	v5 =	vor.u32 $0x1C05, v9;
	v8 =	vld [tilespmem:$0x1FC20]  }
0x21c: {  	v0 =	vmov s31;
	v9 =	vor.u32 $0x1C06, v9;
	v51 =	vor.u32 v5, v38;
	v23 =	vld.idx.msk [tilespmem:v56+s11+$0x0], $0xffff  }
0x21d: {  	v57 =	vshrl.u32 v0, $0x3;
	v44 =	vor.u32 v9, v44;
	v56 =	vld.idx.msk [tilespmem:v6+s11+$0x0], $0xffff  }
0x21e: {  	s31 =	simm.s32 $0x17;
	[tilespmem:s25+$0xFFFFFEE0] =	vst v36;
	v36 =	vshll.u32 v57, v33;
	v57 =	vld.idx.msk [tilespmem:v53+s11+$0x0], $0xffff  }
0x21f: {  	s29 =	simm.s32 $0x16;
	s30 =	simm.s32 $0x14;
	v45 =	vmov s31;
	[tilespmem:s25+$0xFFFFFF60] =	vst v50;
	v52 =	vld.idx.msk [tilespmem:v55+s11+$0x0], $0xffff  }
0x220: {  	v27 =	vmov s30;
	v38 =	vmov s29;
	s29 =	simm.s32 $0x19;
	[tilespmem:s25+$0xFFFFFFE0] =	vst v58;
	v55 =	vld.idx.msk [tilespmem:v46+s11+$0x0], $0xffff  }
0x221: {  	v47 =	vshrl.u32 v27, $0x3;
	v27 =	vmov s29;
	[tilespmem:s25+$0x60] =	vst v60;
	v30 =	vor.u32 v8, v40;
	v58 =	vld.idx.msk [tilespmem:v51+s11+$0x0], $0xffff  }
0x222: {  	s28 =	simm.s32 $0x15;
	v1 =	vshrl.u32 v45, $0x3;
	v45 =	vshrl.u32 v27, $0x3;
	v27 =	vshll.u32 v59, v33;
	v59 =	vld.idx.msk [tilespmem:v44+s11+$0x0], $0xffff;
	[tilespmem:$0x1FBD0] =	vst v2  }
0x223: {  	v32 =	vmov s28;
	s30 =	simm.s32 $0x1A;
	v6 =	vor.u32 v20, v42;
	[tilespmem:s25+$0xE0] =	vst v11  }
0x224: {  	s31 =	simm.s32 $0x1C;
	v62 =	vshrl.u32 v32, $0x3;
	v32 =	vshll.u32 v61, v33;
	v61 =	vmov s30;
	v60 =	vld.idx.msk [tilespmem:v21+s11+$0x0], $0xffff;
	[tilespmem:$0x1FBE0] =	vst v3  }
0x225: {  	v42 =	vshrl.u32 v61, $0x3;
	v61 =	vmov s31;
	[tilespmem:s25+$0x160] =	vst v12  }
0x226: {  	v39 =	vor.u32 v2, v39;
	s30 =	simm.s32 $0x1D;
	v53 =	vshrl.u32 v61, $0x3;
	v61 =	vld.idx.msk [tilespmem:v30+s11+$0x0], $0xffff;
	[tilespmem:$0x1FBF0] =	vst v5  }
0x227: {  	v2 =	vor.u32 v3, v37;
	v3 =	vshll.u32 v62, v33;
	v62 =	vmov s30;
	[tilespmem:s25+$0x1E0] =	vst v22  }
0x228: {  	v50 =	vshrl.u32 v62, $0x3;
	v62 =	vld.idx.msk [tilespmem:v6+s11+$0x0], $0xffff;
	[tilespmem:$0x1FC00] =	vst v9  }
0x229: {  	[tilespmem:s25+$0x260] =	vst v63  }
0x22a: {  	v0 =	vor.u32 v26, v43;
	s28 =	simm.s32 $0x18;
	v43 =	vor.u32 v9, v25;
	v38 =	vshrl.u32 v38, $0x3;
	[tilespmem:s25+$0x2E0] =	vst v49  }
0x22b: {  	v48 =	vmov s28;
	s28 =	simm.s32 $0x1B;
	v4 =	vshll.u32 v47, v33;
	v47 =	vshll.u32 v1, v33;
	v1 =	vld.idx.msk [tilespmem:v39+s11+$0x0], $0xffff;
	[tilespmem:s25+$0x360] =	vst v23  }
0x22c: {  	v26 =	vmov s28;
	v5 =	vor.u32 v5, v34;
	v39 =	vbroadcast v4, $0x0;
	v4 =	vld [tilespmem:$0x1FC30]  }
0x22d: {  	v48 =	vshrl.u32 v48, $0x3;
	s31 =	simm.s32 $0x1E;
	v46 =	vshrl.u32 v26, $0x3;
	v37 =	vbroadcast v32, $0x0  }
0x22e: {  	v44 =	vor.u32 v8, v24;
	v40 =	vbroadcast v27, $0x0;
	v51 =	vmov s31  }
0x22f: {  	v12 =	vmovc v7;
	v30 =	vshll.u32 v38, v33;
	v38 =	vbroadcast v36, $0x0;
	v36 =	vbroadcast v3, $0x0;
	v63 =	vld.idx.msk [tilespmem:v0+s11+$0x0], $0xffff  }
0x230: {  	v0 =	vshll.u32 v48, v33;
	v49 =	vshll.u32 v45, v33;
	v48 =	vshll.u32 v42, v33;
	v2 =	vld.idx.msk [tilespmem:v2+s11+$0x0], $0xffff  }
0x231: {  	s26 =	sshll.u32 s21, $0x1;
	s29 =	simm.s32 $0x1F;
	s28 =	simm.s32 $0x20;
	v3 =	vld.idx.msk [tilespmem:v5+s11+$0x0], $0xffff;
	v5 =	vor.u32 v10, v38;
	v6 =	vor.u32 v4, v37;
	v4 =	vor.u32 v16, v40  }
.LBB2_5:
0x232: {  	_ = 	snop  }
0x233: {  	v11 =	vld [tilespmem:$0x1FA70]  }
0x234: {  	v8 =	vld.idx.msk [tilespmem:v43+s11+$0x0], $0xffff  }
0x235: {  	v22 =	vld [tilespmem:$0x1FA80]  }
0x236: {  	v27 =	vld [tilespmem:$0x1FA90]  }
0x237: {  	v25 =	vld [tilespmem:$0x1FEC0]  }
0x238: {  	v29 =	vld [tilespmem:$0x1FA60]  }
0x239: {  	v21 =	vld [tilespmem:$0x1FFA0]  }
0x23a: {  	v24 =	vld [tilespmem:$0x1FC40]  }
0x23b: {  	v23 =	vld [tilespmem:$0x1FEF0]  }
0x23c: {  	v28 =	vld [tilespmem:$0x1FF30]  }
0x23d: {  	[tilespmem:s25+$0xFFFFFC60] =	vst v52;
	v26 =	vld [tilespmem:$0x1FB60]  }
0x23e: {  	v45 =	vbroadcast v30, $0x0;
	v30 =	vmov s29;
	v10 =	vld.idx.msk [tilespmem:v44+s11+$0x0], $0xffff;
	[tilespmem:s25+$0xFFFFFCF0] =	vst v54  }
0x23f: {  	v43 =	vbroadcast v0, $0x0;
	v0 =	vshrl.u32 v30, $0x3;
	[tilespmem:s25+$0xFFFFFD70] =	vst v55;
	v6 =	vld.idx.msk [tilespmem:v6+s11+$0x0], $0xffff  }
0x240: {  	[tilespmem:s25+$0xFFFFFDF0] =	vst v56;
	v30 =	vshll.u32 v46, v33;
	v0 =	vshll.u32 v0, v33;
	v5 =	vld.idx.msk [tilespmem:v5+s11+$0x0], $0xffff  }
0x241: {  	v30 =	vbroadcast v30, $0x0;
	v52 =	vbroadcast v0, $0x0;
	v0 =	vld.idx.msk [tilespmem:v4+s11+$0x0], $0xffff  }
0x242: {  	v42 =	vmovc v35;
	v35 =	vbroadcast v47, $0x0;
	v32 =	vshll.u32 v53, v33;
	v51 =	vshrl.u32 v51, $0x3;
	v4 =	vld [tilespmem:$0x1FC30];
	[tilespmem:s25+$0xFFFFFE70] =	vst v57  }
0x243: {  	v34 =	vshll.u32 v50, v33;
	v46 =	vbroadcast v48, $0x0;
	v57 =	vor.u32 v16, v30;
	[tilespmem:s25+$0x170] =	vst v63;
	v63 =	vld [tilespmem:$0x1FAA0]  }
0x244: {  	v47 =	vbroadcast v32, $0x0;
	v48 =	vbroadcast v34, $0x0;
	v16 =	vld [tilespmem:$0x1FAC0];
	v7 =	vor.u32 v11, v39  }
0x245: {  	v9 =	vor.u32 v22, v36;
	v55 =	vor.u32 v29, v35;
	v56 =	vor.u32 v29, v52;
	v29 =	vld [tilespmem:$0x1FF10]  }
0x246: {  	v32 =	vshll.u32 v51, v33;
	v54 =	vor.u32 v27, v45;
	v51 =	vor.u32 v11, v47;
	v11 =	vld [tilespmem:$0x1FAB0]  }
0x247: {  	v44 =	vbroadcast v49, $0x0;
	[tilespmem:s25+$0x1F0] =	vst v1;
	v49 =	vor.u32 v25, v43;
	v34 =	vor.u32 v22, v48;
	v22 =	vld [tilespmem:$0x1FAE0]  }
0x248: {  	v57 =	vld.idx.msk [tilespmem:v57+s11+$0x0], $0xffff  }
0x249: {  	[tilespmem:s25+$0xFFFFFEF0] =	vst v58;
	v7 =	vld.idx.msk [tilespmem:v7+s11+$0x0], $0xffff  }
0x24a: {  	[tilespmem:s25+$0xFFFFFF70] =	vst v59;
	v9 =	vld.idx.msk [tilespmem:v9+s11+$0x0], $0xffff  }
0x24b: {  	v53 =	vld.idx.msk [tilespmem:v54+s11+$0x0], $0xffff  }
0x24c: {  	v50 =	vld.idx.msk [tilespmem:v49+s11+$0x0], $0xffff  }
0x24d: {  	[tilespmem:s25+$0xFFFFFFF0] =	vst v60;
	v56 =	vld.idx.msk [tilespmem:v56+s11+$0x0], $0xffff  }
0x24e: {  	[tilespmem:s25+$0x270] =	vst v2;
	v4 =	vor.u32 v4, v44;
	v55 =	vld.idx.msk [tilespmem:v55+s11+$0x0], $0xffff  }
0x24f: {  	[tilespmem:s25+$0x2F0] =	vst v3;
	v51 =	vld.idx.msk [tilespmem:v51+s11+$0x0], $0xffff  }
0x250: {  	[tilespmem:s25+$0x370] =	vst v8;
	v54 =	vor.u32 v21, v46;
	v49 =	vbroadcast v32, $0x0;
	v58 =	vld.idx.msk [tilespmem:v34+s11+$0x0], $0xffff  }
0x251: {  	v2 =	vor.u32 v24, v37;
	[tilespmem:s25+$0xFFFFFC70] =	vst v10;
	v1 =	vor.u32 v63, v35;
	v32 =	vor.u32 v63, v52;
	v63 =	vld [tilespmem:$0x1FB10]  }
0x252: {  	[tilespmem:s25+$0x70] =	vst v61;
	v3 =	vor.u32 v29, v38;
	v59 =	vor.u32 v27, v49;
	v27 =	vld [tilespmem:$0x1FAD0]  }
0x253: {  	v8 =	vor.u32 v23, v40;
	v4 =	vld.idx.msk [tilespmem:v4+s11+$0x0], $0xffff;
	[tilespmem:s25+$0xF0] =	vst v62;
	s25 =	sadd.s32 $0x800, s25  }
0x254: {  	v60 =	vor.u32 v22, v52;
	[tilespmem:s25+$0xFFFFFD80] =	vst v0;
	v0 =	vor.u32 v22, v35;
	v22 =	vld [tilespmem:$0x1FED0]  }
0x255: {  	[tilespmem:s25+$0xFFFFFC80] =	vst v6;
	v54 =	vld.idx.msk [tilespmem:v54+s11+$0x0], $0xffff  }
0x256: {  	v34 =	vor.u32 v11, v39;
	[tilespmem:s25+$0xFFFFFD00] =	vst v5;
	v2 =	vld.idx.msk [tilespmem:v2+s11+$0x0], $0xffff  }
0x257: {  	v3 =	vld.idx.msk [tilespmem:v3+s11+$0x0], $0xffff  }
0x258: {  	[tilespmem:s25+$0x380] =	vst v56;
	v8 =	vld.idx.msk [tilespmem:v8+s11+$0x0], $0xffff  }
0x259: {  	[tilespmem:s25+$0x0] =	vst v50;
	v50 =	vor.u32 v11, v47;
	v11 =	vld [tilespmem:$0x1FC60]  }
0x25a: {  	v6 =	vor.u32 v16, v36;
	[tilespmem:s25+$0xFFFFFE00] =	vst v7;
	v56 =	vld.idx.msk [tilespmem:v32+s11+$0x0], $0xffff  }
0x25b: {  	[tilespmem:s25+$0xFFFFFF80] =	vst v55;
	v7 =	vld.idx.msk [tilespmem:v34+s11+$0x0], $0xffff  }
0x25c: {  	v1 =	vld.idx.msk [tilespmem:v1+s11+$0x0], $0xffff  }
0x25d: {  	v32 =	vor.u32 v24, v44;
	v24 =	vld [tilespmem:$0x1FB20]  }
0x25e: {  	[tilespmem:s25+$0xFFFFFE80] =	vst v9;
	v34 =	vor.u32 v29, v46;
	v59 =	vld.idx.msk [tilespmem:v59+s11+$0x0], $0xffff  }
0x25f: {  	[tilespmem:s25+$0x180] =	vst v57;
	v6 =	vld.idx.msk [tilespmem:v6+s11+$0x0], $0xffff  }
0x260: {  	[tilespmem:s25+$0x200] =	vst v51;
	v9 =	vor.u32 v22, v43;
	v57 =	vor.u32 v22, v42;
	v22 =	vld [tilespmem:$0x1FF00]  }
0x261: {  	[tilespmem:s25+$0x80] =	vst v4;
	v50 =	vld.idx.msk [tilespmem:v50+s11+$0x0], $0xffff  }
0x262: {  	v5 =	vor.u32 v27, v45;
	[tilespmem:s25+$0x100] =	vst v54;
	v10 =	vld.idx.msk [tilespmem:v32+s11+$0x0], $0xffff  }
0x263: {  	v61 =	vld.idx.msk [tilespmem:v34+s11+$0x0], $0xffff  }
0x264: {  	v34 =	vor.u32 v27, v49;
	v27 =	vld [tilespmem:$0x1FC50]  }
0x265: {  	[tilespmem:s25+$0x390] =	vst v56;
	v56 =	vor.u32 v23, v30;
	v23 =	vld [tilespmem:$0x1FF20]  }
0x266: {  	[tilespmem:s25+$0xFFFFFF00] =	vst v53;
	v32 =	vor.u32 v16, v48;
	v16 =	vld [tilespmem:$0x1FB00]  }
0x267: {  	[tilespmem:s25+$0xFFFFFD10] =	vst v3;
	v3 =	vor.u32 v15, v36;
	v5 =	vld.idx.msk [tilespmem:v5+s11+$0x0], $0xffff  }
0x268: {  	[tilespmem:s25+$0xFFFFFF90] =	vst v1;
	v60 =	vld.idx.msk [tilespmem:v60+s11+$0x0], $0xffff  }
0x269: {  	v0 =	vld.idx.msk [tilespmem:v0+s11+$0x0], $0xffff  }
0x26a: {  	[tilespmem:s25+$0xFFFFFC00] =	vst v41;
	v9 =	vld.idx.msk [tilespmem:v9+s11+$0x0], $0xffff  }
0x26b: {  	v57 =	vld.idx.msk [tilespmem:v57+s11+$0x0], $0xffff;
	[tilespmem:s25+$0xFFFFFE90] =	vst v6  }
0x26c: {  	v3 =	vld.idx.msk [tilespmem:v3+s11+$0x0], $0xffff  }
0x26d: {  	[tilespmem:s25+$0x280] =	vst v58;
	v4 =	vor.u32 v63, v52;
	v56 =	vld.idx.msk [tilespmem:v56+s11+$0x0], $0xffff  }
0x26e: {  	v58 =	vor.u32 v22, v40;
	v62 =	vld.idx.msk [tilespmem:v32+s11+$0x0], $0xffff  }
0x26f: {  	[tilespmem:s25+$0x300] =	vst v59;
	v32 =	vld [tilespmem:$0x1FB30]  }
0x270: {  	[tilespmem:s25+$0xFFFFFD90] =	vst v8;
	v51 =	vor.u32 v27, v37;
	v41 =	vld.idx.msk [tilespmem:v34+s11+$0x0], $0xffff  }
0x271: {  	v8 =	vor.u32 v16, v45;
	v1 =	vor.u32 v23, v46;
	[tilespmem:s25+$0x3A0] =	vst v60;
	v60 =	vor.u32 v23, v38;
	v23 =	vld [tilespmem:$0x1FFD0]  }
0x272: {  	v6 =	vor.u32 v27, v44;
	v4 =	vld.idx.msk [tilespmem:v4+s11+$0x0], $0xffff  }
0x273: {  	[tilespmem:s25+$0xFFFFFC90] =	vst v2;
	v58 =	vld.idx.msk [tilespmem:v58+s11+$0x0], $0xffff  }
0x274: {  	[tilespmem:s25+$0x110] =	vst v61;
	v61 =	vor.u32 v28, v42;
	v54 =	vor.u32 v32, v35;
	v34 =	vor.u32 v32, v52;
	v32 =	vld [tilespmem:$0x1FAF0]  }
0x275: {  	[tilespmem:s25+$0xFFFFFF10] =	vst v5;
	v59 =	vld.idx.msk [tilespmem:v51+s11+$0x0], $0xffff  }
0x276: {  	v55 =	vor.u32 v63, v35;
	v63 =	vor.u32 v15, v48;
	[tilespmem:s25+$0x90] =	vst v10;
	v8 =	vld.idx.msk [tilespmem:v8+s11+$0x0], $0xffff  }
0x277: {  	[tilespmem:s25+$0xFFFFFE10] =	vst v7;
	v6 =	vld.idx.msk [tilespmem:v6+s11+$0x0], $0xffff  }
0x278: {  	[tilespmem:s25+$0xFFFFFC10] =	vst v57;
	v1 =	vld.idx.msk [tilespmem:v1+s11+$0x0], $0xffff  }
0x279: {  	[tilespmem:s25+$0x290] =	vst v62;
	v57 =	vld.idx.msk [tilespmem:v61+s11+$0x0], $0xffff  }
0x27a: {  	v60 =	vld.idx.msk [tilespmem:v60+s11+$0x0], $0xffff;
	[tilespmem:s25+$0x3B0] =	vst v4;
	v4 =	vor.u32 v28, v43  }
0x27b: {  	[tilespmem:s25+$0x210] =	vst v50;
	v63 =	vld.idx.msk [tilespmem:v63+s11+$0x0], $0xffff;
	v2 =	vor.u32 v32, v39  }
0x27c: {  	[tilespmem:s25+$0xFFFFFFA0] =	vst v0;
	v7 =	vld.idx.msk [tilespmem:v34+s11+$0x0], $0xffff;
	v34 =	vor.u32 v22, v30  }
0x27d: {  	[tilespmem:s25+$0x10] =	vst v9;
	v28 =	vld [tilespmem:$0x1FBD0];
	v10 =	vor.u32 v32, v47  }
0x27e: {  	[tilespmem:s25+$0xFFFFFEA0] =	vst v3;
	v22 =	vld [tilespmem:$0x1FF60]  }
0x27f: {  	[tilespmem:s25+$0xFFFFFF20] =	vst v8;
	v8 =	vor.u32 v11, v44;
	v4 =	vld.idx.msk [tilespmem:v4+s11+$0x0], $0xffff  }
0x280: {  	[tilespmem:s25+$0x190] =	vst v56;
	v2 =	vld.idx.msk [tilespmem:v2+s11+$0x0], $0xffff  }
0x281: {  	[tilespmem:s25+$0x120] =	vst v1;
	v1 =	vor.u32 v18, v48;
	v9 =	vld.idx.msk [tilespmem:v34+s11+$0x0], $0xffff  }
0x282: {  	v5 =	vor.u32 v14, v52;
	[tilespmem:s25+$0xA0] =	vst v6;
	v10 =	vld.idx.msk [tilespmem:v10+s11+$0x0], $0xffff  }
0x283: {  	v3 =	vor.u32 v23, v43;
	[tilespmem:s25+$0x3C0] =	vst v7;
	v7 =	vor.u32 v16, v49;
	v16 =	vld [tilespmem:$0x1FF40]  }
0x284: {  	[tilespmem:s25+$0x310] =	vst v41;
	v6 =	vld.idx.msk [tilespmem:v8+s11+$0x0], $0xffff  }
0x285: {  	[tilespmem:s25+$0x2A0] =	vst v63;
	v34 =	vor.u32 v11, v37;
	v41 =	vor.u32 v22, v40;
	v0 =	vor.u32 v22, v30;
	v22 =	vld [tilespmem:$0x1FF70]  }
0x286: {  	v1 =	vld.idx.msk [tilespmem:v1+s11+$0x0], $0xffff  }
0x287: {  	v5 =	vld.idx.msk [tilespmem:v5+s11+$0x0], $0xffff;
	[tilespmem:s25+$0x20] =	vst v4  }
0x288: {  	v3 =	vld.idx.msk [tilespmem:v3+s11+$0x0], $0xffff  }
0x289: {  	v61 =	vor.u32 v17, v39;
	[tilespmem:s25+$0xFFFFFCA0] =	vst v59;
	v7 =	vld.idx.msk [tilespmem:v7+s11+$0x0], $0xffff  }
0x28a: {  	[tilespmem:s25+$0xFFFFFDA0] =	vst v58;
	v56 =	vld.idx.msk [tilespmem:v34+s11+$0x0], $0xffff  }
0x28b: {  	v32 =	vor.u32 v13, v52;
	v58 =	vld.idx.msk [tilespmem:v41+s11+$0x0], $0xffff  }
0x28c: {  	v4 =	vor.u32 v17, v47;
	v62 =	vor.u32 v16, v38;
	[tilespmem:s25+$0xFFFFFE20] =	vst v2;
	v11 =	vor.u32 v16, v46;
	v16 =	vld [tilespmem:$0x1FF50]  }
0x28d: {  	v34 =	vor.u32 v24, v45;
	[tilespmem:s25+$0x1A0] =	vst v9;
	v9 =	vor.u32 v24, v49;
	v24 =	vld [tilespmem:$0x1FB40]  }
0x28e: {  	v61 =	vld.idx.msk [tilespmem:v61+s11+$0x0], $0xffff  }
0x28f: {  	[tilespmem:s25+$0x3D0] =	vst v5;
	v0 =	vld.idx.msk [tilespmem:v0+s11+$0x0], $0xffff  }
0x290: {  	[tilespmem:s25+$0x220] =	vst v10;
	v32 =	vld.idx.msk [tilespmem:v32+s11+$0x0], $0xffff  }
0x291: {  	[tilespmem:s25+$0xFFFFFD20] =	vst v60;
	v4 =	vld.idx.msk [tilespmem:v4+s11+$0x0], $0xffff  }
0x292: {  	v5 =	vor.u32 v18, v36;
	v62 =	vld.idx.msk [tilespmem:v62+s11+$0x0], $0xffff  }
0x293: {  	v60 =	vld.idx.msk [tilespmem:v34+s11+$0x0], $0xffff  }
0x294: {  	v8 =	vld.idx.msk [tilespmem:v11+s11+$0x0], $0xffff  }
0x295: {  	v52 =	vor.u32 v19, v52;
	[tilespmem:s25+$0x30] =	vst v3;
	v11 =	vld [tilespmem:$0x1FC70]  }
0x296: {  	v2 =	vmov s28;
	[tilespmem:s25+$0x320] =	vst v7;
	v7 =	vor.u32 v24, v39;
	v3 =	vor.u32 v24, v47;
	v24 =	vld [tilespmem:$0x1FB70]  }
0x297: {  	v2 =	vshrl.u32 v2, $0x3;
	v5 =	vld.idx.msk [tilespmem:v5+s11+$0x0], $0xffff  }
0x298: {  	v53 =	vor.u32 v14, v35;
	v50 =	vor.u32 v19, v35;
	v2 =	vshll.u32 v2, v33;
	v9 =	vld.idx.msk [tilespmem:v9+s11+$0x0], $0xffff  }
0x299: {  	v51 =	vor.u32 v13, v35;
	v35 =	vbroadcast v2, $0x0;
	[tilespmem:s25+$0x3E0] =	vst v32;
	v32 =	vor.u32 v23, v42;
	v23 =	vld [tilespmem:$0x1FFE0]  }
0x29a: {  	v2 =	vld.idx.msk [tilespmem:v52+s11+$0x0], $0xffff  }
0x29b: {  	[tilespmem:s25+$0xB0] =	vst v6;
	v52 =	vld.idx.msk [tilespmem:v55+s11+$0x0], $0xffff;
	v55 =	vor.u32 v25, v35  }
0x29c: {  	v63 =	vor.u32 v22, v40;
	[tilespmem:s25+$0xFFFFFE30] =	vst v61;
	v25 =	vld [tilespmem:$0x1FB50]  }
0x29d: {  	[tilespmem:s25+$0x230] =	vst v4;
	v7 =	vld.idx.msk [tilespmem:v7+s11+$0x0], $0xffff  }
0x29e: {  	[tilespmem:s25+$0xFFFFFCB0] =	vst v56;
	v3 =	vld.idx.msk [tilespmem:v3+s11+$0x0], $0xffff  }
0x29f: {  	[tilespmem:s25+$0xFFFFFDB0] =	vst v58;
	v58 =	vor.u32 v23, v43;
	v61 =	vor.u32 v23, v42;
	v23 =	vld [tilespmem:$0x1FFF0]  }
0x2a0: {  	v34 =	vor.u32 v11, v37;
	[tilespmem:s25+$0x130] =	vst v8;
	v41 =	vld.idx.msk [tilespmem:v55+s11+$0x0], $0xffff  }
0x2a1: {  	v8 =	vor.u32 v26, v49;
	[tilespmem:s25+$0xFFFFFC20] =	vst v57;
	v55 =	vld.idx.msk [tilespmem:v63+s11+$0x0], $0xffff  }
0x2a2: {  	[tilespmem:s25+$0xFFFFFFB0] =	vst v52;
	v57 =	vld.idx.msk [tilespmem:v32+s11+$0x0], $0xffff  }
0x2a3: {  	[tilespmem:s25+$0xFFFFFEB0] =	vst v5;
	v5 =	vor.u32 v11, v44;
	v54 =	vld.idx.msk [tilespmem:v54+s11+$0x0], $0xffff  }
0x2a4: {  	[tilespmem:s25+$0x330] =	vst v9;
	v6 =	vor.u32 v25, v48;
	v32 =	vor.u32 v25, v36;
	v25 =	vld [tilespmem:$0x1FB80]  }
0x2a5: {  	[tilespmem:s25+$0x3F0] =	vst v2;
	v2 =	vor.u32 v16, v38;
	v10 =	vld.idx.msk [tilespmem:v34+s11+$0x0], $0xffff  }
0x2a6: {  	v8 =	vld.idx.msk [tilespmem:v8+s11+$0x0], $0xffff  }
0x2a7: {  	v34 =	vor.u32 v26, v45;
	v26 =	vld [tilespmem:$0x1FB90]  }
0x2a8: {  	v5 =	vld.idx.msk [tilespmem:v5+s11+$0x0], $0xffff  }
0x2a9: {  	[tilespmem:s25+$0xFFFFFD30] =	vst v62;
	v58 =	vld.idx.msk [tilespmem:v58+s11+$0x0], $0xffff  }
0x2aa: {  	[tilespmem:s25+$0x2B0] =	vst v1;
	v2 =	vld.idx.msk [tilespmem:v2+s11+$0x0], $0xffff  }
0x2ab: {  	v6 =	vld.idx.msk [tilespmem:v6+s11+$0x0], $0xffff  }
0x2ac: {  	v56 =	vld.idx.msk [tilespmem:v32+s11+$0x0], $0xffff  }
0x2ad: {  	[tilespmem:s25+$0xFFFFFF30] =	vst v60;
	v32 =	vor.u32 v16, v46;
	v16 =	vld [tilespmem:$0x1FF80]  }
0x2ae: {  	v11 =	vor.u32 v24, v47;
	[tilespmem:s25+$0xFFFFFE40] =	vst v7;
	v59 =	vld.idx.msk [tilespmem:v34+s11+$0x0], $0xffff  }
0x2af: {  	[tilespmem:s25+$0xFFFFFC30] =	vst v57;
	v34 =	vor.u32 v22, v30;
	v22 =	vld [tilespmem:$0x1FFB0]  }
0x2b0: {  	v7 =	vor.u32 v23, v43;
	[tilespmem:s25+$0xFFFFFFC0] =	vst v54;
	v57 =	vld.idx.msk [tilespmem:v61+s11+$0x0], $0xffff  }
0x2b1: {  	[tilespmem:s25+$0x240] =	vst v3;
	v53 =	vld.idx.msk [tilespmem:v53+s11+$0x0], $0xffff  }
0x2b2: {  	v62 =	vor.u32 v25, v36;
	[tilespmem:s25+$0xC0] =	vst v5;
	v5 =	vor.u32 v25, v48;
	v25 =	vld [tilespmem:$0x1FBC0]  }
0x2b3: {  	[tilespmem:s25+$0x40] =	vst v58;
	v58 =	vld.idx.msk [tilespmem:v11+s11+$0x0], $0xffff  }
0x2b4: {  	v11 =	vld [tilespmem:$0x1FC10]  }
0x2b5: {  	v7 =	vld.idx.msk [tilespmem:v7+s11+$0x0], $0xffff  }
0x2b6: {  	v60 =	vld.idx.msk [tilespmem:v32+s11+$0x0], $0xffff  }
0x2b7: {  	[tilespmem:s25+$0x1B0] =	vst v0;
	v32 =	vld [tilespmem:$0x1FC80]  }
0x2b8: {  	v4 =	vor.u32 v16, v38;
	[tilespmem:s25+$0xFFFFFEC0] =	vst v56;
	v56 =	vor.u32 v16, v46;
	v16 =	vld [tilespmem:$0x1FF90]  }
0x2b9: {  	[tilespmem:s25+$0xFFFFFCC0] =	vst v10;
	v52 =	vld.idx.msk [tilespmem:v34+s11+$0x0], $0xffff  }
0x2ba: {  	[tilespmem:s25+$0xFFFFFD40] =	vst v2;
	v2 =	vor.u32 v26, v45;
	v10 =	vld.idx.msk [tilespmem:v62+s11+$0x0], $0xffff  }
0x2bb: {  	v1 =	vor.u32 v22, v40;
	v54 =	vor.u32 v22, v30;
	v22 =	vld [tilespmem:$0x1FFC0]  }
0x2bc: {  	[tilespmem:s25+$0x2C0] =	vst v6;
	v34 =	vor.u32 v24, v39;
	v24 =	vld [tilespmem:$0x1FBB0]  }
0x2bd: {  	[tilespmem:s25+$0xFFFFFFD0] =	vst v53;
	v5 =	vld.idx.msk [tilespmem:v5+s11+$0x0], $0xffff  }
0x2be: {  	[tilespmem:s25+$0xFFFFFF40] =	vst v59;
	v53 =	vld.idx.msk [tilespmem:v51+s11+$0x0], $0xffff  }
0x2bf: {  	v2 =	vld.idx.msk [tilespmem:v2+s11+$0x0], $0xffff  }
0x2c0: {  	v4 =	vld.idx.msk [tilespmem:v4+s11+$0x0], $0xffff  }
0x2c1: {  	[tilespmem:s25+$0xFFFFFDC0] =	vst v55;
	v0 =	vor.u32 v32, v37;
	v63 =	vor.u32 v32, v44;
	v32 =	vor.u32 v26, v49;
	v26 =	vld [tilespmem:$0x1FBF0]  }
0x2c2: {  	v1 =	vld.idx.msk [tilespmem:v1+s11+$0x0], $0xffff  }
0x2c3: {  	[tilespmem:s25+$0x140] =	vst v60;
	v9 =	vld.idx.msk [tilespmem:v34+s11+$0x0], $0xffff  }
0x2c4: {  	v56 =	vld.idx.msk [tilespmem:v56+s11+$0x0], $0xffff  }
0x2c5: {  	v34 =	vor.u32 v23, v42;
	[tilespmem:s25+$0x1C0] =	vst v52;
	v23 =	vld [tilespmem:$0x1FBA0]  }
0x2c6: {  	v3 =	vor.u32 v22, v38;
	v54 =	vld.idx.msk [tilespmem:v54+s11+$0x0], $0xffff  }
0x2c7: {  	[tilespmem:s25+$0x340] =	vst v8;
	v0 =	vld.idx.msk [tilespmem:v0+s11+$0x0], $0xffff  }
0x2c8: {  	[tilespmem:s25+$0xFFFFFC40] =	vst v57;
	v55 =	vld.idx.msk [tilespmem:v63+s11+$0x0], $0xffff  }
0x2c9: {  	v6 =	vor.u32 v12, v40;
	[tilespmem:s25+$0xFFFFFF50] =	vst v2;
	v57 =	vld.idx.msk [tilespmem:v32+s11+$0x0], $0xffff  }
0x2ca: {  	v2 =	vor.u32 v22, v46;
	[tilespmem:s25+$0xFFFFFD50] =	vst v4;
	v59 =	vld.idx.msk [tilespmem:v34+s11+$0x0], $0xffff  }
0x2cb: {  	[tilespmem:s25+$0x50] =	vst v7;
	v4 =	vor.u32 v25, v45;
	v3 =	vld.idx.msk [tilespmem:v3+s11+$0x0], $0xffff  }
0x2cc: {  	v32 =	vor.u32 v12, v30;
	v8 =	vor.u32 v23, v39;
	[tilespmem:s25+$0xFFFFFDD0] =	vst v1;
	v7 =	vor.u32 v23, v47;
	v23 =	vld [tilespmem:$0x1FEE0]  }
0x2cd: {  	[tilespmem:s25+$0x150] =	vst v56;
	v56 =	vor.u32 v25, v49;
	v25 =	vld [tilespmem:$0x1FBE0]  }
0x2ce: {  	v63 =	vor.u32 v16, v37;
	v1 =	vld.idx.msk [tilespmem:v6+s11+$0x0], $0xffff  }
0x2cf: {  	[tilespmem:s25+$0xFFFFFE50] =	vst v9;
	v2 =	vld.idx.msk [tilespmem:v2+s11+$0x0], $0xffff  }
0x2d0: {  	v9 =	vor.u32 v16, v44;
	[tilespmem:s25+$0x1D0] =	vst v54;
	v4 =	vld.idx.msk [tilespmem:v4+s11+$0x0], $0xffff  }
0x2d1: {  	[tilespmem:s25+$0xFFFFFED0] =	vst v10;
	v10 =	vld.idx.msk [tilespmem:v32+s11+$0x0], $0xffff  }
0x2d2: {  	v34 =	vor.u32 v24, v48;
	[tilespmem:s25+$0xFFFFFCD0] =	vst v0;
	v0 =	vor.u32 v24, v36;
	v24 =	vld [tilespmem:$0x1FC00]  }
0x2d3: {  	v60 =	vld.idx.msk [tilespmem:v63+s11+$0x0], $0xffff  }
0x2d4: {  	v6 =	vor.u32 v11, v43;
	[tilespmem:s25+$0xD0] =	vst v55;
	v8 =	vld.idx.msk [tilespmem:v8+s11+$0x0], $0xffff  }
0x2d5: {  	[tilespmem:s25+$0x250] =	vst v58;
	v11 =	vor.u32 v11, v42;
	v9 =	vld.idx.msk [tilespmem:v9+s11+$0x0], $0xffff  }
0x2d6: {  	v40 =	vor.u32 v28, v40;
	[tilespmem:s25+$0x2D0] =	vst v5;
	v7 =	vld.idx.msk [tilespmem:v7+s11+$0x0], $0xffff  }
0x2d7: {  	[tilespmem:s25+$0x350] =	vst v57;
	v16 =	vld.idx.msk [tilespmem:v34+s11+$0x0], $0xffff  }
0x2d8: {  	v34 =	vmov v19;
	v19 =	vld.idx.msk [tilespmem:v56+s11+$0x0], $0xffff  }
0x2d9: {  	v38 =	vor.u32 v23, v38;
	[tilespmem:s25+$0xFFFFFC50] =	vst v59;
	v6 =	vld.idx.msk [tilespmem:v6+s11+$0x0], $0xffff  }
0x2da: {  	s29 =	sadd.s32 $0x1, s28;
	s30 =	sadd.s32 $0x3, s28;
	v52 =	vld.idx.msk [tilespmem:v11+s11+$0x0], $0xffff;
	[tilespmem:s25+$0xFFFFFDE0] =	vst v1  }
0x2db: {  	v61 =	vmov s30;
	v51 =	vmov s29;
	s29 =	sadd.s32 $0x2, s28;
	v37 =	vor.u32 v20, v37;
	v56 =	vld.idx.msk [tilespmem:v40+s11+$0x0], $0xffff  }
0x2dc: {  	s31 =	sadd.s32 $0x5, s28;
	v61 =	vshrl.u32 v61, $0x3;
	v55 =	vmov s29;
	s29 =	sadd.s32 $0x4, s28;
	v57 =	vshrl.u32 v51, $0x3;
	[tilespmem:s25+$0xFFFFFD60] =	vst v3;
	v40 =	vld [tilespmem:$0x1FC20]  }
0x2dd: {  	v62 =	vmov s29;
	v63 =	vmov s31;
	s29 =	sadd.s32 $0x6, s28;
	v39 =	vor.u32 v25, v39;
	v0 =	vld.idx.msk [tilespmem:v0+s11+$0x0], $0xffff;
	[tilespmem:s25+$0xFFFFFF60] =	vst v4  }
0x2de: {  	s31 =	sadd.s32 $0x7, s28;
	v12 =	vmov s29;
	v3 =	vor.u32 v24, v45;
	[tilespmem:s25+$0xFFFFFCE0] =	vst v60;
	v60 =	vshrl.u32 v55, $0x3;
	v55 =	vld.idx.msk [tilespmem:v38+s11+$0x0], $0xffff  }
0x2df: {  	v27 =	vmovc v13;
	v13 =	vmov s31;
	s29 =	sadd.s32 $0x8, s28;
	s31 =	sadd.s32 $0x9, s28;
	v11 =	vor.u32 v26, v36;
	v4 =	vor.u32 v23, v46;
	[tilespmem:s25+$0x2E0] =	vst v16;
	v16 =	vld [tilespmem:$0x1FCA0]  }
0x2e0: {  	v31 =	vmovc v14;
	[tilespmem:s25+$0xFFFFFFE0] =	vst v53;
	v62 =	vshrl.u32 v62, $0x3;
	v58 =	vmov s29;
	v14 =	vmov s31;
	v54 =	vld.idx.msk [tilespmem:v37+s11+$0x0], $0xffff  }
0x2e1: {  	v12 =	vshrl.u32 v12, $0x3;
	[tilespmem:s25+$0xFFFFFE60] =	vst v8;
	v36 =	vshll.u32 v60, v33;
	v60 =	vld.idx.msk [tilespmem:v50+s11+$0x0], $0xffff;
	v8 =	vor.u32 v40, v43  }
0x2e2: {  	s29 =	sadd.s32 $0xA, s28;
	s31 =	sadd.s32 $0xB, s28;
	v1 =	vshrl.u32 v13, $0x3;
	v43 =	vshll.u32 v57, v33;
	v57 =	vld.idx.msk [tilespmem:v39+s11+$0x0], $0xffff;
	[tilespmem:s25+$0xFFFFFEE0] =	vst v0;
	v0 =	vor.u32 v20, v44  }
0x2e3: {  	v22 =	vmovc v15;
	v5 =	vmov s29;
	v15 =	vmov s31;
	s29 =	sadd.s32 $0xC, s28;
	v13 =	vshrl.u32 v58, $0x3;
	[tilespmem:s25+$0x160] =	vst v2;
	v59 =	vld.idx.msk [tilespmem:v3+s11+$0x0], $0xffff  }
0x2e4: {  	v32 =	vmovc v17;
	s31 =	sadd.s32 $0xD, s28;
	v14 =	vshrl.u32 v14, $0x3;
	v17 =	vmov s29;
	v45 =	vshrl.u32 v63, $0x3;
	v63 =	vld.idx.msk [tilespmem:v4+s11+$0x0], $0xffff  }
0x2e5: {  	v29 =	vmovc v18;
	v18 =	vmov s31;
	v46 =	vshrl.u32 v15, $0x3;
	v15 =	vor.u32 v25, v47;
	[tilespmem:s25+$0x60] =	vst v6;
	v58 =	vld.idx.msk [tilespmem:v11+s11+$0x0], $0xffff  }
0x2e6: {  	v47 =	vshll.u32 v1, v33;
	[tilespmem:s25+$0xE0] =	vst v9;
	v20 =	vshrl.u32 v5, $0x3;
	v5 =	vshll.u32 v61, v33;
	v61 =	vld.idx.msk [tilespmem:v8+s11+$0x0], $0xffff  }
0x2e7: {  	[tilespmem:s25+$0x1E0] =	vst v10;
	v53 =	vshrl.u32 v17, $0x3;
	v3 =	vor.u32 v28, v30;
	v11 =	vshll.u32 v62, v33;
	v62 =	vld.idx.msk [tilespmem:v0+s11+$0x0], $0xffff  }
0x2e8: {  	p0 =	slt.u32 s28, $0x30;
	v17 =	vshll.u32 v45, v33;
	[tilespmem:s25+$0x260] =	vst v7;
	v50 =	vshrl.u32 v18, $0x3;
	v8 =	vor.u32 v26, v48;
	v0 =	vld [tilespmem:$0x1FC30]  }
.Ltmp1:
0x2e9: {  	[tilespmem:s25+$0x360] =	vst v19;
	v38 =	vbroadcast v36, $0x0;
	v36 =	vbroadcast v17, $0x0;
	v30 =	vshll.u32 v12, v33;
	v12 =	vld [tilespmem:$0x1FCB0];
	(pc) =	sbr.rel @p0 .LBB2_5-.Ltmp1, $4  }
0x2ea: {  	v19 =	vmovc v34;
	v18 =	vmovc v29;
	v37 =	vbroadcast v43, $0x0;
	v44 =	vor.u32 v40, v42;
	v2 =	vld.idx.msk [tilespmem:v15+s11+$0x0], $0xffff;
	v40 =	vbroadcast v5, $0x0  }
0x2eb: {  	s29 =	sadd.s32 $0xE, s28;
	v43 =	vor.u32 v24, v49;
	v49 =	vshll.u32 v14, v33;
	v14 =	vmovc v31;
	v48 =	vshll.u32 v20, v33;
	v20 =	vld [tilespmem:$0x1FC90]  }
0x2ec: {  	v51 =	vmov s29;
	v17 =	vmovc v32;
	v15 =	vmovc v22;
	v5 =	vor.u32 v21, v38;
	v4 =	vor.u32 v16, v40;
	v1 =	vld.idx.msk [tilespmem:v3+s11+$0x0], $0xffff  }
0x2ed: {  	s29 =	sadd.s32 $0xF, s28;
	s28 =	sadd.s32 $0x10, s28;
	v39 =	vbroadcast v11, $0x0;
	v3 =	vld.idx.msk [tilespmem:v8+s11+$0x0], $0xffff;
	v6 =	vor.u32 v0, v37;
	v0 =	vshll.u32 v13, v33;
	v13 =	vmovc v27  }
0x2ee: {  	[tilespmem:s25+$0xFFFFFC60] =	vst v52  }
0x2ef: {  	[tilespmem:s25+$0xFFFFFCF0] =	vst v54  }
0x2f0: {  	[tilespmem:s25+$0xFFFFFD70] =	vst v55  }
0x2f1: {  	[tilespmem:s25+$0xFFFFFDF0] =	vst v56  }
0x2f2: {  	[tilespmem:s25+$0xFFFFFE70] =	vst v57  }
0x2f3: {  	[tilespmem:s25+$0xFFFFFEF0] =	vst v58  }
0x2f4: {  	[tilespmem:s25+$0xFFFFFF70] =	vst v59  }
0x2f5: {  	v11 =	vld [tilespmem:$0x1FA60];
	[tilespmem:s25+$0xFFFFFFF0] =	vst v60  }
0x2f6: {  	v7 =	vmov s29;
	[tilespmem:s25+$0x70] =	vst v61  }
0x2f7: {  	v8 =	vld.idx.msk [tilespmem:v43+s11+$0x0], $0xffff;
	v7 =	vshrl.u32 v7, $0x3;
	[tilespmem:s25+$0xF0] =	vst v62  }
0x2f8: {  	[tilespmem:s25+$0x170] =	vst v63;
	v10 =	vld.idx.msk [tilespmem:v44+s11+$0x0], $0xffff;
	v7 =	vshll.u32 v7, v33  }
0x2f9: {  	v21 =	vld [tilespmem:$0x1FA70];
	v52 =	vbroadcast v7, $0x0;
	[tilespmem:s25+$0x1F0] =	vst v1  }
0x2fa: {  	v23 =	vld [tilespmem:$0x1FA80];
	[tilespmem:s25+$0x270] =	vst v2  }
0x2fb: {  	v44 =	vbroadcast v47, $0x0;
	v24 =	vld [tilespmem:$0x1FA90];
	v7 =	vor.u32 v11, v52  }
0x2fc: {  	v6 =	vld.idx.msk [tilespmem:v6+s11+$0x0], $0xffff  }
0x2fd: {  	v42 =	vbroadcast v0, $0x0;
	v0 =	vld.idx.msk [tilespmem:v5+s11+$0x0], $0xffff;
	[tilespmem:s25+$0x2F0] =	vst v3;
	v5 =	vor.u32 v11, v44  }
0x2fe: {  	v30 =	vbroadcast v30, $0x0;
	v25 =	vld [tilespmem:$0x1FAA0];
	v9 =	vor.u32 v21, v39  }
0x2ff: {  	v4 =	vld.idx.msk [tilespmem:v4+s11+$0x0], $0xffff;
	[tilespmem:s25+$0x370] =	vst v8;
	v1 =	vor.u32 v23, v36  }
0x300: {  	[tilespmem:s25+$0xFFFFFC70] =	vst v10;
	v2 =	vor.u32 v24, v30;
	v7 =	vld.idx.msk [tilespmem:v7+s11+$0x0], $0xffff  }
0x301: {  	v56 =	vld [tilespmem:$0x1FEC0]  }
0x302: {  	v5 =	vld.idx.msk [tilespmem:v5+s11+$0x0], $0xffff  }
0x303: {  	v3 =	vor.u32 v25, v52;
	v9 =	vld.idx.msk [tilespmem:v9+s11+$0x0], $0xffff  }
0x304: {  	s29 =	sadd.s32 $0x800, s25;
	v1 =	vld.idx.msk [tilespmem:v1+s11+$0x0], $0xffff  }
0x305: {  	v2 =	vld.idx.msk [tilespmem:v2+s11+$0x0], $0xffff;
	[tilespmem:s29+$0x380] =	vst v7  }
0x306: {  	v7 =	vld [tilespmem:$0x1FC30];
	[tilespmem:s29+$0xFFFFFC80] =	vst v6  }
0x307: {  	v57 =	vshll.u32 v46, v33;
	v55 =	vor.u32 v56, v42;
	v6 =	vld [tilespmem:$0x1FFA0];
	[tilespmem:s29+$0xFFFFFD00] =	vst v0  }
0x308: {  	v58 =	vshll.u32 v53, v33;
	v46 =	vbroadcast v57, $0x0;
	v3 =	vld.idx.msk [tilespmem:v3+s11+$0x0], $0xffff;
	[tilespmem:s29+$0xFFFFFD80] =	vst v4  }
0x309: {  	v47 =	vbroadcast v58, $0x0;
	[tilespmem:s29+$0xFFFFFE00] =	vst v9  }
0x30a: {  	v43 =	vbroadcast v49, $0x0;
	v0 =	vor.u32 v16, v46;
	v11 =	vld [tilespmem:$0x1FAE0];
	[tilespmem:s29+$0xFFFFFE80] =	vst v1  }
0x30b: {  	v45 =	vbroadcast v48, $0x0;
	v4 =	vor.u32 v21, v47;
	[tilespmem:s29+$0xFFFFFF80] =	vst v5  }
0x30c: {  	v59 =	vshrl.u32 v51, $0x3;
	v60 =	vshll.u32 v50, v33;
	v8 =	vld.idx.msk [tilespmem:v55+s11+$0x0], $0xffff;
	[tilespmem:s29+$0xFFFFFF00] =	vst v2;
	v7 =	vor.u32 v7, v43  }
0x30d: {  	v48 =	vbroadcast v60, $0x0;
	v10 =	vshll.u32 v59, v33;
	[tilespmem:s29+$0x390] =	vst v3  }
0x30e: {  	v49 =	vbroadcast v10, $0x0;
	v6 =	vor.u32 v6, v45;
	v10 =	vld [tilespmem:$0x1FC40]  }
0x30f: {  	v1 =	vor.u32 v23, v48;
	v0 =	vld.idx.msk [tilespmem:v0+s11+$0x0], $0xffff  }
0x310: {  	v2 =	vor.u32 v24, v49;
	v4 =	vld.idx.msk [tilespmem:v4+s11+$0x0], $0xffff  }
0x311: {  	[tilespmem:s29+$0x0] =	vst v8;
	v61 =	vor.u32 v11, v52;
	v7 =	vld.idx.msk [tilespmem:v7+s11+$0x0], $0xffff  }
0x312: {  	v59 =	vld [tilespmem:$0x1FF10]  }
0x313: {  	v6 =	vld.idx.msk [tilespmem:v6+s11+$0x0], $0xffff;
	v3 =	vor.u32 v10, v37  }
0x314: {  	v1 =	vld.idx.msk [tilespmem:v1+s11+$0x0], $0xffff  }
0x315: {  	v2 =	vld.idx.msk [tilespmem:v2+s11+$0x0], $0xffff  }
0x316: {  	v62 =	vld.idx.msk [tilespmem:v61+s11+$0x0], $0xffff;
	[tilespmem:s29+$0x80] =	vst v7  }
0x317: {  	v58 =	vld [tilespmem:$0x1FEF0]  }
0x318: {  	[tilespmem:s29+$0x100] =	vst v6;
	v3 =	vld.idx.msk [tilespmem:v3+s11+$0x0], $0xffff  }
0x319: {  	v57 =	vld [tilespmem:$0x1FB10];
	[tilespmem:s29+$0x180] =	vst v0  }
0x31a: {  	v55 =	vld [tilespmem:$0x1FAB0];
	[tilespmem:s29+$0x200] =	vst v4  }
0x31b: {  	v5 =	vor.u32 v59, v38;
	v54 =	vld [tilespmem:$0x1FAC0];
	[tilespmem:s29+$0x3A0] =	vst v62  }
0x31c: {  	v60 =	vld [tilespmem:$0x1FAD0];
	[tilespmem:s29+$0x280] =	vst v1  }
0x31d: {  	v1 =	vor.u32 v25, v44;
	[tilespmem:s29+$0x300] =	vst v2  }
0x31e: {  	v7 =	vor.u32 v58, v40;
	v50 =	vld [tilespmem:$0x1FED0]  }
0x31f: {  	[tilespmem:s29+$0xFFFFFC00] =	vst v41;
	v6 =	vor.u32 v57, v52  }
0x320: {  	v5 =	vld.idx.msk [tilespmem:v5+s11+$0x0], $0xffff;
	[tilespmem:s29+$0xFFFFFC90] =	vst v3;
	v0 =	vor.u32 v55, v39  }
0x321: {  	v53 =	vld [tilespmem:$0x1FB30];
	v4 =	vor.u32 v54, v36  }
0x322: {  	v63 =	vor.u32 v60, v30;
	v1 =	vld.idx.msk [tilespmem:v1+s11+$0x0], $0xffff  }
0x323: {  	v7 =	vld.idx.msk [tilespmem:v7+s11+$0x0], $0xffff;
	v2 =	vor.u32 v50, v42  }
0x324: {  	v6 =	vld.idx.msk [tilespmem:v6+s11+$0x0], $0xffff  }
0x325: {  	v41 =	vor.u32 v10, v43;
	v0 =	vld.idx.msk [tilespmem:v0+s11+$0x0], $0xffff  }
0x326: {  	[tilespmem:s29+$0xFFFFFD10] =	vst v5;
	v5 =	vor.u32 v59, v45;
	v4 =	vld.idx.msk [tilespmem:v4+s11+$0x0], $0xffff  }
0x327: {  	v3 =	vor.u32 v53, v52;
	v8 =	vld.idx.msk [tilespmem:v63+s11+$0x0], $0xffff;
	[tilespmem:s29+$0xFFFFFF90] =	vst v1  }
0x328: {  	[tilespmem:s29+$0xFFFFFD90] =	vst v7;
	v7 =	vor.u32 v58, v46;
	v2 =	vld.idx.msk [tilespmem:v2+s11+$0x0], $0xffff  }
0x329: {  	[tilespmem:s29+$0x3B0] =	vst v6  }
0x32a: {  	v9 =	vld.idx.msk [tilespmem:v41+s11+$0x0], $0xffff;
	v6 =	vor.u32 v55, v47;
	[tilespmem:s29+$0xFFFFFE10] =	vst v0  }
0x32b: {  	v5 =	vld.idx.msk [tilespmem:v5+s11+$0x0], $0xffff;
	[tilespmem:s29+$0xFFFFFE90] =	vst v4  }
0x32c: {  	v0 =	vor.u32 v54, v48;
	v3 =	vld.idx.msk [tilespmem:v3+s11+$0x0], $0xffff;
	[tilespmem:s29+$0xFFFFFF10] =	vst v8  }
0x32d: {  	v7 =	vld.idx.msk [tilespmem:v7+s11+$0x0], $0xffff;
	[tilespmem:s29+$0x10] =	vst v2  }
0x32e: {  	v4 =	vor.u32 v60, v49;
	v10 =	vld [tilespmem:$0x1FC50]  }
0x32f: {  	v8 =	vor.u32 v50, v35;
	v6 =	vld.idx.msk [tilespmem:v6+s11+$0x0], $0xffff;
	[tilespmem:s29+$0x90] =	vst v9  }
0x330: {  	v63 =	vld [tilespmem:$0x1FF20]  }
0x331: {  	v0 =	vld.idx.msk [tilespmem:v0+s11+$0x0], $0xffff;
	[tilespmem:s29+$0x3C0] =	vst v3  }
0x332: {  	v41 =	vld [tilespmem:$0x1FF00]  }
0x333: {  	v4 =	vld.idx.msk [tilespmem:v4+s11+$0x0], $0xffff  }
0x334: {  	[tilespmem:s29+$0x110] =	vst v5;
	v8 =	vld.idx.msk [tilespmem:v8+s11+$0x0], $0xffff  }
0x335: {  	v1 =	vor.u32 v14, v52;
	v61 =	vld [tilespmem:$0x1FAF0]  }
0x336: {  	[tilespmem:s29+$0x190] =	vst v7  }
0x337: {  	v2 =	vor.u32 v10, v37;
	[tilespmem:s29+$0x210] =	vst v6  }
0x338: {  	v51 =	vor.u32 v63, v38;
	v62 =	vld [tilespmem:$0x1FB00];
	[tilespmem:s29+$0x290] =	vst v0  }
0x339: {  	v3 =	vor.u32 v41, v40;
	[tilespmem:s29+$0x310] =	vst v4  }
0x33a: {  	v1 =	vld.idx.msk [tilespmem:v1+s11+$0x0], $0xffff;
	v5 =	vor.u32 v61, v39;
	[tilespmem:s29+$0xFFFFFC10] =	vst v8  }
0x33b: {  	v7 =	vor.u32 v15, v36;
	v28 =	vld [tilespmem:$0x1FF30]  }
0x33c: {  	v0 =	vor.u32 v13, v52;
	v2 =	vld.idx.msk [tilespmem:v2+s11+$0x0], $0xffff  }
0x33d: {  	v4 =	vor.u32 v11, v44;
	v9 =	vld.idx.msk [tilespmem:v51+s11+$0x0], $0xffff  }
0x33e: {  	v6 =	vor.u32 v62, v30;
	v3 =	vld.idx.msk [tilespmem:v3+s11+$0x0], $0xffff  }
0x33f: {  	[tilespmem:s29+$0x3D0] =	vst v1;
	v1 =	vor.u32 v10, v43;
	v5 =	vld.idx.msk [tilespmem:v5+s11+$0x0], $0xffff  }
0x340: {  	v51 =	vor.u32 v41, v46;
	v7 =	vld.idx.msk [tilespmem:v7+s11+$0x0], $0xffff  }
0x341: {  	v0 =	vld.idx.msk [tilespmem:v0+s11+$0x0], $0xffff;
	v8 =	vor.u32 v28, v42;
	[tilespmem:s29+$0xFFFFFCA0] =	vst v2  }
0x342: {  	v52 =	vor.u32 v19, v52;
	v4 =	vld.idx.msk [tilespmem:v4+s11+$0x0], $0xffff;
	[tilespmem:s29+$0xFFFFFD20] =	vst v9  }
0x343: {  	v2 =	vor.u32 v63, v45;
	v6 =	vld.idx.msk [tilespmem:v6+s11+$0x0], $0xffff;
	[tilespmem:s29+$0xFFFFFDA0] =	vst v3  }
0x344: {  	v1 =	vld.idx.msk [tilespmem:v1+s11+$0x0], $0xffff;
	[tilespmem:s29+$0xFFFFFE20] =	vst v5  }
0x345: {  	v9 =	vld.idx.msk [tilespmem:v51+s11+$0x0], $0xffff;
	v3 =	vor.u32 v61, v47;
	[tilespmem:s29+$0xFFFFFEA0] =	vst v7  }
0x346: {  	v7 =	vor.u32 v15, v48;
	[tilespmem:s29+$0x3E0] =	vst v0;
	v5 =	vld.idx.msk [tilespmem:v8+s11+$0x0], $0xffff  }
0x347: {  	[tilespmem:s29+$0xFFFFFFA0] =	vst v4;
	v8 =	vld.idx.msk [tilespmem:v52+s11+$0x0], $0xffff  }
0x348: {  	v2 =	vld.idx.msk [tilespmem:v2+s11+$0x0], $0xffff;
	[tilespmem:s29+$0xFFFFFF20] =	vst v6  }
0x349: {  	v10 =	vld [tilespmem:$0x1FC60]  }
0x34a: {  	v3 =	vld.idx.msk [tilespmem:v3+s11+$0x0], $0xffff  }
0x34b: {  	v7 =	vld.idx.msk [tilespmem:v7+s11+$0x0], $0xffff;
	[tilespmem:s29+$0x20] =	vst v5  }
0x34c: {  	v25 =	vld [tilespmem:$0x1FF40];
	[tilespmem:s29+$0xA0] =	vst v1  }
0x34d: {  	v0 =	vor.u32 v28, v35;
	v24 =	vld [tilespmem:$0x1FF60];
	[tilespmem:s29+$0x120] =	vst v2  }
0x34e: {  	[tilespmem:s29+$0x1A0] =	vst v9  }
0x34f: {  	v6 =	vor.u32 v62, v49;
	[tilespmem:s29+$0x220] =	vst v3  }
0x350: {  	v4 =	vor.u32 v10, v37;
	v51 =	vld [tilespmem:$0x1FB20]  }
0x351: {  	v2 =	vor.u32 v17, v39;
	[tilespmem:s29+$0x3F0] =	vst v8  }
0x352: {  	v0 =	vld.idx.msk [tilespmem:v0+s11+$0x0], $0xffff;
	[tilespmem:s29+$0x2A0] =	vst v7;
	v5 =	vor.u32 v25, v38  }
0x353: {  	v9 =	vor.u32 v18, v36;
	v26 =	vld [tilespmem:$0x1FFD0]  }
0x354: {  	v6 =	vld.idx.msk [tilespmem:v6+s11+$0x0], $0xffff;
	v1 =	vor.u32 v24, v40  }
0x355: {  	v4 =	vld.idx.msk [tilespmem:v4+s11+$0x0], $0xffff;
	v3 =	vor.u32 v51, v30  }
0x356: {  	v52 =	vor.u32 v57, v44;
	v2 =	vld.idx.msk [tilespmem:v2+s11+$0x0], $0xffff  }
0x357: {  	[tilespmem:s29+$0xFFFFFC20] =	vst v0;
	v0 =	vor.u32 v25, v45;
	v5 =	vld.idx.msk [tilespmem:v5+s11+$0x0], $0xffff  }
0x358: {  	v9 =	vld.idx.msk [tilespmem:v9+s11+$0x0], $0xffff;
	v7 =	vor.u32 v26, v42  }
0x359: {  	[tilespmem:s29+$0x320] =	vst v6;
	v6 =	vor.u32 v10, v43;
	v1 =	vld.idx.msk [tilespmem:v1+s11+$0x0], $0xffff  }
0x35a: {  	[tilespmem:s29+$0xFFFFFCB0] =	vst v4;
	v4 =	vor.u32 v24, v46;
	v3 =	vld.idx.msk [tilespmem:v3+s11+$0x0], $0xffff  }
0x35b: {  	v8 =	vld.idx.msk [tilespmem:v52+s11+$0x0], $0xffff;
	[tilespmem:s29+$0xFFFFFE30] =	vst v2  }
0x35c: {  	v0 =	vld.idx.msk [tilespmem:v0+s11+$0x0], $0xffff;
	[tilespmem:s29+$0xFFFFFD30] =	vst v5;
	v5 =	vor.u32 v17, v47  }
0x35d: {  	[tilespmem:s29+$0xFFFFFEB0] =	vst v9;
	v7 =	vld.idx.msk [tilespmem:v7+s11+$0x0], $0xffff  }
0x35e: {  	v6 =	vld.idx.msk [tilespmem:v6+s11+$0x0], $0xffff;
	[tilespmem:s29+$0xFFFFFDB0] =	vst v1  }
0x35f: {  	v1 =	vor.u32 v18, v48;
	v4 =	vld.idx.msk [tilespmem:v4+s11+$0x0], $0xffff;
	[tilespmem:s29+$0xFFFFFF30] =	vst v3  }
0x360: {  	v10 =	vld [tilespmem:$0x1FC70]  }
0x361: {  	[tilespmem:s29+$0xFFFFFFB0] =	vst v8;
	v5 =	vld.idx.msk [tilespmem:v5+s11+$0x0], $0xffff  }
0x362: {  	v18 =	vld [tilespmem:$0x1FF50];
	[tilespmem:s29+$0x30] =	vst v7  }
0x363: {  	v23 =	vld [tilespmem:$0x1FF70]  }
0x364: {  	v2 =	vor.u32 v51, v49;
	v1 =	vld.idx.msk [tilespmem:v1+s11+$0x0], $0xffff;
	[tilespmem:s29+$0xB0] =	vst v6  }
0x365: {  	v9 =	vor.u32 v26, v35;
	v52 =	vld [tilespmem:$0x1FB40];
	[tilespmem:s29+$0x130] =	vst v0  }
0x366: {  	v15 =	vld [tilespmem:$0x1FB50];
	[tilespmem:s29+$0x1B0] =	vst v4  }
0x367: {  	v3 =	vor.u32 v10, v37;
	v17 =	vld [tilespmem:$0x1FB60]  }
0x368: {  	v51 =	vor.u32 v18, v38  }
0x369: {  	v2 =	vld.idx.msk [tilespmem:v2+s11+$0x0], $0xffff;
	[tilespmem:s29+$0x230] =	vst v5;
	v7 =	vor.u32 v23, v40  }
0x36a: {  	v9 =	vld.idx.msk [tilespmem:v9+s11+$0x0], $0xffff;
	[tilespmem:s29+$0x2B0] =	vst v1;
	v6 =	vor.u32 v52, v39  }
0x36b: {  	v21 =	vld [tilespmem:$0x1FFE0];
	v0 =	vor.u32 v15, v36  }
0x36c: {  	v3 =	vld.idx.msk [tilespmem:v3+s11+$0x0], $0xffff;
	v4 =	vor.u32 v17, v30  }
0x36d: {  	v5 =	vor.u32 v53, v44;
	v8 =	vld.idx.msk [tilespmem:v51+s11+$0x0], $0xffff  }
0x36e: {  	[tilespmem:s29+$0x330] =	vst v2;
	v2 =	vor.u32 v10, v43;
	v7 =	vld.idx.msk [tilespmem:v7+s11+$0x0], $0xffff  }
0x36f: {  	v51 =	vor.u32 v18, v45;
	v6 =	vld.idx.msk [tilespmem:v6+s11+$0x0], $0xffff  }
0x370: {  	[tilespmem:s29+$0xFFFFFC30] =	vst v9;
	v1 =	vor.u32 v21, v42;
	v0 =	vld.idx.msk [tilespmem:v0+s11+$0x0], $0xffff  }
0x371: {  	v4 =	vld.idx.msk [tilespmem:v4+s11+$0x0], $0xffff;
	[tilespmem:s29+$0xFFFFFCC0] =	vst v3;
	v3 =	vor.u32 v23, v46  }
0x372: {  	v5 =	vld.idx.msk [tilespmem:v5+s11+$0x0], $0xffff;
	[tilespmem:s29+$0xFFFFFD40] =	vst v8  }
0x373: {  	v2 =	vld.idx.msk [tilespmem:v2+s11+$0x0], $0xffff;
	v8 =	vor.u32 v52, v47;
	[tilespmem:s29+$0xFFFFFDC0] =	vst v7  }
0x374: {  	v9 =	vld.idx.msk [tilespmem:v51+s11+$0x0], $0xffff;
	[tilespmem:s29+$0xFFFFFE40] =	vst v6  }
0x375: {  	v7 =	vor.u32 v15, v48;
	v1 =	vld.idx.msk [tilespmem:v1+s11+$0x0], $0xffff;
	[tilespmem:s29+$0xFFFFFEC0] =	vst v0  }
0x376: {  	[tilespmem:s29+$0xFFFFFF40] =	vst v4;
	v3 =	vld.idx.msk [tilespmem:v3+s11+$0x0], $0xffff  }
0x377: {  	v0 =	vor.u32 v21, v35;
	v10 =	vld [tilespmem:$0x1FC80]  }
0x378: {  	[tilespmem:s29+$0xFFFFFFC0] =	vst v5;
	v8 =	vld.idx.msk [tilespmem:v8+s11+$0x0], $0xffff  }
0x379: {  	v51 =	vld [tilespmem:$0x1FF80]  }
0x37a: {  	v7 =	vld.idx.msk [tilespmem:v7+s11+$0x0], $0xffff;
	[tilespmem:s29+$0x40] =	vst v1  }
0x37b: {  	v6 =	vor.u32 v17, v49;
	v23 =	vld [tilespmem:$0x1FFB0]  }
0x37c: {  	[tilespmem:s29+$0xC0] =	vst v2;
	v15 =	vld.idx.msk [tilespmem:v0+s11+$0x0], $0xffff  }
0x37d: {  	v11 =	vld [tilespmem:$0x1FB70];
	[tilespmem:s29+$0x140] =	vst v9  }
0x37e: {  	v4 =	vor.u32 v10, v37;
	v17 =	vld [tilespmem:$0x1FB80];
	[tilespmem:s29+$0x1C0] =	vst v3  }
0x37f: {  	v5 =	vor.u32 v51, v38;
	v0 =	vld [tilespmem:$0x1FB90];
	[tilespmem:s29+$0x240] =	vst v8  }
0x380: {  	v52 =	vor.u32 v14, v44;
	v6 =	vld.idx.msk [tilespmem:v6+s11+$0x0], $0xffff;
	[tilespmem:s29+$0x2C0] =	vst v7  }
0x381: {  	v18 =	vld [tilespmem:$0x1FFF0];
	v1 =	vor.u32 v23, v40  }
0x382: {  	v2 =	vor.u32 v11, v39  }
0x383: {  	v9 =	vor.u32 v17, v36;
	v4 =	vld.idx.msk [tilespmem:v4+s11+$0x0], $0xffff  }
0x384: {  	v3 =	vor.u32 v0, v30;
	v5 =	vld.idx.msk [tilespmem:v5+s11+$0x0], $0xffff  }
0x385: {  	v8 =	vld.idx.msk [tilespmem:v52+s11+$0x0], $0xffff;
	[tilespmem:s29+$0x340] =	vst v6;
	v6 =	vor.u32 v10, v43  }
0x386: {  	v7 =	vor.u32 v18, v42;
	v1 =	vld.idx.msk [tilespmem:v1+s11+$0x0], $0xffff  }
0x387: {  	v14 =	vor.u32 v51, v45;
	v2 =	vld.idx.msk [tilespmem:v2+s11+$0x0], $0xffff  }
0x388: {  	v9 =	vld.idx.msk [tilespmem:v9+s11+$0x0], $0xffff;
	[tilespmem:s29+$0xFFFFFCD0] =	vst v4;
	v4 =	vor.u32 v23, v46  }
0x389: {  	v3 =	vld.idx.msk [tilespmem:v3+s11+$0x0], $0xffff;
	[tilespmem:s29+$0xFFFFFD50] =	vst v5;
	v5 =	vor.u32 v11, v47  }
0x38a: {  	[tilespmem:s29+$0xFFFFFC40] =	vst v15;
	v6 =	vld.idx.msk [tilespmem:v6+s11+$0x0], $0xffff  }
0x38b: {  	v7 =	vld.idx.msk [tilespmem:v7+s11+$0x0], $0xffff;
	[tilespmem:s29+$0xFFFFFDD0] =	vst v1  }
0x38c: {  	v1 =	vor.u32 v17, v48;
	[tilespmem:s29+$0xFFFFFE50] =	vst v2;
	v2 =	vor.u32 v0, v49;
	v0 =	vld.idx.msk [tilespmem:v14+s11+$0x0], $0xffff  }
0x38d: {  	[tilespmem:s29+$0xFFFFFED0] =	vst v9;
	v4 =	vld.idx.msk [tilespmem:v4+s11+$0x0], $0xffff  }
0x38e: {  	[tilespmem:s29+$0xFFFFFF50] =	vst v3;
	v5 =	vld.idx.msk [tilespmem:v5+s11+$0x0], $0xffff  }
0x38f: {  	v14 =	vld [tilespmem:$0x1FF90];
	[tilespmem:s29+$0xFFFFFFD0] =	vst v8  }
0x390: {  	v11 =	vld [tilespmem:$0x1FFC0]  }
0x391: {  	[tilespmem:s29+$0x50] =	vst v7;
	v1 =	vld.idx.msk [tilespmem:v1+s11+$0x0], $0xffff  }
0x392: {  	[tilespmem:s29+$0xD0] =	vst v6  }
0x393: {  	v15 =	vld [tilespmem:$0x1FBA0];
	[tilespmem:s29+$0x150] =	vst v0  }
0x394: {  	v9 =	vor.u32 v18, v35;
	v17 =	vld [tilespmem:$0x1FBB0];
	[tilespmem:s29+$0x1D0] =	vst v4  }
0x395: {  	v52 =	vor.u32 v12, v40;
	v7 =	vld [tilespmem:$0x1FBC0];
	[tilespmem:s29+$0x250] =	vst v5  }
0x396: {  	v3 =	vor.u32 v14, v37;
	[tilespmem:s29+$0x2D0] =	vst v1  }
0x397: {  	v5 =	vor.u32 v13, v44;
	v10 =	vld [tilespmem:$0x1FC10]  }
0x398: {  	v2 =	vld.idx.msk [tilespmem:v2+s11+$0x0], $0xffff;
	v51 =	vor.u32 v11, v38  }
0x399: {  	v9 =	vld.idx.msk [tilespmem:v9+s11+$0x0], $0xffff;
	v6 =	vor.u32 v15, v39  }
0x39a: {  	v13 =	vld.idx.msk [tilespmem:v52+s11+$0x0], $0xffff;
	v0 =	vor.u32 v17, v36  }
0x39b: {  	v4 =	vor.u32 v7, v30;
	v3 =	vld.idx.msk [tilespmem:v3+s11+$0x0], $0xffff  }
0x39c: {  	v5 =	vld.idx.msk [tilespmem:v5+s11+$0x0], $0xffff;
	v1 =	vor.u32 v10, v42  }
0x39d: {  	[tilespmem:s29+$0x350] =	vst v2;
	v2 =	vor.u32 v14, v43;
	v8 =	vld.idx.msk [tilespmem:v51+s11+$0x0], $0xffff  }
0x39e: {  	[tilespmem:s29+$0xFFFFFC50] =	vst v9;
	v6 =	vld.idx.msk [tilespmem:v6+s11+$0x0], $0xffff  }
0x39f: {  	[tilespmem:s29+$0xFFFFFDE0] =	vst v13;
	v51 =	vor.u32 v11, v45;
	v0 =	vld.idx.msk [tilespmem:v0+s11+$0x0], $0xffff  }
0x3a0: {  	v4 =	vld.idx.msk [tilespmem:v4+s11+$0x0], $0xffff;
	[tilespmem:s29+$0xFFFFFCE0] =	vst v3;
	v3 =	vor.u32 v12, v46  }
0x3a1: {  	[tilespmem:s29+$0xFFFFFFE0] =	vst v5;
	v1 =	vld.idx.msk [tilespmem:v1+s11+$0x0], $0xffff  }
0x3a2: {  	v2 =	vld.idx.msk [tilespmem:v2+s11+$0x0], $0xffff;
	[tilespmem:s29+$0xFFFFFD60] =	vst v8  }
0x3a3: {  	[tilespmem:s29+$0xFFFFFE60] =	vst v6  }
0x3a4: {  	v52 =	vor.u32 v15, v47;
	v9 =	vld.idx.msk [tilespmem:v51+s11+$0x0], $0xffff;
	[tilespmem:s29+$0xFFFFFEE0] =	vst v0  }
0x3a5: {  	v15 =	vor.u32 v17, v48;
	[tilespmem:s29+$0xFFFFFF60] =	vst v4;
	v3 =	vld.idx.msk [tilespmem:v3+s11+$0x0], $0xffff  }
0x3a6: {  	v12 =	vld [tilespmem:$0x1FEE0];
	[tilespmem:s29+$0x60] =	vst v1  }
0x3a7: {  	v13 =	vld [tilespmem:$0x1FBD0];
	[tilespmem:s29+$0xE0] =	vst v2  }
0x3a8: {  	v4 =	vor.u32 v20, v37;
	v37 =	vld [tilespmem:$0x1FBE0]  }
0x3a9: {  	v8 =	vld.idx.msk [tilespmem:v52+s11+$0x0], $0xffff  }
0x3aa: {  	v6 =	vor.u32 v7, v49;
	v7 =	vld.idx.msk [tilespmem:v15+s11+$0x0], $0xffff  }
0x3ab: {  	[tilespmem:s29+$0x160] =	vst v9  }
0x3ac: {  	v0 =	vor.u32 v10, v35;
	v5 =	vor.u32 v12, v38;
	v38 =	vld [tilespmem:$0x1FBF0];
	[tilespmem:s29+$0x1E0] =	vst v3  }
0x3ad: {  	v2 =	vor.u32 v37, v39;
	v39 =	vld [tilespmem:$0x1FC00]  }
0x3ae: {  	[tilespmem:s29+$0x260] =	vst v8  }
0x3af: {  	v6 =	vld.idx.msk [tilespmem:v6+s11+$0x0], $0xffff;
	[tilespmem:s29+$0x2E0] =	vst v7  }
0x3b0: {  	v1 =	vor.u32 v13, v40;
	v52 =	vld [tilespmem:$0x1FC20]  }
0x3b1: {  	v0 =	vld.idx.msk [tilespmem:v0+s11+$0x0], $0xffff;
	v14 =	vor.u32 v38, v36  }
0x3b2: {  	v3 =	vld.idx.msk [tilespmem:v4+s11+$0x0], $0xffff;
	v4 =	vor.u32 v39, v30  }
0x3b3: {  	v12 =	vor.u32 v12, v45;
	v5 =	vld.idx.msk [tilespmem:v5+s11+$0x0], $0xffff  }
0x3b4: {  	[tilespmem:s29+$0x360] =	vst v6;
	v6 =	vor.u32 v20, v43;
	v2 =	vld.idx.msk [tilespmem:v2+s11+$0x0], $0xffff  }
0x3b5: {  	v1 =	vld.idx.msk [tilespmem:v1+s11+$0x0], $0xffff;
	v7 =	vor.u32 v52, v42  }
0x3b6: {  	v51 =	vor.u32 v19, v44;
	[tilespmem:s29+$0xFFFFFC60] =	vst v0;
	v0 =	vld.idx.msk [tilespmem:v14+s11+$0x0], $0xffff  }
0x3b7: {  	[tilespmem:s29+$0xFFFFFCF0] =	vst v3;
	v3 =	vld.idx.msk [tilespmem:v4+s11+$0x0], $0xffff;
	v4 =	vor.u32 v13, v46  }
0x3b8: {  	v9 =	vld.idx.msk [tilespmem:v12+s11+$0x0], $0xffff;
	[tilespmem:s29+$0xFFFFFD70] =	vst v5;
	v14 =	vor.u32 v37, v47  }
0x3b9: {  	[tilespmem:s29+$0xFFFFFE70] =	vst v2;
	v2 =	vld.idx.msk [tilespmem:v6+s11+$0x0], $0xffff;
	v6 =	vor.u32 v39, v49  }
0x3ba: {  	[tilespmem:s29+$0xFFFFFDF0] =	vst v1;
	v1 =	vld.idx.msk [tilespmem:v7+s11+$0x0], $0xffff;
	v7 =	vor.u32 v38, v48  }
0x3bb: {  	v5 =	vld.idx.msk [tilespmem:v51+s11+$0x0], $0xffff;
	[tilespmem:s29+$0xFFFFFEF0] =	vst v0;
	v0 =	vor.u32 v52, v35  }
0x3bc: {  	[tilespmem:s29+$0xFFFFFF70] =	vst v3;
	v3 =	vld.idx.msk [tilespmem:v4+s11+$0x0], $0xffff  }
0x3bd: {  	[tilespmem:s29+$0x170] =	vst v9;
	v4 =	vld.idx.msk [tilespmem:v14+s11+$0x0], $0xffff  }
0x3be: {  	[tilespmem:s29+$0xF0] =	vst v2;
	v2 =	vld.idx.msk [tilespmem:v6+s11+$0x0], $0xffff  }
0x3bf: {  	[tilespmem:s29+$0x70] =	vst v1;
	v1 =	vld.idx.msk [tilespmem:v7+s11+$0x0], $0xffff  }
0x3c0: {  	s28 =	sadd.s32 s6, s26;
	[tilespmem:s29+$0xFFFFFFF0] =	vst v5;
	v0 =	vld.idx.msk [tilespmem:v0+s11+$0x0], $0xffff  }
0x3c1: {  	s24 =	ssub.s32 s28, s24;
	[tilespmem:s29+$0x1F0] =	vst v3  }
0x3c2: {  	s23 =	sshll.u32 s23, $0x14;
	s24 =	sshll.u32 s24, $0xA;
	[tilespmem:s29+$0x270] =	vst v4  }
0x3c3: {  	s24 =	sadd.s32 s23, s24;
	[tilespmem:s29+$0x370] =	vst v2  }
0x3c4: {  	s24 =	sshrl.u32 s24, $0x3;
	[tilespmem:s29+$0x2F0] =	vst v1  }
0x3c5: {  	s24 =	sadd.s32 s2, s24;
	[tilespmem:s29+$0xFFFFFC70] =	vst v0  }
0x3c6: {  	[hbm4b:s24+s14] =	stream.strided.scatter [tilespmem:s16], [sflag:$0x2], $0x2000, s15, s14, $0x38;
	[tilespmem:$0x15400] =	vst v63  }
0x3c7: {  	p0 =	seq.s32 s21, $0x63;
	_ =	swait.ge [sflag:s12], $0x2000  }
0x3c8: {  	s24 =	sshll.u32 @!p0 s26, $0x7;
	v35 =	vld [tilespmem:$0x1FFA0]  }
0x3c9: {  	s30 =	simm.s32 $0x0;
	p1 =	seq.s32 @!p0 s21, $0x0;
	v45 =	vmov v21;
	s24 =	sadd.s32 @!p0 $0x100, s24;
	v21 =	vld [tilespmem:$0x1FA80]  }
0x3ca: {  	s25 =	simm.s32 @!p0 $0x80;
	v17 =	vmov v50;
	v50 =	vmov v58;
	[sflag:s12] =	ssyncset.done $0x0;
	s24 =	sand.u32 @!p0 $0x3FFFFF80, s24;
	v58 =	vld [tilespmem:$0x1FA90]  }
0x3cb: {  	s26 =	simm.s32 @!p0 $0xD400;
	v23 =	vld [tilespmem:$0x1FA70];
	[sflag:s12] =	ssyncadd.s32 $0xFFFFE000;
	s24 =	sadd.s32 @!p0 $0x7000, s24  }
0x3cc: {  	v36 =	vmov v56;
	v56 =	vmov v53;
	v0 =	vmov s30;
	v53 =	vld [tilespmem:$0x1FAE0];
	[tilespmem:s26], [sflag:$0x1] =	stream.indirect.gather @!p0 [hbm4b:s4+s25], $0x40, s24, s25, $0xb8  }
0x3cd: {  	v47 =	vmov v26;
	v0 =	vshrl.u32 v0, $0x3;
	v26 =	vld [tilespmem:$0x1FAA0];
	p0 =	por p0, !p1  }
0x3ce: {  	v0 =	vshll.u32 v0, v33;
	v15 =	vld [tilespmem:$0x1FA60];
	_ =	swait.ge @p0 [sflag:s18], $0x2000  }
0x3cf: {  	s31 =	simm.s32 $0x8;
	s28 =	simm.s32 $0xB;
	v30 =	vbroadcast v0, $0x0;
	v49 =	vld [tilespmem:$0x1FC30]  }
0x3d0: {  	v4 =	vmov s28;
	v1 =	vmov s31;
	s29 =	simm.s32 $0xC  }
0x3d1: {  	s30 =	simm.s32 $0xD;
	s31 =	simm.s32 $0xE;
	v4 =	vshrl.u32 v4, $0x3;
	v5 =	vmov s29;
	v0 =	vor.u32 v36, v30  }
0x3d2: {  	v44 =	vmovc v18;
	v6 =	vmov s30;
	v7 =	vmov s31;
	s26 =	simm.s32 $0xA;
	v40 =	vor.u32 v16, v30  }
0x3d3: {  	v20 =	vmovc v28;
	v28 =	vmovc v57;
	v1 =	vshrl.u32 v1, $0x3;
	v3 =	vmov s26;
	s26 =	simm.s32 $0xF;
	v9 =	vor.u32 v35, v30  }
0x3d4: {  	v57 =	vmovc v62;
	v62 =	vmovc v38;
	v1 =	vshll.u32 v1, v33;
	[sflag:s18] =	ssyncset.done @p0 $0x0;
	v42 =	vmov s26;
	v38 =	vor.u32 v49, v30  }
0x3d5: {  	v19 =	vmovc v59;
	v59 =	vmovc v37;
	v37 =	vbroadcast v1, $0x0;
	s25 =	simm.s32 $0x9;
	[sflag:s18] =	ssyncadd.s32 @p0 $0xFFFFE000;
	v43 =	vor.u32 v21, v30;
	v12 =	vshrl.u32 v42, $0x3  }
0x3d6: {  	v51 =	vmovc v41;
	v48 =	vmovc v54;
	v2 =	vmov s25;
	v41 =	vor.u32 v23, v30;
	v1 =	vshll.u32 v12, v33;
	v0 =	vld.idx.msk [tilespmem:v0+s13+$0x0], $0xffff  }
0x3d7: {  	v54 =	vmovc v39;
	v2 =	vshrl.u32 v2, $0x3;
	v39 =	vmovc v35;
	v14 =	vor.u32 v58, v30;
	v35 =	vbroadcast v1, $0x0;
	v1 =	vld.idx.msk [tilespmem:v40+s13+$0x0], $0xffff  }
0x3d8: {  	v52 =	vmovc v55;
	v3 =	vshrl.u32 v3, $0x3;
	v2 =	vshll.u32 v2, v33;
	v12 =	vor.u32 v15, v30;
	v9 =	vld.idx.msk [tilespmem:v9+s13+$0x0], $0xffff  }
0x3d9: {  	v55 =	vmovc v61;
	v61 =	vor.u32 v36, v37;
	v8 =	vld.idx.msk [tilespmem:v38+s13+$0x0], $0xffff;
	v38 =	vbroadcast v2, $0x0;
	v2 =	vshll.u32 v3, v33  }
0x3da: {  	v18 =	vmovc v39;
	v11 =	vld.idx.msk [tilespmem:v43+s13+$0x0], $0xffff;
	v39 =	vbroadcast v2, $0x0;
	v2 =	vshll.u32 v4, v33;
	v4 =	vor.u32 v15, v35  }
0x3db: {  	v5 =	vshrl.u32 v5, $0x3;
	v6 =	vshrl.u32 v6, $0x3;
	v7 =	vshrl.u32 v7, $0x3;
	v3 =	vld.idx.msk [tilespmem:v41+s13+$0x0], $0xffff  }
0x3dc: {  	v46 =	vmovc v13;
	v13 =	vor.u32 v49, v38;
	v40 =	vbroadcast v2, $0x0;
	v2 =	vshll.u32 v5, v33;
	v5 =	vld.idx.msk [tilespmem:v14+s13+$0x0], $0xffff  }
0x3dd: {  	v14 =	vor.u32 v18, v39;
	v41 =	vbroadcast v2, $0x0;
	v2 =	vshll.u32 v6, v33;
	v6 =	vld.idx.msk [tilespmem:v12+s13+$0x0], $0xffff  }
0x3de: {  	v12 =	vor.u32 v16, v40;
	v42 =	vbroadcast v2, $0x0;
	v2 =	vshll.u32 v7, v33;
	v7 =	vld.idx.msk [tilespmem:v61+s13+$0x0], $0xffff  }
0x3df: {  	v61 =	vor.u32 v23, v41;
	v4 =	vld.idx.msk [tilespmem:v4+s13+$0x0], $0xffff  }
0x3e0: {  	s24 =	simm.s32 $0x13BF0;
	v43 =	vbroadcast v2, $0x0;
	v2 =	vor.u32 v21, v42;
	v21 =	vld [tilespmem:$0x1FC40]  }
0x3e1: {  	[tilespmem:s24+$0xFFFFF810] =	vst v0;
	v0 =	vor.u32 v52, v30;
	v13 =	vld.idx.msk [tilespmem:v13+s13+$0x0], $0xffff  }
0x3e2: {  	v15 =	vor.u32 v58, v43;
	v14 =	vld.idx.msk [tilespmem:v14+s13+$0x0], $0xffff  }
0x3e3: {  	v16 =	vor.u32 v26, v35;
	v12 =	vld.idx.msk [tilespmem:v12+s13+$0x0], $0xffff  }
0x3e4: {  	v58 =	vmov v17;
	v17 =	vor.u32 v17, v37;
	v10 =	vld.idx.msk [tilespmem:v61+s13+$0x0], $0xffff  }
0x3e5: {  	[tilespmem:s24+$0xFFFFFA10] =	vst v3;
	v61 =	vmov v19;
	v19 =	vor.u32 v19, v39;
	v2 =	vld.idx.msk [tilespmem:v2+s13+$0x0], $0xffff  }
0x3e6: {  	v58 =	vor.u32 v58, v30;
	v0 =	vld.idx.msk [tilespmem:v0+s13+$0x0], $0xffff  }
0x3e7: {  	v18 =	vor.u32 v21, v38;
	[tilespmem:s24+$0xFFFFFF90] =	vst v4;
	v15 =	vld.idx.msk [tilespmem:v15+s13+$0x0], $0xffff  }
0x3e8: {  	[tilespmem:s24+$0xFFFFFC10] =	vst v7;
	v4 =	vor.u32 v50, v40;
	v16 =	vld.idx.msk [tilespmem:v16+s13+$0x0], $0xffff  }
0x3e9: {  	v7 =	vor.u32 v52, v41;
	v17 =	vld.idx.msk [tilespmem:v17+s13+$0x0], $0xffff;
	[tilespmem:s24+$0xFFFFFD10] =	vst v14  }
0x3ea: {  	[tilespmem:s24+$0xFFFFFC90] =	vst v13;
	v13 =	vor.u32 v48, v42;
	v19 =	vld.idx.msk [tilespmem:v19+s13+$0x0], $0xffff  }
0x3eb: {  	v14 =	vor.u32 v53, v35;
	[tilespmem:s24+$0xFFFFFE10] =	vst v10;
	v10 =	vld.idx.msk [tilespmem:v58+s13+$0x0], $0xffff  }
0x3ec: {  	[tilespmem:s24+$0xFFFFFD90] =	vst v12;
	v12 =	vor.u32 v60, v43;
	v18 =	vld.idx.msk [tilespmem:v18+s13+$0x0], $0xffff  }
0x3ed: {  	[tilespmem:s24+$0xFFFFF890] =	vst v8;
	v58 =	vor.u32 v48, v30;
	v4 =	vld.idx.msk [tilespmem:v4+s13+$0x0], $0xffff  }
0x3ee: {  	[tilespmem:s24+$0xFFFFFE90] =	vst v2;
	v2 =	vor.u32 v21, v30;
	v7 =	vld.idx.msk [tilespmem:v7+s13+$0x0], $0xffff  }
0x3ef: {  	[tilespmem:s24+$0xFFFFFFA0] =	vst v16;
	v16 =	vor.u32 v61, v30;
	v13 =	vld.idx.msk [tilespmem:v13+s13+$0x0], $0xffff  }
0x3f0: {  	[tilespmem:s24+$0xFFFFFF10] =	vst v15;
	v15 =	vor.u32 v50, v30;
	v14 =	vld.idx.msk [tilespmem:v14+s13+$0x0], $0xffff  }
0x3f1: {  	[tilespmem:s24+$0xFFFFFA90] =	vst v11;
	v12 =	vld.idx.msk [tilespmem:v12+s13+$0x0], $0xffff  }
0x3f2: {  	[tilespmem:s24+$0xFFFFF910] =	vst v9;
	v52 =	vor.u32 v28, v35;
	v9 =	vld.idx.msk [tilespmem:v58+s13+$0x0], $0xffff  }
0x3f3: {  	[tilespmem:s24+$0xFFFFF990] =	vst v1;
	v1 =	vor.u32 v60, v30;
	v2 =	vld.idx.msk [tilespmem:v2+s13+$0x0], $0xffff  }
0x3f4: {  	v3 =	vor.u32 v26, v30;
	v16 =	vld.idx.msk [tilespmem:v16+s13+$0x0], $0xffff  }
0x3f5: {  	v61 =	vor.u32 v20, v37;
	v15 =	vld.idx.msk [tilespmem:v15+s13+$0x0], $0xffff;
	[tilespmem:s24+$0xFFFFFFB0] =	vst v14  }
0x3f6: {  	v21 =	vld [tilespmem:$0x1FC50];
	[tilespmem:s24+$0xFFFFFB10] =	vst v5;
	v5 =	vor.u32 v63, v39  }
0x3f7: {  	v8 =	vld.idx.msk [tilespmem:v52+s13+$0x0], $0xffff;
	[tilespmem:s24+$0xFFFFFC20] =	vst v17;
	v17 =	vor.u32 v51, v40  }
0x3f8: {  	[tilespmem:s24+$0xFFFFFB90] =	vst v6;
	v6 =	vor.u32 v56, v35;
	v1 =	vld.idx.msk [tilespmem:v1+s13+$0x0], $0xffff  }
0x3f9: {  	[tilespmem:s24+$0xFFFFFCA0] =	vst v18;
	v18 =	vor.u32 v55, v41;
	v3 =	vld.idx.msk [tilespmem:v3+s13+$0x0], $0xffff  }
0x3fa: {  	[tilespmem:s24+$0xFFFFFD20] =	vst v19;
	v19 =	vor.u32 v22, v42;
	v14 =	vld.idx.msk [tilespmem:v61+s13+$0x0], $0xffff  }
0x3fb: {  	v52 =	vor.u32 v57, v43;
	[tilespmem:s24+$0xFFFFFDA0] =	vst v4;
	v5 =	vld.idx.msk [tilespmem:v5+s13+$0x0], $0xffff  }
0x3fc: {  	v4 =	vor.u32 v20, v30;
	[tilespmem:s24+$0xFFFFFFC0] =	vst v8;
	v17 =	vld.idx.msk [tilespmem:v17+s13+$0x0], $0xffff  }
0x3fd: {  	[tilespmem:s24+$0xFFFFFE20] =	vst v7;
	v50 =	vor.u32 v21, v38;
	v6 =	vld.idx.msk [tilespmem:v6+s13+$0x0], $0xffff  }
0x3fe: {  	[tilespmem:s24+$0xFFFFFEA0] =	vst v13;
	v7 =	vor.u32 v21, v30;
	v18 =	vld.idx.msk [tilespmem:v18+s13+$0x0], $0xffff  }
0x3ff: {  	[tilespmem:s24+$0xFFFFFF20] =	vst v12;
	v19 =	vld.idx.msk [tilespmem:v19+s13+$0x0], $0xffff  }
0x400: {  	[tilespmem:s24+$0xFFFFF820] =	vst v10;
	v8 =	vld.idx.msk [tilespmem:v52+s13+$0x0], $0xffff  }
0x401: {  	v58 =	vor.u32 v31, v35;
	[tilespmem:s24+$0xFFFFF8A0] =	vst v2;
	v4 =	vld.idx.msk [tilespmem:v4+s13+$0x0], $0xffff  }
0x402: {  	v61 =	vor.u32 v63, v30;
	v11 =	vld.idx.msk [tilespmem:v50+s13+$0x0], $0xffff;
	[tilespmem:s24+$0xFFFFFFD0] =	vst v6  }
0x403: {  	v63 =	vor.u32 v51, v30;
	v7 =	vld.idx.msk [tilespmem:v7+s13+$0x0], $0xffff;
	[tilespmem:$0x1FA00] =	vst v22  }
0x404: {  	[tilespmem:s24+$0xFFFFF920] =	vst v16  }
0x405: {  	v2 =	vor.u32 v55, v30;
	[tilespmem:s24+$0xFFFFF9A0] =	vst v15  }
0x406: {  	v50 =	vor.u32 v47, v37;
	v13 =	vld.idx.msk [tilespmem:v58+s13+$0x0], $0xffff;
	[tilespmem:s24+$0xFFFFFA20] =	vst v0  }
0x407: {  	v6 =	vor.u32 v22, v30;
	[tilespmem:s24+$0xFFFFFAA0] =	vst v9;
	v12 =	vld.idx.msk [tilespmem:v61+s13+$0x0], $0xffff  }
0x408: {  	v16 =	vor.u32 v57, v30;
	[tilespmem:s24+$0xFFFFFB20] =	vst v1;
	v10 =	vld.idx.msk [tilespmem:v63+s13+$0x0], $0xffff  }
0x409: {  	v15 =	vor.u32 v53, v30;
	v21 =	vld [tilespmem:$0x1FC60];
	[tilespmem:s24+$0xFFFFFBA0] =	vst v3  }
0x40a: {  	v2 =	vld.idx.msk [tilespmem:v2+s13+$0x0], $0xffff;
	[tilespmem:s24+$0xFFFFFC30] =	vst v14  }
0x40b: {  	v0 =	vor.u32 v27, v35;
	[tilespmem:s24+$0xFFFFFD30] =	vst v5;
	v9 =	vld.idx.msk [tilespmem:v50+s13+$0x0], $0xffff  }
0x40c: {  	v51 =	vor.u32 v24, v40;
	[tilespmem:s24+$0xFFFFFDB0] =	vst v17;
	v6 =	vld.idx.msk [tilespmem:v6+s13+$0x0], $0xffff  }
0x40d: {  	v3 =	vor.u32 v25, v39;
	[tilespmem:s24+$0xFFFFFCB0] =	vst v11;
	v16 =	vld.idx.msk [tilespmem:v16+s13+$0x0], $0xffff  }
0x40e: {  	v52 =	vor.u32 v32, v41;
	v15 =	vld.idx.msk [tilespmem:v15+s13+$0x0], $0xffff;
	[tilespmem:s24+$0xFFFFFFE0] =	vst v13  }
0x40f: {  	v57 =	vor.u32 v29, v42;
	v58 =	vld [tilespmem:$0x1FB20]  }
0x410: {  	v1 =	vor.u32 v21, v38;
	v0 =	vld.idx.msk [tilespmem:v0+s13+$0x0], $0xffff  }
0x411: {  	v5 =	vor.u32 v34, v35;
	v13 =	vld.idx.msk [tilespmem:v51+s13+$0x0], $0xffff;
	[tilespmem:s24+$0xFFFFFE30] =	vst v18  }
0x412: {  	v3 =	vld.idx.msk [tilespmem:v3+s13+$0x0], $0xffff;
	v18 =	vor.u32 v47, v30;
	[tilespmem:s24+$0xFFFFFEB0] =	vst v19  }
0x413: {  	v19 =	vor.u32 v21, v30;
	[tilespmem:s24+$0xFFFFFF30] =	vst v8;
	v14 =	vld.idx.msk [tilespmem:v52+s13+$0x0], $0xffff  }
0x414: {  	[tilespmem:s24+$0xFFFFF830] =	vst v4;
	v11 =	vld.idx.msk [tilespmem:v57+s13+$0x0], $0xffff;
	v17 =	vor.u32 v58, v43  }
0x415: {  	v1 =	vld.idx.msk [tilespmem:v1+s13+$0x0], $0xffff;
	[tilespmem:s24+$0xFFFFFFF0] =	vst v0  }
0x416: {  	v5 =	vld.idx.msk [tilespmem:v5+s13+$0x0], $0xffff;
	[tilespmem:$0x1FA10] =	vst v32  }
0x417: {  	[tilespmem:s24+$0xFFFFF8B0] =	vst v7;
	v18 =	vld.idx.msk [tilespmem:v18+s13+$0x0], $0xffff  }
0x418: {  	v0 =	vor.u32 v25, v30;
	[tilespmem:s24+$0xFFFFF930] =	vst v12;
	v19 =	vld.idx.msk [tilespmem:v19+s13+$0x0], $0xffff  }
0x419: {  	v17 =	vld.idx.msk [tilespmem:v17+s13+$0x0], $0xffff;
	[tilespmem:$0x1FA20] =	vst v29  }
0x41a: {  	s28 =	simm.s32 $0x10;
	[tilespmem:s24+$0xFFFFF9B0] =	vst v10  }
0x41b: {  	v20 =	vmov s28;
	[tilespmem:s24+$0xFFFFFA30] =	vst v2  }
0x41c: {  	v20 =	vshrl.u32 v20, $0x3;
	[tilespmem:s24+$0x0] =	vst v5  }
0x41d: {  	v20 =	vshll.u32 v20, v33;
	v0 =	vld.idx.msk [tilespmem:v0+s13+$0x0], $0xffff;
	[tilespmem:s24+$0xFFFFFAB0] =	vst v6  }
0x41e: {  	v35 =	vbroadcast v20, $0x0;
	v20 =	vld [tilespmem:$0x1FC70];
	[tilespmem:s24+$0xFFFFFB30] =	vst v16  }
0x41f: {  	v63 =	vor.u32 v24, v30;
	v51 =	vld [tilespmem:$0x1FF50];
	[tilespmem:s24+$0xFFFFFBB0] =	vst v15  }
0x420: {  	v4 =	vor.u32 v32, v30;
	v50 =	vld [tilespmem:$0x1FF70];
	[tilespmem:s24+$0xFFFFFC40] =	vst v9  }
0x421: {  	v7 =	vor.u32 v36, v35;
	v52 =	vld [tilespmem:$0x1FB40];
	[tilespmem:s24+$0xFFFFFCC0] =	vst v1  }
0x422: {  	v32 =	vor.u32 v29, v30;
	v21 =	vld [tilespmem:$0x1FB50];
	[tilespmem:s24+$0xFFFFFD40] =	vst v3  }
0x423: {  	v22 =	vmov v27;
	v27 =	vmov v34;
	v34 =	vor.u32 v58, v30;
	v29 =	vld [tilespmem:$0x1FB60];
	[tilespmem:s24+$0xFFFFFDC0] =	vst v13  }
0x424: {  	v8 =	vld.idx.msk [tilespmem:v63+s13+$0x0], $0xffff;
	[tilespmem:s24+$0xFFFFFE40] =	vst v14  }
0x425: {  	v2 =	vor.u32 v28, v30;
	v4 =	vld.idx.msk [tilespmem:v4+s13+$0x0], $0xffff;
	[tilespmem:s24+$0xFFFFFEC0] =	vst v11  }
0x426: {  	v5 =	vor.u32 v45, v37;
	v36 =	vld.idx.msk [tilespmem:v7+s13+$0x0], $0xffff;
	[tilespmem:s24+$0xFFFFFF40] =	vst v17  }
0x427: {  	v58 =	vor.u32 v45, v30;
	v7 =	vld.idx.msk [tilespmem:v32+s13+$0x0], $0xffff;
	[tilespmem:s24+$0xFFFFF840] =	vst v18  }
0x428: {  	v10 =	vld.idx.msk [tilespmem:v34+s13+$0x0], $0xffff;
	[tilespmem:s24+$0xFFFFF8C0] =	vst v19  }
0x429: {  	[tilespmem:s24+$0xFFFFF940] =	vst v0  }
0x42a: {  	v2 =	vld.idx.msk [tilespmem:v2+s13+$0x0], $0xffff;
	v6 =	vor.u32 v20, v38;
	[tilespmem:s24+$0xFFFFF9C0] =	vst v8  }
0x42b: {  	v5 =	vld.idx.msk [tilespmem:v5+s13+$0x0], $0xffff;
	v63 =	vor.u32 v20, v30;
	[tilespmem:s24+$0xFFFFFA40] =	vst v4  }
0x42c: {  	[tilespmem:s24+$0xFFFFFAC0] =	vst v7;
	v13 =	vld.idx.msk [tilespmem:v58+s13+$0x0], $0xffff  }
0x42d: {  	v47 =	vor.u32 v51, v39;
	v19 =	vld [tilespmem:$0x1FC80];
	[tilespmem:s24+$0xFFFFFB40] =	vst v10  }
0x42e: {  	v45 =	vor.u32 v51, v30;
	v24 =	vld [tilespmem:$0x1FF80]  }
0x42f: {  	v6 =	vld.idx.msk [tilespmem:v6+s13+$0x0], $0xffff  }
0x430: {  	v4 =	vor.u32 v44, v37;
	[tilespmem:s24+$0xFFFFFBC0] =	vst v2;
	v14 =	vld.idx.msk [tilespmem:v63+s13+$0x0], $0xffff  }
0x431: {  	v15 =	vor.u32 v50, v40;
	v57 =	vor.u32 v52, v41;
	v17 =	vor.u32 v52, v30;
	v52 =	vld [tilespmem:$0x1FFB0]  }
0x432: {  	v16 =	vor.u32 v50, v30;
	v12 =	vld.idx.msk [tilespmem:v47+s13+$0x0], $0xffff  }
0x433: {  	[tilespmem:s24+$0xFFFFFC50] =	vst v5;
	v11 =	vld.idx.msk [tilespmem:v45+s13+$0x0], $0xffff  }
0x434: {  	v3 =	vor.u32 v29, v43;
	v0 =	vor.u32 v29, v30;
	v29 =	vld [tilespmem:$0x1FB70]  }
0x435: {  	v1 =	vor.u32 v21, v42;
	v4 =	vld.idx.msk [tilespmem:v4+s13+$0x0], $0xffff  }
0x436: {  	v18 =	vor.u32 v21, v30;
	v15 =	vld.idx.msk [tilespmem:v15+s13+$0x0], $0xffff  }
0x437: {  	v16 =	vld.idx.msk [tilespmem:v16+s13+$0x0], $0xffff  }
0x438: {  	v9 =	vld.idx.msk [tilespmem:v57+s13+$0x0], $0xffff  }
0x439: {  	v17 =	vld.idx.msk [tilespmem:v17+s13+$0x0], $0xffff  }
0x43a: {  	v1 =	vld.idx.msk [tilespmem:v1+s13+$0x0], $0xffff  }
0x43b: {  	v47 =	vor.u32 v56, v30;
	v18 =	vld.idx.msk [tilespmem:v18+s13+$0x0], $0xffff  }
0x43c: {  	v7 =	vor.u32 v19, v38;
	v3 =	vld.idx.msk [tilespmem:v3+s13+$0x0], $0xffff  }
0x43d: {  	v50 =	vor.u32 v24, v39;
	v0 =	vld.idx.msk [tilespmem:v0+s13+$0x0], $0xffff;
	[tilespmem:s24+$0xFFFFFCD0] =	vst v6  }
0x43e: {  	v63 =	vor.u32 v19, v30;
	v20 =	vld [tilespmem:$0x1FB80];
	[tilespmem:s24+$0xFFFFFD50] =	vst v12  }
0x43f: {  	v2 =	vor.u32 v52, v40;
	v21 =	vld [tilespmem:$0x1FB90]  }
0x440: {  	v8 =	vld.idx.msk [tilespmem:v47+s13+$0x0], $0xffff;
	v5 =	vor.u32 v29, v41;
	[tilespmem:s24+$0xFFFFFDD0] =	vst v15  }
0x441: {  	v7 =	vld.idx.msk [tilespmem:v7+s13+$0x0], $0xffff;
	v15 =	vor.u32 v44, v30;
	[tilespmem:s24+$0xFFFFF8D0] =	vst v14  }
0x442: {  	v10 =	vld.idx.msk [tilespmem:v50+s13+$0x0], $0xffff;
	[tilespmem:s24+$0xFFFFFED0] =	vst v1;
	v1 =	vor.u32 v24, v30  }
0x443: {  	[tilespmem:s24+$0xFFFFFE50] =	vst v9;
	v9 =	vld.idx.msk [tilespmem:v63+s13+$0x0], $0xffff;
	v6 =	vor.u32 v20, v42  }
0x444: {  	[tilespmem:s24+$0xFFFFF850] =	vst v13;
	v2 =	vld.idx.msk [tilespmem:v2+s13+$0x0], $0xffff;
	v58 =	vor.u32 v21, v43  }
0x445: {  	[tilespmem:s24+$0xFFFFFF50] =	vst v3;
	v3 =	vor.u32 v52, v30;
	v5 =	vld.idx.msk [tilespmem:v5+s13+$0x0], $0xffff  }
0x446: {  	[tilespmem:s24+$0xFFFFF950] =	vst v11;
	v15 =	vld.idx.msk [tilespmem:v15+s13+$0x0], $0xffff  }
0x447: {  	v32 =	vor.u32 v29, v30;
	v1 =	vld.idx.msk [tilespmem:v1+s13+$0x0], $0xffff  }
0x448: {  	[tilespmem:s24+$0xFFFFF9D0] =	vst v16;
	v6 =	vld.idx.msk [tilespmem:v6+s13+$0x0], $0xffff  }
0x449: {  	v34 =	vor.u32 v20, v30;
	v12 =	vld.idx.msk [tilespmem:v58+s13+$0x0], $0xffff;
	[tilespmem:$0x1FA30] =	vst v31  }
0x44a: {  	v3 =	vld.idx.msk [tilespmem:v3+s13+$0x0], $0xffff;
	[tilespmem:s24+$0xFFFFFA50] =	vst v17  }
0x44b: {  	v20 =	vld [tilespmem:$0x1FC10]  }
0x44c: {  	v13 =	vld.idx.msk [tilespmem:v32+s13+$0x0], $0xffff;
	[tilespmem:s24+$0xFFFFFAD0] =	vst v18  }
0x44d: {  	v50 =	vmov v28;
	v28 =	vmov v56;
	v56 =	vld [tilespmem:$0x1FF90]  }
0x44e: {  	v14 =	vld.idx.msk [tilespmem:v34+s13+$0x0], $0xffff;
	[tilespmem:s24+$0xFFFFFB50] =	vst v0  }
0x44f: {  	v44 =	vor.u32 v21, v30;
	v45 =	vld [tilespmem:$0x1FFC0];
	[tilespmem:s24+$0xFFFFFBD0] =	vst v8  }
0x450: {  	v16 =	vor.u32 v31, v30;
	v19 =	vld [tilespmem:$0x1FCB0];
	[tilespmem:s24+$0xFFFFFC60] =	vst v4  }
0x451: {  	v31 =	vld [tilespmem:$0x1FBA0];
	[tilespmem:s24+$0xFFFFFCE0] =	vst v7;
	v17 =	vor.u32 v20, v37  }
0x452: {  	v21 =	vld [tilespmem:$0x1FBB0];
	[tilespmem:s24+$0xFFFFFD60] =	vst v10;
	v18 =	vor.u32 v56, v38  }
0x453: {  	v29 =	vld [tilespmem:$0x1FBC0];
	[tilespmem:s24+$0xFFFFFDE0] =	vst v2;
	v2 =	vor.u32 v20, v30  }
0x454: {  	v11 =	vld.idx.msk [tilespmem:v44+s13+$0x0], $0xffff;
	[tilespmem:s24+$0xFFFFFE60] =	vst v5;
	v5 =	vor.u32 v56, v30  }
0x455: {  	v16 =	vld.idx.msk [tilespmem:v16+s13+$0x0], $0xffff;
	v0 =	vor.u32 v45, v39  }
0x456: {  	[tilespmem:s24+$0xFFFFFEE0] =	vst v6;
	v6 =	vor.u32 v45, v30;
	v17 =	vld.idx.msk [tilespmem:v17+s13+$0x0], $0xffff  }
0x457: {  	[tilespmem:s24+$0xFFFFF860] =	vst v15;
	v47 =	vor.u32 v19, v40;
	v18 =	vld.idx.msk [tilespmem:v18+s13+$0x0], $0xffff  }
0x458: {  	[tilespmem:s24+$0xFFFFF8E0] =	vst v9;
	v4 =	vor.u32 v31, v41;
	v2 =	vld.idx.msk [tilespmem:v2+s13+$0x0], $0xffff  }
0x459: {  	v7 =	vor.u32 v21, v42;
	v5 =	vld.idx.msk [tilespmem:v5+s13+$0x0], $0xffff  }
0x45a: {  	[tilespmem:s24+$0xFFFFF960] =	vst v1;
	v52 =	vor.u32 v29, v43;
	v0 =	vld.idx.msk [tilespmem:v0+s13+$0x0], $0xffff  }
0x45b: {  	v57 =	vor.u32 v19, v30;
	v6 =	vld.idx.msk [tilespmem:v6+s13+$0x0], $0xffff  }
0x45c: {  	v8 =	vld.idx.msk [tilespmem:v47+s13+$0x0], $0xffff  }
0x45d: {  	[tilespmem:s24+$0xFFFFFF60] =	vst v12;
	v15 =	vor.u32 v31, v30;
	v4 =	vld.idx.msk [tilespmem:v4+s13+$0x0], $0xffff  }
0x45e: {  	[tilespmem:s24+$0xFFFFF9E0] =	vst v3;
	v7 =	vld.idx.msk [tilespmem:v7+s13+$0x0], $0xffff  }
0x45f: {  	v10 =	vld.idx.msk [tilespmem:v52+s13+$0x0], $0xffff;
	[tilespmem:$0x1FA40] =	vst v22  }
0x460: {  	v1 =	vor.u32 v29, v30;
	[tilespmem:s24+$0xFFFFFA60] =	vst v13;
	v12 =	vld.idx.msk [tilespmem:v57+s13+$0x0], $0xffff  }
0x461: {  	v3 =	vor.u32 v22, v30;
	v58 =	vor.u32 v21, v30;
	v21 =	vld [tilespmem:$0x1FC20]  }
0x462: {  	v15 =	vld.idx.msk [tilespmem:v15+s13+$0x0], $0xffff;
	[tilespmem:s24+$0xFFFFFAE0] =	vst v14  }
0x463: {  	v20 =	vld [tilespmem:$0x1FC90];
	[tilespmem:s24+$0xFFFFFB60] =	vst v11  }
0x464: {  	v47 =	vor.u32 v62, v42;
	v29 =	vld [tilespmem:$0x1FEE0]  }
0x465: {  	v19 =	vld.idx.msk [tilespmem:v1+s13+$0x0], $0xffff;
	[tilespmem:s24+$0xFFFFFBE0] =	vst v16;
	v1 =	vor.u32 v46, v40  }
0x466: {  	v44 =	vld.idx.msk [tilespmem:v3+s13+$0x0], $0xffff;
	v3 =	vor.u32 v59, v41  }
0x467: {  	v16 =	vld [tilespmem:$0x1FCA0];
	[tilespmem:s24+$0xFFFFFD70] =	vst v0;
	v0 =	vor.u32 v54, v43  }
0x468: {  	v9 =	vld.idx.msk [tilespmem:v58+s13+$0x0], $0xffff;
	[tilespmem:s24+$0xFFFFFEF0] =	vst v7;
	v63 =	vor.u32 v21, v37  }
0x469: {  	[tilespmem:s24+$0xFFFFFDF0] =	vst v8;
	v40 =	vld.idx.msk [tilespmem:v47+s13+$0x0], $0xffff;
	v32 =	vor.u32 v20, v38  }
0x46a: {  	[tilespmem:s24+$0xFFFFFE70] =	vst v4;
	v52 =	vor.u32 v21, v30;
	v38 =	vld.idx.msk [tilespmem:v1+s13+$0x0], $0xffff  }
0x46b: {  	[tilespmem:s24+$0xFFFFFF70] =	vst v10;
	v57 =	vor.u32 v20, v30;
	v34 =	vor.u32 v29, v39;
	v39 =	vld.idx.msk [tilespmem:v3+s13+$0x0], $0xffff  }
0x46c: {  	[tilespmem:s24+$0xFFFFFC70] =	vst v17;
	v42 =	vld.idx.msk [tilespmem:v0+s13+$0x0], $0xffff  }
0x46d: {  	[tilespmem:s24+$0xFFFFFCF0] =	vst v18;
	v1 =	vor.u32 v29, v30;
	v45 =	vld.idx.msk [tilespmem:v63+s13+$0x0], $0xffff  }
0x46e: {  	[tilespmem:s24+$0xFFFFF870] =	vst v2;
	v37 =	vld.idx.msk [tilespmem:v32+s13+$0x0], $0xffff  }
0x46f: {  	[tilespmem:s24+$0xFFFFF8F0] =	vst v5;
	v3 =	vor.u32 v46, v30;
	v32 =	vmov v46;
	v46 =	vld.idx.msk [tilespmem:v52+s13+$0x0], $0xffff  }
0x470: {  	[tilespmem:s24+$0xFFFFF970] =	vst v6;
	v47 =	vld.idx.msk [tilespmem:v57+s13+$0x0], $0xffff  }
0x471: {  	[tilespmem:s24+$0xFFFFF9F0] =	vst v12;
	v41 =	vld.idx.msk [tilespmem:v34+s13+$0x0], $0xffff  }
0x472: {  	v24 =	vmov v48;
	v48 =	vld.idx.msk [tilespmem:v1+s13+$0x0], $0xffff;
	[tilespmem:$0x1FA50] =	vst v27  }
0x473: {  	v34 =	vmov v26;
	v26 =	vld [tilespmem:$0x1FAB0];
	[tilespmem:s24+$0xFFFFFA70] =	vst v15  }
0x474: {  	s31 =	simm.s32 $0x1A;
	s28 =	simm.s32 $0x1B;
	v61 =	vmovc v25;
	v25 =	vmov v53;
	v53 =	vor.u32 v27, v30;
	v7 =	vor.u32 v59, v30;
	[tilespmem:s24+$0xFFFFFAF0] =	vst v9  }
0x475: {  	s29 =	simm.s32 $0x18;
	v13 =	vmov s28;
	v58 =	vmov s31;
	v11 =	vor.u32 v62, v30;
	s31 =	simm.s32 $0x1E;
	v31 =	vld [tilespmem:$0x1FFA0]  }
0x476: {  	v22 =	vmovc v55;
	v55 =	vmov s31;
	v4 =	vmov s29;
	s29 =	simm.s32 $0x1C;
	v63 =	vmovc v54;
	v54 =	vor.u32 v54, v30  }
0x477: {  	s30 =	simm.s32 $0x19;
	v43 =	vmov s29;
	v5 =	vshrl.u32 v4, $0x3;
	v1 =	vor.u32 v49, v35;
	v49 =	vld.idx.msk [tilespmem:v3+s13+$0x0], $0xffff  }
0x478: {  	v4 =	vshrl.u32 v58, $0x3;
	v29 =	vmovc v56;
	v56 =	vshrl.u32 v43, $0x3;
	v0 =	vmov s30;
	s30 =	simm.s32 $0x1D;
	v58 =	vld [tilespmem:$0x1FB00]  }
0x479: {  	v21 =	vmovc v51;
	v6 =	vmov s30;
	v0 =	vshrl.u32 v0, $0x3;
	v57 =	vshrl.u32 v13, $0x3;
	v27 =	vmovc v50;
	v50 =	vld.idx.msk [tilespmem:v7+s13+$0x0], $0xffff  }
0x47a: {  	s25 =	simm.s32 $0x20;
	s26 =	simm.s32 $0x1F;
	v52 =	vshrl.u32 v6, $0x3;
	v3 =	vor.u32 v16, v35;
	[tilespmem:s24+$0xFFFFFB70] =	vst v19;
	v51 =	vld.idx.msk [tilespmem:v11+s13+$0x0], $0xffff;
	v2 =	vor.u32 v31, v35  }
.LBB2_7:
0x47b: {  	v9 =	vld.idx.msk [tilespmem:v54+s13+$0x0], $0xffff  }
0x47c: {  	v18 =	vld [tilespmem:$0x1FA80]  }
0x47d: {  	v1 =	vld.idx.msk [tilespmem:v1+s13+$0x0], $0xffff  }
0x47e: {  	v17 =	vld [tilespmem:$0x1FA90]  }
0x47f: {  	v2 =	vld.idx.msk [tilespmem:v2+s13+$0x0], $0xffff  }
0x480: {  	v13 =	vld [tilespmem:$0x1FA60]  }
0x481: {  	v3 =	vld.idx.msk [tilespmem:v3+s13+$0x0], $0xffff  }
0x482: {  	[tilespmem:s24+$0xFFFFFBF0] =	vst v44;
	v44 =	vld [tilespmem:$0x1FEC0]  }
0x483: {  	[tilespmem:s24+$0xFFFFFC80] =	vst v45;
	v0 =	vshll.u32 v0, v33;
	v54 =	vld [tilespmem:$0x1FED0]  }
0x484: {  	[tilespmem:s24+$0xFFFFFD00] =	vst v37;
	v20 =	vld [tilespmem:$0x1FC40];
	v37 =	vbroadcast v0, $0x0;
	v0 =	vshll.u32 v4, v33  }
0x485: {  	[tilespmem:s24+$0xFFFFFE00] =	vst v38;
	v45 =	vld [tilespmem:$0x1FC50];
	v38 =	vbroadcast v0, $0x0  }
0x486: {  	v6 =	vor.u32 v23, v35;
	v11 =	vld.idx.msk [tilespmem:v53+s13+$0x0], $0xffff  }
0x487: {  	v8 =	vmov s26;
	v0 =	vshll.u32 v57, v33;
	[tilespmem:s24+$0xFFFFFE80] =	vst v39;
	v57 =	vld [tilespmem:$0x1FC30];
	v14 =	vor.u32 v31, v38  }
0x488: {  	v5 =	vshll.u32 v5, v33;
	v8 =	vshrl.u32 v8, $0x3;
	[tilespmem:s24+$0xFFFFF980] =	vst v48;
	v48 =	vld [tilespmem:$0x1FEF0];
	v10 =	vor.u32 v18, v35  }
0x489: {  	v30 =	vbroadcast v5, $0x0;
	v5 =	vshll.u32 v8, v33;
	[tilespmem:s24+$0xFFFFF900] =	vst v47;
	v47 =	vld [tilespmem:$0x1FA30];
	v12 =	vor.u32 v17, v35  }
0x48a: {  	v7 =	vshrl.u32 v55, $0x3;
	v43 =	vbroadcast v5, $0x0;
	[tilespmem:s24+$0xFFFFF880] =	vst v46;
	v46 =	vld [tilespmem:$0x1FA40];
	v55 =	vor.u32 v13, v35  }
0x48b: {  	v39 =	vbroadcast v0, $0x0;
	[tilespmem:s24+$0xFFFFFD80] =	vst v41;
	v5 =	vor.u32 v44, v30;
	v4 =	vld.idx.msk [tilespmem:v6+s13+$0x0], $0xffff  }
0x48c: {  	v0 =	vshll.u32 v56, v33;
	v6 =	vor.u32 v13, v43;
	v14 =	vld.idx.msk [tilespmem:v14+s13+$0x0], $0xffff  }
0x48d: {  	[tilespmem:s24+$0xFFFFFF00] =	vst v40;
	v40 =	vbroadcast v0, $0x0;
	v15 =	vor.u32 v16, v39;
	v10 =	vld.idx.msk [tilespmem:v10+s13+$0x0], $0xffff  }
0x48e: {  	[tilespmem:s24+$0xFFFFFF80] =	vst v42;
	v0 =	vshll.u32 v52, v33;
	v12 =	vld.idx.msk [tilespmem:v12+s13+$0x0], $0xffff  }
0x48f: {  	[tilespmem:s24+$0xFFFFFA00] =	vst v49;
	v41 =	vbroadcast v0, $0x0;
	v0 =	vshll.u32 v7, v33;
	v7 =	vor.u32 v23, v40;
	v8 =	vld.idx.msk [tilespmem:v55+s13+$0x0], $0xffff  }
0x490: {  	[tilespmem:s24+$0xFFFFFA80] =	vst v50;
	v5 =	vld.idx.msk [tilespmem:v5+s13+$0x0], $0xffff  }
0x491: {  	v42 =	vbroadcast v0, $0x0;
	v53 =	vor.u32 v57, v37;
	v6 =	vld.idx.msk [tilespmem:v6+s13+$0x0], $0xffff;
	[tilespmem:s24+$0xFFFFFB00] =	vst v51  }
0x492: {  	v0 =	vor.u32 v18, v41;
	v15 =	vld.idx.msk [tilespmem:v15+s13+$0x0], $0xffff;
	[tilespmem:s24+$0xFFFFFB80] =	vst v9  }
0x493: {  	v16 =	vor.u32 v17, v42;
	v55 =	vld [tilespmem:$0x1FF10];
	[tilespmem:s24+$0xFFFFFC00] =	vst v11;
	s24 =	sadd.s32 $0x800, s24  }
0x494: {  	v17 =	vor.u32 v34, v43;
	v7 =	vld.idx.msk [tilespmem:v7+s13+$0x0], $0xffff;
	[tilespmem:s24+$0xFFFFF810] =	vst v36  }
0x495: {  	v18 =	vor.u32 v54, v30;
	[tilespmem:s24+$0xFFFFF910] =	vst v2;
	v36 =	vld [tilespmem:$0x1FF30]  }
0x496: {  	v49 =	vor.u32 v48, v39;
	[tilespmem:s24+$0xFFFFF990] =	vst v3;
	v13 =	vld.idx.msk [tilespmem:v53+s13+$0x0], $0xffff  }
0x497: {  	v2 =	vor.u32 v24, v35;
	[tilespmem:s24+$0xFFFFFA10] =	vst v4;
	v0 =	vld.idx.msk [tilespmem:v0+s13+$0x0], $0xffff  }
0x498: {  	v16 =	vld.idx.msk [tilespmem:v16+s13+$0x0], $0xffff;
	[tilespmem:s24+$0xFFFFFF90] =	vst v6  }
0x499: {  	v3 =	vor.u32 v60, v35;
	[tilespmem:s24+$0xFFFFFC10] =	vst v5;
	v6 =	vld.idx.msk [tilespmem:v17+s13+$0x0], $0xffff  }
0x49a: {  	v4 =	vor.u32 v34, v35;
	[tilespmem:s24+$0xFFFFFD90] =	vst v15;
	v17 =	vld.idx.msk [tilespmem:v18+s13+$0x0], $0xffff  }
0x49b: {  	[tilespmem:s24+$0xFFFFFA90] =	vst v10;
	v11 =	vld.idx.msk [tilespmem:v49+s13+$0x0], $0xffff  }
0x49c: {  	v19 =	vor.u32 v20, v37;
	v2 =	vld.idx.msk [tilespmem:v2+s13+$0x0], $0xffff  }
0x49d: {  	v50 =	vor.u32 v24, v41;
	[tilespmem:s24+$0xFFFFFB10] =	vst v12;
	v49 =	vld [tilespmem:$0x1FF20]  }
0x49e: {  	[tilespmem:s24+$0xFFFFFB90] =	vst v8;
	v3 =	vld.idx.msk [tilespmem:v3+s13+$0x0], $0xffff  }
0x49f: {  	v56 =	vor.u32 v55, v38;
	v4 =	vld.idx.msk [tilespmem:v4+s13+$0x0], $0xffff;
	[tilespmem:s24+$0xFFFFFC90] =	vst v13  }
0x4a0: {  	v5 =	vor.u32 v26, v40;
	[tilespmem:s24+$0xFFFFFE90] =	vst v0;
	v0 =	vor.u32 v55, v35;
	v55 =	vld [tilespmem:$0x1FF00]  }
0x4a1: {  	v15 =	vor.u32 v60, v42;
	v18 =	vld.idx.msk [tilespmem:v19+s13+$0x0], $0xffff  }
0x4a2: {  	[tilespmem:s24+$0xFFFFFE10] =	vst v7;
	v7 =	vor.u32 v20, v35;
	v13 =	vld.idx.msk [tilespmem:v50+s13+$0x0], $0xffff  }
0x4a3: {  	[tilespmem:s24+$0xFFFFFD10] =	vst v14;
	v50 =	vld [tilespmem:$0x1FA00]  }
0x4a4: {  	v51 =	vor.u32 v25, v43;
	v9 =	vld.idx.msk [tilespmem:v56+s13+$0x0], $0xffff  }
0x4a5: {  	[tilespmem:s24+$0xFFFFFF10] =	vst v16;
	v5 =	vld.idx.msk [tilespmem:v5+s13+$0x0], $0xffff  }
0x4a6: {  	[tilespmem:s24+$0xFFFFF890] =	vst v1;
	v20 =	vor.u32 v36, v30;
	v15 =	vld.idx.msk [tilespmem:v15+s13+$0x0], $0xffff  }
0x4a7: {  	v19 =	vor.u32 v54, v35;
	v7 =	vld.idx.msk [tilespmem:v7+s13+$0x0], $0xffff  }
0x4a8: {  	v16 =	vor.u32 v26, v35;
	[tilespmem:s24+$0xFFFFFFA0] =	vst v6;
	v6 =	vor.u32 v48, v35;
	v48 =	vld [tilespmem:$0x1FA10]  }
0x4a9: {  	v52 =	vor.u32 v45, v37;
	v14 =	vld.idx.msk [tilespmem:v51+s13+$0x0], $0xffff  }
0x4aa: {  	[tilespmem:s24+$0xFFFFFC20] =	vst v17;
	v0 =	vld.idx.msk [tilespmem:v0+s13+$0x0], $0xffff  }
0x4ab: {  	v17 =	vld.idx.msk [tilespmem:v20+s13+$0x0], $0xffff  }
0x4ac: {  	v53 =	vor.u32 v49, v38;
	v19 =	vld.idx.msk [tilespmem:v19+s13+$0x0], $0xffff  }
0x4ad: {  	v56 =	vor.u32 v55, v39;
	v16 =	vld.idx.msk [tilespmem:v16+s13+$0x0], $0xffff;
	[tilespmem:s24+$0xFFFFFCA0] =	vst v18  }
0x4ae: {  	v10 =	vld.idx.msk [tilespmem:v52+s13+$0x0], $0xffff  }
0x4af: {  	v1 =	vor.u32 v27, v43;
	v52 =	vor.u32 v45, v35;
	v45 =	vld [tilespmem:$0x1FC60]  }
0x4b0: {  	v18 =	vor.u32 v22, v40;
	[tilespmem:s24+$0xFFFFFD20] =	vst v9;
	v6 =	vld.idx.msk [tilespmem:v6+s13+$0x0], $0xffff  }
0x4b1: {  	[tilespmem:s24+$0xFFFFFDA0] =	vst v11;
	v51 =	vor.u32 v50, v41;
	v12 =	vld.idx.msk [tilespmem:v53+s13+$0x0], $0xffff  }
0x4b2: {  	v20 =	vor.u32 v58, v42;
	[tilespmem:s24+$0xFFFFFFB0] =	vst v14;
	v14 =	vld.idx.msk [tilespmem:v56+s13+$0x0], $0xffff  }
0x4b3: {  	v56 =	vld [tilespmem:$0x1FB20]  }
0x4b4: {  	[tilespmem:s24+$0xFFFFFE20] =	vst v5;
	v1 =	vld.idx.msk [tilespmem:v1+s13+$0x0], $0xffff  }
0x4b5: {  	[tilespmem:s24+$0xFFFFFEA0] =	vst v13;
	v5 =	vld.idx.msk [tilespmem:v18+s13+$0x0], $0xffff  }
0x4b6: {  	[tilespmem:s24+$0xFFFFFF20] =	vst v15;
	v9 =	vld.idx.msk [tilespmem:v51+s13+$0x0], $0xffff  }
0x4b7: {  	[tilespmem:s24+$0xFFFFF820] =	vst v19;
	v19 =	vld.idx.msk [tilespmem:v20+s13+$0x0], $0xffff  }
0x4b8: {  	[tilespmem:s24+$0xFFFFF8A0] =	vst v7;
	v7 =	vor.u32 v22, v35;
	v20 =	vor.u32 v50, v35;
	v50 =	vld [tilespmem:$0x1FA20]  }
0x4b9: {  	v15 =	vor.u32 v55, v35;
	v18 =	vor.u32 v49, v35;
	v49 =	vld [tilespmem:$0x1FA50]  }
0x4ba: {  	[tilespmem:s24+$0xFFFFF920] =	vst v0;
	v0 =	vor.u32 v58, v35;
	v51 =	vld [tilespmem:$0x1FF80]  }
0x4bb: {  	[tilespmem:s24+$0xFFFFFBA0] =	vst v4;
	v4 =	vor.u32 v61, v38;
	v11 =	vld.idx.msk [tilespmem:v52+s13+$0x0], $0xffff  }
0x4bc: {  	[tilespmem:s24+$0xFFFFFA20] =	vst v16;
	v52 =	vld [tilespmem:$0x1FF60]  }
0x4bd: {  	[tilespmem:s24+$0xFFFFF9A0] =	vst v6;
	v7 =	vld.idx.msk [tilespmem:v7+s13+$0x0], $0xffff  }
0x4be: {  	[tilespmem:s24+$0xFFFFFB20] =	vst v3;
	v15 =	vld.idx.msk [tilespmem:v15+s13+$0x0], $0xffff  }
0x4bf: {  	[tilespmem:s24+$0xFFFFFD30] =	vst v12;
	v0 =	vld.idx.msk [tilespmem:v0+s13+$0x0], $0xffff  }
0x4c0: {  	v54 =	vor.u32 v28, v43;
	[tilespmem:s24+$0xFFFFFAA0] =	vst v2;
	v4 =	vld.idx.msk [tilespmem:v4+s13+$0x0], $0xffff  }
0x4c1: {  	[tilespmem:s24+$0xFFFFFC30] =	vst v17;
	v3 =	vor.u32 v45, v37;
	v13 =	vld.idx.msk [tilespmem:v18+s13+$0x0], $0xffff  }
0x4c2: {  	v6 =	vor.u32 v25, v35;
	[tilespmem:s24+$0xFFFFFFC0] =	vst v1;
	v1 =	vor.u32 v36, v35;
	v36 =	vld [tilespmem:$0x1FFD0]  }
0x4c3: {  	v17 =	vmov s25;
	[tilespmem:s24+$0xFFFFFCB0] =	vst v10;
	v18 =	vld.idx.msk [tilespmem:v20+s13+$0x0], $0xffff  }
0x4c4: {  	v10 =	vor.u32 v50, v41;
	[tilespmem:s24+$0xFFFFFE30] =	vst v5;
	v5 =	vshrl.u32 v17, $0x3;
	v17 =	vor.u32 v45, v35;
	v45 =	vld [tilespmem:$0x1FF70]  }
0x4c5: {  	[tilespmem:s24+$0xFFFFFDB0] =	vst v14;
	v8 =	vld.idx.msk [tilespmem:v54+s13+$0x0], $0xffff  }
0x4c6: {  	[tilespmem:s24+$0xFFFFFEB0] =	vst v9;
	v3 =	vld.idx.msk [tilespmem:v3+s13+$0x0], $0xffff  }
0x4c7: {  	v53 =	vor.u32 v47, v43;
	v20 =	vor.u32 v52, v39;
	[tilespmem:s24+$0xFFFFF8B0] =	vst v11;
	v6 =	vld.idx.msk [tilespmem:v6+s13+$0x0], $0xffff  }
0x4c8: {  	v16 =	vor.u32 v46, v43;
	v5 =	vshll.u32 v5, v33;
	[tilespmem:s24+$0xFFFFFA30] =	vst v7;
	v1 =	vld.idx.msk [tilespmem:v1+s13+$0x0], $0xffff  }
0x4c9: {  	v55 =	vor.u32 v49, v43;
	v43 =	vbroadcast v5, $0x0;
	v5 =	vor.u32 v52, v35;
	[tilespmem:s24+$0xFFFFF9B0] =	vst v15;
	v10 =	vld.idx.msk [tilespmem:v10+s13+$0x0], $0xffff  }
0x4ca: {  	v15 =	vor.u32 v56, v35;
	[tilespmem:s24+$0xFFFFFB30] =	vst v0;
	v11 =	vld.idx.msk [tilespmem:v17+s13+$0x0], $0xffff  }
0x4cb: {  	v7 =	vor.u32 v27, v35;
	[tilespmem:s24+$0xFFFFFAB0] =	vst v18;
	v18 =	vld [tilespmem:$0x1FC70]  }
0x4cc: {  	v0 =	vor.u32 v21, v38;
	[tilespmem:s24+$0xFFFFFFD0] =	vst v8;
	v20 =	vld.idx.msk [tilespmem:v20+s13+$0x0], $0xffff  }
0x4cd: {  	v2 =	vor.u32 v36, v30;
	v8 =	vld.idx.msk [tilespmem:v53+s13+$0x0], $0xffff  }
0x4ce: {  	v36 =	vor.u32 v36, v35;
	v5 =	vld.idx.msk [tilespmem:v5+s13+$0x0], $0xffff  }
0x4cf: {  	[tilespmem:s24+$0xFFFFFBB0] =	vst v6;
	v15 =	vld.idx.msk [tilespmem:v15+s13+$0x0], $0xffff  }
0x4d0: {  	v54 =	vor.u32 v48, v40;
	[tilespmem:s24+$0xFFFFFD40] =	vst v4;
	v7 =	vld.idx.msk [tilespmem:v7+s13+$0x0], $0xffff  }
0x4d1: {  	v53 =	vor.u32 v56, v42;
	v0 =	vld.idx.msk [tilespmem:v0+s13+$0x0], $0xffff  }
0x4d2: {  	v2 =	vld.idx.msk [tilespmem:v2+s13+$0x0], $0xffff;
	[tilespmem:s24+$0xFFFFF830] =	vst v1  }
0x4d3: {  	[tilespmem:s24+$0xFFFFFF30] =	vst v19;
	v6 =	vor.u32 v45, v39;
	v19 =	vld.idx.msk [tilespmem:v36+s13+$0x0], $0xffff  }
0x4d4: {  	v1 =	vor.u32 v48, v35;
	[tilespmem:s24+$0xFFFFFDC0] =	vst v20;
	v20 =	vld [tilespmem:$0x1FC90]  }
0x4d5: {  	v56 =	vor.u32 v18, v37;
	v18 =	vor.u32 v18, v35;
	[tilespmem:s24+$0xFFFFFFE0] =	vst v8;
	v8 =	vld.idx.msk [tilespmem:v54+s13+$0x0], $0xffff  }
0x4d6: {  	v54 =	vor.u32 v61, v35;
	v14 =	vld.idx.msk [tilespmem:v53+s13+$0x0], $0xffff  }
0x4d7: {  	v16 =	vld.idx.msk [tilespmem:v16+s13+$0x0], $0xffff  }
0x4d8: {  	[tilespmem:s24+$0xFFFFF8C0] =	vst v11;
	v53 =	vor.u32 v45, v35;
	v6 =	vld.idx.msk [tilespmem:v6+s13+$0x0], $0xffff  }
0x4d9: {  	[tilespmem:s24+$0xFFFFF9C0] =	vst v5;
	v5 =	vor.u32 v28, v35;
	v1 =	vld.idx.msk [tilespmem:v1+s13+$0x0], $0xffff  }
0x4da: {  	[tilespmem:s24+$0xFFFFF930] =	vst v13;
	v18 =	vld.idx.msk [tilespmem:v18+s13+$0x0], $0xffff  }
0x4db: {  	[tilespmem:s24+$0xFFFFFEC0] =	vst v10;
	v9 =	vld.idx.msk [tilespmem:v54+s13+$0x0], $0xffff  }
0x4dc: {  	[tilespmem:s24+$0xFFFFFB40] =	vst v15;
	v54 =	vld [tilespmem:$0x1FB40]  }
0x4dd: {  	v15 =	vor.u32 v51, v38;
	[tilespmem:s24+$0xFFFFFBC0] =	vst v7;
	v10 =	vld.idx.msk [tilespmem:v53+s13+$0x0], $0xffff  }
0x4de: {  	v5 =	vld.idx.msk [tilespmem:v5+s13+$0x0], $0xffff  }
0x4df: {  	v53 =	vld [tilespmem:$0x1FB90];
	[tilespmem:s24+$0xFFFFFFF0] =	vst v16;
	v16 =	vor.u32 v44, v43  }
0x4e0: {  	v52 =	vor.u32 v21, v35;
	v44 =	vld [tilespmem:$0x1FFE0]  }
0x4e1: {  	[tilespmem:s24+$0xFFFFFD50] =	vst v0;
	v12 =	vld.idx.msk [tilespmem:v55+s13+$0x0], $0xffff  }
0x4e2: {  	v55 =	vor.u32 v50, v35;
	v15 =	vld.idx.msk [tilespmem:v15+s13+$0x0], $0xffff  }
0x4e3: {  	v50 =	vld [tilespmem:$0x1FFC0]  }
0x4e4: {  	[tilespmem:s24+$0xFFFFF940] =	vst v9;
	v36 =	vld.idx.msk [tilespmem:v16+s13+$0x0], $0xffff  }
0x4e5: {  	[tilespmem:s24+$0xFFFFFE40] =	vst v8;
	v8 =	vld.idx.msk [tilespmem:v52+s13+$0x0], $0xffff  }
0x4e6: {  	v52 =	vld [tilespmem:$0x1FFB0]  }
0x4e7: {  	[tilespmem:s24+$0xFFFFFCC0] =	vst v3;
	v17 =	vor.u32 v44, v30;
	v13 =	vld.idx.msk [tilespmem:v55+s13+$0x0], $0xffff  }
0x4e8: {  	[tilespmem:s24+$0xFFFFFC40] =	vst v2;
	v2 =	vor.u32 v54, v40;
	v55 =	vld [tilespmem:$0x1FB50]  }
0x4e9: {  	v54 =	vor.u32 v54, v35;
	[tilespmem:s24+$0x0] =	vst v12;
	v12 =	vld.idx.msk [tilespmem:v56+s13+$0x0], $0xffff  }
0x4ea: {  	v56 =	vld [tilespmem:$0x1FB60]  }
0x4eb: {  	[tilespmem:s24+$0xFFFFF840] =	vst v19;
	v19 =	vld [tilespmem:$0x1FFF0]  }
0x4ec: {  	v16 =	vld.idx.msk [tilespmem:v17+s13+$0x0], $0xffff;
	v17 =	vor.u32 v44, v35  }
0x4ed: {  	[tilespmem:s24+$0xFFFFFA40] =	vst v1;
	v2 =	vld.idx.msk [tilespmem:v2+s13+$0x0], $0xffff;
	v7 =	vor.u32 v52, v39  }
0x4ee: {  	[tilespmem:s24+$0xFFFFFF40] =	vst v14;
	v14 =	vld.idx.msk [tilespmem:v54+s13+$0x0], $0xffff;
	v3 =	vor.u32 v55, v41  }
0x4ef: {  	v54 =	vld [tilespmem:$0x1FB70];
	v4 =	vor.u32 v56, v42  }
0x4f0: {  	v44 =	vld [tilespmem:$0x1FC80];
	v55 =	vor.u32 v55, v35  }
0x4f1: {  	[tilespmem:s24+$0xFFFFFDD0] =	vst v6;
	v17 =	vld.idx.msk [tilespmem:v17+s13+$0x0], $0xffff  }
0x4f2: {  	v56 =	vor.u32 v56, v35;
	v7 =	vld.idx.msk [tilespmem:v7+s13+$0x0], $0xffff  }
0x4f3: {  	v1 =	vor.u32 v19, v30;
	[tilespmem:s24+$0xFFFFFAC0] =	vst v13;
	v3 =	vld.idx.msk [tilespmem:v3+s13+$0x0], $0xffff  }
0x4f4: {  	[tilespmem:s24+$0xFFFFFE50] =	vst v2;
	v2 =	vor.u32 v51, v35;
	v4 =	vld.idx.msk [tilespmem:v4+s13+$0x0], $0xffff  }
0x4f5: {  	v13 =	vor.u32 v44, v37;
	v11 =	vld.idx.msk [tilespmem:v55+s13+$0x0], $0xffff  }
0x4f6: {  	[tilespmem:s24+$0xFFFFFC50] =	vst v16;
	v16 =	vor.u32 v54, v40;
	v55 =	vld [tilespmem:$0x1FB80]  }
0x4f7: {  	v6 =	vor.u32 v44, v35;
	v9 =	vld.idx.msk [tilespmem:v56+s13+$0x0], $0xffff  }
0x4f8: {  	v19 =	vor.u32 v19, v35;
	[tilespmem:s24+$0xFFFFF950] =	vst v8;
	v1 =	vld.idx.msk [tilespmem:v1+s13+$0x0], $0xffff  }
0x4f9: {  	[tilespmem:s24+$0xFFFFFCD0] =	vst v12;
	v2 =	vld.idx.msk [tilespmem:v2+s13+$0x0], $0xffff  }
0x4fa: {  	[tilespmem:s24+$0xFFFFF8D0] =	vst v18;
	v0 =	vor.u32 v53, v42;
	v13 =	vld.idx.msk [tilespmem:v13+s13+$0x0], $0xffff  }
0x4fb: {  	v16 =	vld.idx.msk [tilespmem:v16+s13+$0x0], $0xffff;
	[tilespmem:s24+$0xFFFFF850] =	vst v17;
	v56 =	vor.u32 v55, v41  }
0x4fc: {  	v6 =	vld.idx.msk [tilespmem:v6+s13+$0x0], $0xffff;
	[tilespmem:s24+$0xFFFFFED0] =	vst v3;
	v3 =	vor.u32 v52, v35  }
0x4fd: {  	[tilespmem:s24+$0xFFFFFF50] =	vst v4;
	v4 =	vor.u32 v54, v35;
	v17 =	vld.idx.msk [tilespmem:v19+s13+$0x0], $0xffff  }
0x4fe: {  	v18 =	vor.u32 v55, v35;
	v19 =	vld [tilespmem:$0x1FC10]  }
0x4ff: {  	v54 =	vor.u32 v53, v35;
	v0 =	vld.idx.msk [tilespmem:v0+s13+$0x0], $0xffff  }
0x500: {  	[tilespmem:s24+$0xFFFFF9D0] =	vst v10;
	v12 =	vld.idx.msk [tilespmem:v56+s13+$0x0], $0xffff  }
0x501: {  	[tilespmem:s24+$0xFFFFFA50] =	vst v14;
	v55 =	vor.u32 v47, v35;
	v3 =	vld.idx.msk [tilespmem:v3+s13+$0x0], $0xffff  }
0x502: {  	[tilespmem:s24+$0xFFFFFAD0] =	vst v11;
	v4 =	vld.idx.msk [tilespmem:v4+s13+$0x0], $0xffff  }
0x503: {  	v52 =	vor.u32 v29, v37;
	[tilespmem:s24+$0xFFFFFB50] =	vst v9;
	v18 =	vld.idx.msk [tilespmem:v18+s13+$0x0], $0xffff  }
0x504: {  	[tilespmem:s24+$0xFFFFFBD0] =	vst v5;
	v8 =	vld.idx.msk [tilespmem:v54+s13+$0x0], $0xffff  }
0x505: {  	[tilespmem:s24+$0xFFFFFDE0] =	vst v7;
	v53 =	vor.u32 v50, v38;
	v54 =	vld [tilespmem:$0x1FCB0]  }
0x506: {  	v7 =	vor.u32 v29, v35;
	[tilespmem:s24+$0xFFFFFCE0] =	vst v13;
	v10 =	vld.idx.msk [tilespmem:v55+s13+$0x0], $0xffff  }
0x507: {  	[tilespmem:s24+$0xFFFFFE60] =	vst v16;
	v16 =	vor.u32 v50, v35;
	v55 =	vld [tilespmem:$0x1FBA0]  }
0x508: {  	v56 =	vor.u32 v19, v30;
	v11 =	vld.idx.msk [tilespmem:v52+s13+$0x0], $0xffff  }
0x509: {  	[tilespmem:s24+$0xFFFFFD60] =	vst v15;
	v52 =	vld [tilespmem:$0x1FBC0]  }
0x50a: {  	[tilespmem:s24+$0xFFFFF8E0] =	vst v6;
	v19 =	vor.u32 v19, v35;
	v9 =	vld.idx.msk [tilespmem:v53+s13+$0x0], $0xffff  }
0x50b: {  	[tilespmem:s24+$0xFFFFF960] =	vst v2;
	v7 =	vld.idx.msk [tilespmem:v7+s13+$0x0], $0xffff  }
0x50c: {  	[tilespmem:s24+$0xFFFFFC60] =	vst v1;
	v16 =	vld.idx.msk [tilespmem:v16+s13+$0x0], $0xffff  }
0x50d: {  	v5 =	vor.u32 v54, v39;
	v14 =	vld.idx.msk [tilespmem:v56+s13+$0x0], $0xffff  }
0x50e: {  	[tilespmem:s24+$0xFFFFF860] =	vst v17;
	v1 =	vor.u32 v55, v40;
	v56 =	vld [tilespmem:$0x1FBB0]  }
0x50f: {  	v15 =	vor.u32 v52, v42;
	v17 =	vld.idx.msk [tilespmem:v19+s13+$0x0], $0xffff  }
0x510: {  	[tilespmem:s24+$0xFFFFFF60] =	vst v0;
	v53 =	vor.u32 v54, v35;
	v54 =	vld [tilespmem:$0x1FC20]  }
0x511: {  	v0 =	vor.u32 v55, v35;
	[tilespmem:s24+$0xFFFFF970] =	vst v16;
	v16 =	vld [tilespmem:$0x1FCA0]  }
0x512: {  	v5 =	vld.idx.msk [tilespmem:v5+s13+$0x0], $0xffff  }
0x513: {  	[tilespmem:s24+$0xFFFFFEE0] =	vst v12;
	v2 =	vor.u32 v52, v35;
	v1 =	vld.idx.msk [tilespmem:v1+s13+$0x0], $0xffff  }
0x514: {  	[tilespmem:s24+$0xFFFFF9E0] =	vst v3;
	v3 =	vor.u32 v46, v35;
	v15 =	vld.idx.msk [tilespmem:v15+s13+$0x0], $0xffff  }
0x515: {  	[tilespmem:s24+$0xFFFFFA60] =	vst v4;
	v51 =	vor.u32 v56, v41;
	v12 =	vld.idx.msk [tilespmem:v53+s13+$0x0], $0xffff  }
0x516: {  	[tilespmem:s24+$0xFFFFFAE0] =	vst v18;
	v6 =	vor.u32 v56, v35;
	v19 =	vld.idx.msk [tilespmem:v0+s13+$0x0], $0xffff  }
0x517: {  	[tilespmem:s24+$0xFFFFFB60] =	vst v8;
	v4 =	vor.u32 v54, v30;
	v30 =	vld [tilespmem:$0x1FEE0]  }
0x518: {  	[tilespmem:s24+$0xFFFFFBE0] =	vst v10;
	v0 =	vor.u32 v20, v37;
	v18 =	vld.idx.msk [tilespmem:v2+s13+$0x0], $0xffff  }
0x519: {  	v44 =	vld.idx.msk [tilespmem:v3+s13+$0x0], $0xffff;
	v56 =	vor.u32 v54, v35  }
0x51a: {  	[tilespmem:s24+$0xFFFFFCF0] =	vst v11;
	v2 =	vor.u32 v32, v39;
	v13 =	vld.idx.msk [tilespmem:v51+s13+$0x0], $0xffff  }
0x51b: {  	[tilespmem:s24+$0xFFFFFC70] =	vst v14;
	v3 =	vor.u32 v59, v40;
	v6 =	vld.idx.msk [tilespmem:v6+s13+$0x0], $0xffff  }
0x51c: {  	[tilespmem:s24+$0xFFFFFD70] =	vst v9;
	v8 =	vor.u32 v59, v35;
	v45 =	vld.idx.msk [tilespmem:v4+s13+$0x0], $0xffff  }
0x51d: {  	[tilespmem:s24+$0xFFFFF870] =	vst v17;
	v55 =	vor.u32 v30, v38;
	v37 =	vld.idx.msk [tilespmem:v0+s13+$0x0], $0xffff  }
0x51e: {  	v0 =	vor.u32 v63, v42;
	[tilespmem:s24+$0xFFFFFDF0] =	vst v5;
	v46 =	vld.idx.msk [tilespmem:v56+s13+$0x0], $0xffff  }
0x51f: {  	v5 =	vor.u32 v20, v35;
	[tilespmem:s24+$0xFFFFFE70] =	vst v1;
	v38 =	vld.idx.msk [tilespmem:v2+s13+$0x0], $0xffff  }
0x520: {  	v1 =	vor.u32 v30, v35;
	[tilespmem:s24+$0xFFFFFA70] =	vst v19;
	v39 =	vld.idx.msk [tilespmem:v3+s13+$0x0], $0xffff  }
0x521: {  	[tilespmem:s24+$0xFFFFF8F0] =	vst v7;
	v4 =	vor.u32 v62, v41;
	v50 =	vld.idx.msk [tilespmem:v8+s13+$0x0], $0xffff  }
0x522: {  	s29 =	sadd.s32 $0x8, s25;
	s31 =	sadd.s32 $0xB, s25;
	v7 =	vor.u32 v62, v35;
	[tilespmem:s24+$0xFFFFFF70] =	vst v15;
	v2 =	vor.u32 v32, v35;
	v41 =	vld.idx.msk [tilespmem:v55+s13+$0x0], $0xffff  }
0x523: {  	p0 =	slt.u32 s25, $0x30;
	s30 =	sadd.s32 $0x9, s25;
	v9 =	vmov s31;
	v54 =	vor.u32 v63, v35;
	v3 =	vmov s29;
	s29 =	sadd.s32 $0xC, s25;
	v42 =	vld.idx.msk [tilespmem:v0+s13+$0x0], $0xffff  }
.Ltmp2:
0x524: {  	s31 =	sadd.s32 $0xE, s25;
	v53 =	vor.u32 v49, v35;
	v35 =	vmovc v43;
	[tilespmem:s24+$0xFFFFFEF0] =	vst v13;
	v0 =	vmov s30;
	v13 =	vmov s29;
	v47 =	vld.idx.msk [tilespmem:v5+s13+$0x0], $0xffff;
	(pc) =	sbr.rel @p0 .LBB2_7-.Ltmp2, $4  }
0x525: {  	s28 =	sadd.s32 $0xA, s25;
	v55 =	vmov s31;
	v48 =	vld.idx.msk [tilespmem:v1+s13+$0x0], $0xffff;
	v1 =	vor.u32 v57, v35;
	v5 =	vshrl.u32 v3, $0x3  }
0x526: {  	[tilespmem:s24+$0xFFFFF9F0] =	vst v12;
	s30 =	sadd.s32 $0xD, s25;
	v57 =	vshrl.u32 v9, $0x3;
	v3 =	vor.u32 v16, v35;
	v40 =	vld.idx.msk [tilespmem:v4+s13+$0x0], $0xffff;
	v4 =	vmov s28  }
0x527: {  	[tilespmem:s24+$0xFFFFFAF0] =	vst v6;
	v14 =	vmov s30;
	v0 =	vshrl.u32 v0, $0x3;
	v49 =	vld.idx.msk [tilespmem:v2+s13+$0x0], $0xffff;
	v2 =	vor.u32 v31, v35  }
0x528: {  	s26 =	sadd.s32 $0xF, s25;
	[tilespmem:s24+$0xFFFFFB70] =	vst v18;
	s25 =	sadd.s32 $0x10, s25;
	v56 =	vshrl.u32 v13, $0x3;
	v51 =	vld.idx.msk [tilespmem:v7+s13+$0x0], $0xffff;
	v4 =	vshrl.u32 v4, $0x3;
	v52 =	vshrl.u32 v14, $0x3  }
0x529: {  	[tilespmem:s24+$0xFFFFFBF0] =	vst v44  }
0x52a: {  	[tilespmem:s24+$0xFFFFFC80] =	vst v45  }
0x52b: {  	[tilespmem:s24+$0xFFFFFD00] =	vst v37  }
0x52c: {  	[tilespmem:s24+$0xFFFFFD80] =	vst v41  }
0x52d: {  	[tilespmem:s24+$0xFFFFFE00] =	vst v38  }
0x52e: {  	[tilespmem:s24+$0xFFFFFE80] =	vst v39  }
0x52f: {  	[tilespmem:s24+$0xFFFFFF00] =	vst v40  }
0x530: {  	v6 =	vmov s26;
	v13 =	vld [tilespmem:$0x1FA60]  }
0x531: {  	v6 =	vshrl.u32 v6, $0x3  }
0x532: {  	v6 =	vshll.u32 v6, v33  }
0x533: {  	v7 =	vld.idx.msk [tilespmem:v54+s13+$0x0], $0xffff;
	v43 =	vbroadcast v6, $0x0;
	[tilespmem:s24+$0xFFFFFF80] =	vst v42  }
0x534: {  	v40 =	vld [tilespmem:$0x1FEC0];
	[tilespmem:s24+$0xFFFFF880] =	vst v46  }
0x535: {  	v11 =	vshll.u32 v4, v33;
	v42 =	vld [tilespmem:$0x1FC30];
	[tilespmem:s24+$0xFFFFF900] =	vst v47;
	v14 =	vor.u32 v13, v43  }
0x536: {  	v38 =	vbroadcast v11, $0x0;
	[tilespmem:s24+$0xFFFFF980] =	vst v48  }
0x537: {  	v41 =	vshll.u32 v57, v33;
	[tilespmem:s24+$0xFFFFFA00] =	vst v49  }
0x538: {  	v5 =	vshll.u32 v5, v33;
	v39 =	vbroadcast v41, $0x0;
	v8 =	vor.u32 v31, v38;
	[tilespmem:s24+$0xFFFFFA80] =	vst v50  }
0x539: {  	v0 =	vshll.u32 v0, v33;
	v37 =	vbroadcast v5, $0x0;
	v15 =	vld [tilespmem:$0x1FA80];
	[tilespmem:s24+$0xFFFFFB00] =	vst v51  }
0x53a: {  	v44 =	vshll.u32 v56, v33;
	v30 =	vbroadcast v0, $0x0;
	v11 =	vor.u32 v16, v39;
	[tilespmem:s24+$0xFFFFFB80] =	vst v7;
	v4 =	vld.idx.msk [tilespmem:v14+s13+$0x0], $0xffff  }
0x53b: {  	v45 =	vshll.u32 v52, v33;
	v5 =	vor.u32 v40, v37;
	v40 =	vbroadcast v44, $0x0;
	v14 =	vld [tilespmem:$0x1FA90]  }
0x53c: {  	v9 =	vshrl.u32 v55, $0x3;
	v10 =	vld.idx.msk [tilespmem:v53+s13+$0x0], $0xffff;
	v41 =	vbroadcast v45, $0x0;
	v6 =	vor.u32 v42, v30  }
0x53d: {  	v46 =	vshll.u32 v9, v33;
	v8 =	vld.idx.msk [tilespmem:v8+s13+$0x0], $0xffff;
	v47 =	vor.u32 v23, v40  }
0x53e: {  	v1 =	vld.idx.msk [tilespmem:v1+s13+$0x0], $0xffff;
	v42 =	vbroadcast v46, $0x0;
	v48 =	vor.u32 v15, v41  }
0x53f: {  	v12 =	vor.u32 v34, v43;
	v50 =	vld.idx.msk [tilespmem:v11+s13+$0x0], $0xffff  }
0x540: {  	v5 =	vld.idx.msk [tilespmem:v5+s13+$0x0], $0xffff;
	v49 =	vor.u32 v14, v42  }
0x541: {  	s31 =	sadd.s32 $0x800, s24;
	[tilespmem:s24+$0xFFFFFC00] =	vst v10;
	v6 =	vld.idx.msk [tilespmem:v6+s13+$0x0], $0xffff  }
0x542: {  	[tilespmem:s31+$0xFFFFFD10] =	vst v8;
	v51 =	vld.idx.msk [tilespmem:v47+s13+$0x0], $0xffff  }
0x543: {  	v55 =	vor.u32 v15, v35;
	v0 =	vld.idx.msk [tilespmem:v48+s13+$0x0], $0xffff;
	[tilespmem:s31+$0xFFFFFF90] =	vst v4  }
0x544: {  	v53 =	vor.u32 v23, v35;
	[tilespmem:s31+$0xFFFFFD90] =	vst v50;
	v52 =	vld.idx.msk [tilespmem:v12+s13+$0x0], $0xffff  }
0x545: {  	v54 =	vor.u32 v25, v43;
	[tilespmem:s31+$0xFFFFFC10] =	vst v5;
	v7 =	vld.idx.msk [tilespmem:v49+s13+$0x0], $0xffff  }
0x546: {  	v2 =	vld.idx.msk [tilespmem:v2+s13+$0x0], $0xffff;
	[tilespmem:s31+$0xFFFFFC90] =	vst v6  }
0x547: {  	v3 =	vld.idx.msk [tilespmem:v3+s13+$0x0], $0xffff;
	[tilespmem:s31+$0xFFFFFE10] =	vst v51  }
0x548: {  	v4 =	vld.idx.msk [tilespmem:v55+s13+$0x0], $0xffff;
	[tilespmem:s31+$0xFFFFFE90] =	vst v0  }
0x549: {  	v56 =	vor.u32 v14, v35;
	v6 =	vld.idx.msk [tilespmem:v53+s13+$0x0], $0xffff;
	[tilespmem:s31+$0xFFFFFFA0] =	vst v52  }
0x54a: {  	v8 =	vld.idx.msk [tilespmem:v54+s13+$0x0], $0xffff;
	[tilespmem:s31+$0xFFFFFF10] =	vst v7  }
0x54b: {  	v23 =	vor.u32 v27, v43;
	v49 =	vld [tilespmem:$0x1FED0];
	[tilespmem:s31+$0xFFFFF810] =	vst v36  }
0x54c: {  	v57 =	vor.u32 v13, v35;
	v10 =	vld [tilespmem:$0x1FC40];
	[tilespmem:s31+$0xFFFFF890] =	vst v1  }
0x54d: {  	v47 =	vor.u32 v26, v40;
	v36 =	vld [tilespmem:$0x1FF10];
	[tilespmem:s31+$0xFFFFF910] =	vst v2  }
0x54e: {  	v48 =	vor.u32 v24, v41;
	v0 =	vld.idx.msk [tilespmem:v56+s13+$0x0], $0xffff;
	[tilespmem:s31+$0xFFFFF990] =	vst v3  }
0x54f: {  	v50 =	vor.u32 v60, v42;
	v44 =	vld [tilespmem:$0x1FEF0];
	[tilespmem:s31+$0xFFFFFFB0] =	vst v8  }
0x550: {  	v56 =	vor.u32 v26, v35;
	v2 =	vld.idx.msk [tilespmem:v23+s13+$0x0], $0xffff  }
0x551: {  	v5 =	vld.idx.msk [tilespmem:v57+s13+$0x0], $0xffff;
	v12 =	vor.u32 v49, v37  }
0x552: {  	[tilespmem:s31+$0xFFFFFA10] =	vst v6;
	v6 =	vld.idx.msk [tilespmem:v47+s13+$0x0], $0xffff;
	v51 =	vor.u32 v49, v35  }
0x553: {  	v8 =	vld.idx.msk [tilespmem:v48+s13+$0x0], $0xffff;
	v13 =	vor.u32 v10, v30  }
0x554: {  	[tilespmem:s31+$0xFFFFFA90] =	vst v4;
	v4 =	vld.idx.msk [tilespmem:v50+s13+$0x0], $0xffff;
	v14 =	vor.u32 v36, v38  }
0x555: {  	v46 =	vor.u32 v44, v39;
	[tilespmem:s31+$0xFFFFFFC0] =	vst v2;
	v2 =	vld.idx.msk [tilespmem:v56+s13+$0x0], $0xffff  }
0x556: {  	v52 =	vor.u32 v10, v35;
	v7 =	vld.idx.msk [tilespmem:v12+s13+$0x0], $0xffff  }
0x557: {  	[tilespmem:s31+$0xFFFFFB10] =	vst v0;
	v54 =	vor.u32 v36, v35;
	v0 =	vld.idx.msk [tilespmem:v51+s13+$0x0], $0xffff  }
0x558: {  	v53 =	vor.u32 v28, v43;
	[tilespmem:s31+$0xFFFFFB90] =	vst v5;
	v9 =	vld.idx.msk [tilespmem:v13+s13+$0x0], $0xffff  }
0x559: {  	[tilespmem:s31+$0xFFFFFE20] =	vst v6;
	v12 =	vor.u32 v24, v35;
	v1 =	vld.idx.msk [tilespmem:v14+s13+$0x0], $0xffff  }
0x55a: {  	v55 =	vor.u32 v44, v35;
	[tilespmem:s31+$0xFFFFFEA0] =	vst v8;
	v3 =	vld.idx.msk [tilespmem:v46+s13+$0x0], $0xffff  }
0x55b: {  	[tilespmem:s31+$0xFFFFFF20] =	vst v4;
	v57 =	vld.idx.msk [tilespmem:v52+s13+$0x0], $0xffff  }
0x55c: {  	v14 =	vld.idx.msk [tilespmem:v54+s13+$0x0], $0xffff;
	[tilespmem:s31+$0xFFFFFC20] =	vst v7  }
0x55d: {  	v7 =	vld.idx.msk [tilespmem:v53+s13+$0x0], $0xffff;
	[tilespmem:s31+$0xFFFFFCA0] =	vst v9  }
0x55e: {  	v5 =	vld.idx.msk [tilespmem:v12+s13+$0x0], $0xffff;
	[tilespmem:s31+$0xFFFFFD20] =	vst v1  }
0x55f: {  	v1 =	vld.idx.msk [tilespmem:v55+s13+$0x0], $0xffff;
	[tilespmem:s31+$0xFFFFFDA0] =	vst v3  }
0x560: {  	v10 =	vld [tilespmem:$0x1FA30];
	[tilespmem:s31+$0xFFFFF820] =	vst v0  }
0x561: {  	v13 =	vor.u32 v60, v35;
	v48 =	vld [tilespmem:$0x1FF30];
	[tilespmem:s31+$0xFFFFF8A0] =	vst v57  }
0x562: {  	v23 =	vor.u32 v34, v35;
	v34 =	vld [tilespmem:$0x1FC50];
	[tilespmem:s31+$0xFFFFFFD0] =	vst v7  }
0x563: {  	v51 =	vld [tilespmem:$0x1FF20];
	[tilespmem:s31+$0xFFFFF920] =	vst v14  }
0x564: {  	v50 =	vld [tilespmem:$0x1FF00]  }
0x565: {  	v24 =	vor.u32 v10, v43  }
0x566: {  	v6 =	vld.idx.msk [tilespmem:v13+s13+$0x0], $0xffff;
	[tilespmem:s31+$0xFFFFF9A0] =	vst v1;
	v26 =	vor.u32 v48, v37  }
0x567: {  	v9 =	vld.idx.msk [tilespmem:v23+s13+$0x0], $0xffff;
	[tilespmem:s31+$0xFFFFFA20] =	vst v2;
	v45 =	vor.u32 v34, v30  }
0x568: {  	v53 =	vld [tilespmem:$0x1FA00];
	[tilespmem:s31+$0xFFFFFAA0] =	vst v5;
	v46 =	vor.u32 v51, v38  }
0x569: {  	v15 =	vld [tilespmem:$0x1FA40];
	v47 =	vor.u32 v50, v39  }
0x56a: {  	v4 =	vld.idx.msk [tilespmem:v24+s13+$0x0], $0xffff  }
0x56b: {  	v0 =	vld.idx.msk [tilespmem:v26+s13+$0x0], $0xffff  }
0x56c: {  	v3 =	vld.idx.msk [tilespmem:v45+s13+$0x0], $0xffff  }
0x56d: {  	[tilespmem:s31+$0xFFFFFB20] =	vst v6;
	v7 =	vld.idx.msk [tilespmem:v46+s13+$0x0], $0xffff  }
0x56e: {  	v52 =	vor.u32 v22, v40;
	[tilespmem:s31+$0xFFFFFBA0] =	vst v9;
	v8 =	vld.idx.msk [tilespmem:v47+s13+$0x0], $0xffff  }
0x56f: {  	[tilespmem:s31+$0xFFFFFFE0] =	vst v4  }
0x570: {  	v54 =	vor.u32 v53, v41;
	[tilespmem:s31+$0xFFFFFC30] =	vst v0  }
0x571: {  	v56 =	vor.u32 v58, v42;
	[tilespmem:s31+$0xFFFFFCB0] =	vst v3  }
0x572: {  	v55 =	vor.u32 v15, v43;
	[tilespmem:s31+$0xFFFFFD30] =	vst v7  }
0x573: {  	v1 =	vld.idx.msk [tilespmem:v52+s13+$0x0], $0xffff;
	v57 =	vor.u32 v48, v35;
	[tilespmem:s31+$0xFFFFFDB0] =	vst v8  }
0x574: {  	v60 =	vor.u32 v34, v35;
	v13 =	vld [tilespmem:$0x1FA50]  }
0x575: {  	v23 =	vor.u32 v51, v35;
	v2 =	vld.idx.msk [tilespmem:v54+s13+$0x0], $0xffff  }
0x576: {  	v6 =	vld.idx.msk [tilespmem:v56+s13+$0x0], $0xffff;
	v24 =	vor.u32 v50, v35  }
0x577: {  	v26 =	vor.u32 v22, v35;
	v5 =	vld.idx.msk [tilespmem:v55+s13+$0x0], $0xffff  }
0x578: {  	v34 =	vld.idx.msk [tilespmem:v57+s13+$0x0], $0xffff  }
0x579: {  	v52 =	vld.idx.msk [tilespmem:v60+s13+$0x0], $0xffff;
	[tilespmem:s31+$0xFFFFFE30] =	vst v1;
	v43 =	vor.u32 v13, v43  }
0x57a: {  	v0 =	vld.idx.msk [tilespmem:v23+s13+$0x0], $0xffff;
	[tilespmem:s31+$0xFFFFFEB0] =	vst v2  }
0x57b: {  	v53 =	vor.u32 v53, v35;
	v3 =	vld.idx.msk [tilespmem:v24+s13+$0x0], $0xffff;
	[tilespmem:s31+$0xFFFFFF30] =	vst v6  }
0x57c: {  	v7 =	vld.idx.msk [tilespmem:v26+s13+$0x0], $0xffff;
	[tilespmem:s31+$0xFFFFFFF0] =	vst v5  }
0x57d: {  	v47 =	vld [tilespmem:$0x1FFD0]  }
0x57e: {  	[tilespmem:s31+$0xFFFFF830] =	vst v34;
	v9 =	vld.idx.msk [tilespmem:v43+s13+$0x0], $0xffff  }
0x57f: {  	v57 =	vld [tilespmem:$0x1FC60];
	[tilespmem:s31+$0xFFFFF8B0] =	vst v52  }
0x580: {  	v54 =	vor.u32 v58, v35;
	v4 =	vld.idx.msk [tilespmem:v53+s13+$0x0], $0xffff;
	[tilespmem:s31+$0xFFFFF930] =	vst v0  }
0x581: {  	v60 =	vor.u32 v61, v38;
	v46 =	vld [tilespmem:$0x1FF60];
	[tilespmem:s31+$0xFFFFF9B0] =	vst v3  }
0x582: {  	v55 =	vor.u32 v25, v35;
	v23 =	vld [tilespmem:$0x1FA10];
	[tilespmem:s31+$0xFFFFFA30] =	vst v7  }
0x583: {  	v45 =	vor.u32 v61, v35;
	v17 =	vld [tilespmem:$0x1FA20];
	[tilespmem:s31+$0x0] =	vst v9  }
0x584: {  	v56 =	vor.u32 v47, v37;
	v18 =	vld [tilespmem:$0x1FB20]  }
0x585: {  	v2 =	vld.idx.msk [tilespmem:v54+s13+$0x0], $0xffff;
	v58 =	vor.u32 v57, v30  }
0x586: {  	v1 =	vld.idx.msk [tilespmem:v60+s13+$0x0], $0xffff;
	v22 =	vor.u32 v46, v39  }
0x587: {  	v5 =	vld.idx.msk [tilespmem:v55+s13+$0x0], $0xffff;
	v24 =	vor.u32 v23, v40  }
0x588: {  	v53 =	vor.u32 v23, v35;
	v23 =	vld.idx.msk [tilespmem:v45+s13+$0x0], $0xffff;
	v25 =	vor.u32 v17, v41  }
0x589: {  	v6 =	vld.idx.msk [tilespmem:v56+s13+$0x0], $0xffff;
	v26 =	vor.u32 v18, v42  }
0x58a: {  	v34 =	vor.u32 v47, v35;
	v8 =	vld.idx.msk [tilespmem:v58+s13+$0x0], $0xffff;
	[tilespmem:s31+$0xFFFFFAB0] =	vst v4  }
0x58b: {  	v43 =	vor.u32 v57, v35;
	v0 =	vld.idx.msk [tilespmem:v22+s13+$0x0], $0xffff;
	[tilespmem:s31+$0xFFFFFB30] =	vst v2  }
0x58c: {  	v52 =	vor.u32 v46, v35;
	v3 =	vld.idx.msk [tilespmem:v24+s13+$0x0], $0xffff;
	[tilespmem:s31+$0xFFFFFBB0] =	vst v5  }
0x58d: {  	v7 =	vld.idx.msk [tilespmem:v25+s13+$0x0], $0xffff;
	[tilespmem:s31+$0xFFFFFD40] =	vst v1  }
0x58e: {  	[tilespmem:s31+$0xFFFFFC40] =	vst v6;
	v9 =	vld.idx.msk [tilespmem:v26+s13+$0x0], $0xffff  }
0x58f: {  	v54 =	vld.idx.msk [tilespmem:v34+s13+$0x0], $0xffff;
	[tilespmem:s31+$0xFFFFFCC0] =	vst v8  }
0x590: {  	v55 =	vor.u32 v17, v35;
	v60 =	vld.idx.msk [tilespmem:v43+s13+$0x0], $0xffff;
	[tilespmem:s31+$0xFFFFFDC0] =	vst v0  }
0x591: {  	v6 =	vld.idx.msk [tilespmem:v52+s13+$0x0], $0xffff;
	[tilespmem:s31+$0xFFFFFE40] =	vst v3  }
0x592: {  	v8 =	vld.idx.msk [tilespmem:v53+s13+$0x0], $0xffff;
	[tilespmem:s31+$0xFFFFFEC0] =	vst v7  }
0x593: {  	v57 =	vld [tilespmem:$0x1FFE0];
	[tilespmem:s31+$0xFFFFFF40] =	vst v9  }
0x594: {  	v26 =	vld [tilespmem:$0x1FC70];
	[tilespmem:s31+$0xFFFFF840] =	vst v54  }
0x595: {  	v24 =	vor.u32 v27, v35;
	v4 =	vld.idx.msk [tilespmem:v55+s13+$0x0], $0xffff;
	[tilespmem:s31+$0xFFFFF8C0] =	vst v60  }
0x596: {  	v22 =	vor.u32 v18, v35;
	v53 =	vld [tilespmem:$0x1FF70];
	[tilespmem:s31+$0xFFFFF940] =	vst v23  }
0x597: {  	v43 =	vor.u32 v21, v38;
	v19 =	vld [tilespmem:$0x1FB40];
	[tilespmem:s31+$0xFFFFF9C0] =	vst v6  }
0x598: {  	v25 =	vor.u32 v57, v37;
	v17 =	vld [tilespmem:$0x1FB50];
	[tilespmem:s31+$0xFFFFFA40] =	vst v8  }
0x599: {  	v56 =	vor.u32 v57, v35;
	v18 =	vld [tilespmem:$0x1FB60]  }
0x59a: {  	v5 =	vld.idx.msk [tilespmem:v24+s13+$0x0], $0xffff;
	v34 =	vor.u32 v26, v30  }
0x59b: {  	v2 =	vld.idx.msk [tilespmem:v22+s13+$0x0], $0xffff;
	v45 =	vor.u32 v53, v39  }
0x59c: {  	v1 =	vld.idx.msk [tilespmem:v43+s13+$0x0], $0xffff;
	v52 =	vor.u32 v19, v40  }
0x59d: {  	v7 =	vld.idx.msk [tilespmem:v25+s13+$0x0], $0xffff;
	v54 =	vor.u32 v17, v41  }
0x59e: {  	v22 =	vld.idx.msk [tilespmem:v56+s13+$0x0], $0xffff;
	v55 =	vor.u32 v18, v42  }
0x59f: {  	v60 =	vor.u32 v21, v35;
	[tilespmem:s31+$0xFFFFFAC0] =	vst v4;
	v9 =	vld.idx.msk [tilespmem:v34+s13+$0x0], $0xffff  }
0x5a0: {  	[tilespmem:s31+$0xFFFFFB40] =	vst v2;
	v58 =	vor.u32 v26, v35;
	v0 =	vld.idx.msk [tilespmem:v45+s13+$0x0], $0xffff  }
0x5a1: {  	[tilespmem:s31+$0xFFFFFBC0] =	vst v5;
	v12 =	vor.u32 v53, v35;
	v3 =	vld.idx.msk [tilespmem:v52+s13+$0x0], $0xffff  }
0x5a2: {  	[tilespmem:s31+$0xFFFFFD50] =	vst v1;
	v14 =	vor.u32 v19, v35;
	v6 =	vld.idx.msk [tilespmem:v54+s13+$0x0], $0xffff  }
0x5a3: {  	[tilespmem:s31+$0xFFFFFC50] =	vst v7;
	v8 =	vld.idx.msk [tilespmem:v55+s13+$0x0], $0xffff  }
0x5a4: {  	v26 =	vld.idx.msk [tilespmem:v60+s13+$0x0], $0xffff;
	[tilespmem:s31+$0xFFFFFCD0] =	vst v9  }
0x5a5: {  	v24 =	vld.idx.msk [tilespmem:v58+s13+$0x0], $0xffff;
	[tilespmem:s31+$0xFFFFFDD0] =	vst v0  }
0x5a6: {  	v7 =	vld.idx.msk [tilespmem:v12+s13+$0x0], $0xffff;
	[tilespmem:s31+$0xFFFFFE50] =	vst v3  }
0x5a7: {  	v9 =	vld.idx.msk [tilespmem:v14+s13+$0x0], $0xffff;
	[tilespmem:s31+$0xFFFFFED0] =	vst v6  }
0x5a8: {  	v19 =	vld [tilespmem:$0x1FFF0];
	[tilespmem:s31+$0xFFFFFF50] =	vst v8  }
0x5a9: {  	v23 =	vor.u32 v17, v35;
	v17 =	vld [tilespmem:$0x1FC80];
	[tilespmem:s31+$0xFFFFF850] =	vst v22  }
0x5aa: {  	v55 =	vld [tilespmem:$0x1FF80];
	[tilespmem:s31+$0xFFFFF8D0] =	vst v24  }
0x5ab: {  	v25 =	vor.u32 v18, v35;
	v56 =	vld [tilespmem:$0x1FFB0];
	[tilespmem:s31+$0xFFFFF950] =	vst v26  }
0x5ac: {  	v34 =	vor.u32 v28, v35;
	v12 =	vld [tilespmem:$0x1FB70];
	[tilespmem:s31+$0xFFFFF9D0] =	vst v7  }
0x5ad: {  	v43 =	vor.u32 v19, v37;
	v18 =	vld [tilespmem:$0x1FB80]  }
0x5ae: {  	v4 =	vld.idx.msk [tilespmem:v23+s13+$0x0], $0xffff;
	[tilespmem:s31+$0xFFFFFA50] =	vst v9;
	v45 =	vor.u32 v17, v30  }
0x5af: {  	v26 =	vld [tilespmem:$0x1FB90];
	v52 =	vor.u32 v55, v38  }
0x5b0: {  	v2 =	vld.idx.msk [tilespmem:v25+s13+$0x0], $0xffff;
	v60 =	vor.u32 v56, v39  }
0x5b1: {  	v5 =	vld.idx.msk [tilespmem:v34+s13+$0x0], $0xffff;
	v14 =	vor.u32 v12, v40  }
0x5b2: {  	v6 =	vld.idx.msk [tilespmem:v43+s13+$0x0], $0xffff;
	v25 =	vor.u32 v18, v41  }
0x5b3: {  	v43 =	vor.u32 v19, v35;
	v8 =	vld.idx.msk [tilespmem:v45+s13+$0x0], $0xffff  }
0x5b4: {  	v34 =	vor.u32 v26, v42;
	v1 =	vld.idx.msk [tilespmem:v52+s13+$0x0], $0xffff  }
0x5b5: {  	[tilespmem:s31+$0xFFFFFAD0] =	vst v4;
	v45 =	vor.u32 v17, v35;
	v0 =	vld.idx.msk [tilespmem:v60+s13+$0x0], $0xffff  }
0x5b6: {  	[tilespmem:s31+$0xFFFFFB50] =	vst v2;
	v54 =	vor.u32 v56, v35;
	v3 =	vld.idx.msk [tilespmem:v14+s13+$0x0], $0xffff  }
0x5b7: {  	[tilespmem:s31+$0xFFFFFBD0] =	vst v5;
	v52 =	vor.u32 v55, v35;
	v7 =	vld.idx.msk [tilespmem:v25+s13+$0x0], $0xffff  }
0x5b8: {  	v58 =	vor.u32 v12, v35;
	[tilespmem:s31+$0xFFFFFC60] =	vst v6;
	v60 =	vld.idx.msk [tilespmem:v43+s13+$0x0], $0xffff  }
0x5b9: {  	[tilespmem:s31+$0xFFFFFCE0] =	vst v8;
	v9 =	vld.idx.msk [tilespmem:v34+s13+$0x0], $0xffff  }
0x5ba: {  	v14 =	vld.idx.msk [tilespmem:v45+s13+$0x0], $0xffff;
	v45 =	vor.u32 v29, v30;
	[tilespmem:s31+$0xFFFFFD60] =	vst v1  }
0x5bb: {  	v6 =	vld.idx.msk [tilespmem:v54+s13+$0x0], $0xffff;
	[tilespmem:s31+$0xFFFFFDE0] =	vst v0  }
0x5bc: {  	v23 =	vld.idx.msk [tilespmem:v52+s13+$0x0], $0xffff;
	[tilespmem:s31+$0xFFFFFE60] =	vst v3  }
0x5bd: {  	v8 =	vld.idx.msk [tilespmem:v58+s13+$0x0], $0xffff;
	[tilespmem:s31+$0xFFFFFEE0] =	vst v7  }
0x5be: {  	v12 =	vor.u32 v18, v35;
	v18 =	vld [tilespmem:$0x1FC10];
	[tilespmem:s31+$0xFFFFFF60] =	vst v9  }
0x5bf: {  	[tilespmem:s31+$0xFFFFF860] =	vst v60;
	v9 =	vld.idx.msk [tilespmem:v45+s13+$0x0], $0xffff  }
0x5c0: {  	v22 =	vor.u32 v26, v35;
	v26 =	vld [tilespmem:$0x1FFC0];
	[tilespmem:s31+$0xFFFFF8E0] =	vst v14  }
0x5c1: {  	v34 =	vor.u32 v10, v35;
	v10 =	vld [tilespmem:$0x1FCB0];
	[tilespmem:s31+$0xFFFFF960] =	vst v23  }
0x5c2: {  	v58 =	vld [tilespmem:$0x1FBA0];
	[tilespmem:s31+$0xFFFFF9E0] =	vst v6  }
0x5c3: {  	v45 =	vor.u32 v29, v35;
	v23 =	vld [tilespmem:$0x1FBB0]  }
0x5c4: {  	v4 =	vld.idx.msk [tilespmem:v12+s13+$0x0], $0xffff;
	[tilespmem:s31+$0xFFFFFA60] =	vst v8;
	v43 =	vor.u32 v18, v37  }
0x5c5: {  	v14 =	vld [tilespmem:$0x1FBC0];
	v52 =	vor.u32 v26, v38  }
0x5c6: {  	v2 =	vld.idx.msk [tilespmem:v22+s13+$0x0], $0xffff;
	v54 =	vor.u32 v10, v39  }
0x5c7: {  	v5 =	vld.idx.msk [tilespmem:v34+s13+$0x0], $0xffff;
	v60 =	vor.u32 v58, v40  }
0x5c8: {  	v58 =	vor.u32 v58, v35;
	v12 =	vor.u32 v23, v41;
	v22 =	vor.u32 v23, v35;
	v23 =	vld.idx.msk [tilespmem:v45+s13+$0x0], $0xffff  }
0x5c9: {  	v7 =	vld.idx.msk [tilespmem:v43+s13+$0x0], $0xffff  }
0x5ca: {  	v34 =	vor.u32 v14, v42;
	v1 =	vld.idx.msk [tilespmem:v52+s13+$0x0], $0xffff  }
0x5cb: {  	[tilespmem:s31+$0xFFFFFAE0] =	vst v4;
	v43 =	vor.u32 v18, v35;
	v0 =	vld.idx.msk [tilespmem:v54+s13+$0x0], $0xffff  }
0x5cc: {  	[tilespmem:s31+$0xFFFFFB60] =	vst v2;
	v24 =	vor.u32 v14, v35;
	v3 =	vld.idx.msk [tilespmem:v60+s13+$0x0], $0xffff  }
0x5cd: {  	[tilespmem:s31+$0xFFFFFBE0] =	vst v5;
	v52 =	vor.u32 v26, v35;
	v45 =	vld.idx.msk [tilespmem:v58+s13+$0x0], $0xffff  }
0x5ce: {  	[tilespmem:s31+$0xFFFFFCF0] =	vst v9;
	v54 =	vor.u32 v10, v35;
	v6 =	vld.idx.msk [tilespmem:v12+s13+$0x0], $0xffff  }
0x5cf: {  	[tilespmem:s31+$0xFFFFFC70] =	vst v7;
	v8 =	vld.idx.msk [tilespmem:v34+s13+$0x0], $0xffff  }
0x5d0: {  	v60 =	vld.idx.msk [tilespmem:v43+s13+$0x0], $0xffff;
	[tilespmem:s31+$0xFFFFFD70] =	vst v1  }
0x5d1: {  	v14 =	vld.idx.msk [tilespmem:v24+s13+$0x0], $0xffff;
	v24 =	vor.u32 v59, v40;
	[tilespmem:s31+$0xFFFFFDF0] =	vst v0  }
0x5d2: {  	v25 =	vld.idx.msk [tilespmem:v52+s13+$0x0], $0xffff;
	[tilespmem:s31+$0xFFFFFE70] =	vst v3  }
0x5d3: {  	v26 =	vor.u32 v15, v35;
	v34 =	vld.idx.msk [tilespmem:v54+s13+$0x0], $0xffff;
	[tilespmem:s31+$0xFFFFFEF0] =	vst v6  }
0x5d4: {  	v15 =	vld [tilespmem:$0x1FC20]  }
0x5d5: {  	v58 =	vor.u32 v20, v30;
	[tilespmem:s31+$0xFFFFF870] =	vst v60;
	v60 =	vld.idx.msk [tilespmem:v22+s13+$0x0], $0xffff  }
0x5d6: {  	[tilespmem:s31+$0xFFFFFF70] =	vst v8;
	v22 =	vor.u32 v32, v39;
	v5 =	vld.idx.msk [tilespmem:v24+s13+$0x0], $0xffff  }
0x5d7: {  	v39 =	vor.u32 v20, v35;
	v52 =	vld [tilespmem:$0x1FEE0];
	[tilespmem:s31+$0xFFFFF8F0] =	vst v23  }
0x5d8: {  	[tilespmem:s31+$0xFFFFF970] =	vst v25;
	v23 =	vld.idx.msk [tilespmem:v26+s13+$0x0], $0xffff;
	v26 =	vor.u32 v62, v41  }
0x5d9: {  	[tilespmem:s31+$0xFFFFFA70] =	vst v45;
	v41 =	vor.u32 v32, v35  }
0x5da: {  	v54 =	vor.u32 v13, v35;
	[tilespmem:s31+$0xFFFFF9F0] =	vst v34;
	v34 =	vld.idx.msk [tilespmem:v58+s13+$0x0], $0xffff  }
0x5db: {  	[tilespmem:s31+$0xFFFFFB70] =	vst v14;
	v43 =	vor.u32 v15, v37;
	v2 =	vld.idx.msk [tilespmem:v22+s13+$0x0], $0xffff  }
0x5dc: {  	v37 =	vor.u32 v63, v42;
	[tilespmem:s31+$0xFFFFFAF0] =	vst v60;
	v0 =	vld.idx.msk [tilespmem:v39+s13+$0x0], $0xffff  }
0x5dd: {  	v42 =	vor.u32 v59, v35;
	[tilespmem:s31+$0xFFFFFE80] =	vst v5;
	v7 =	vld.idx.msk [tilespmem:v26+s13+$0x0], $0xffff  }
0x5de: {  	v45 =	vor.u32 v63, v35;
	[tilespmem:s31+$0xFFFFFBF0] =	vst v23;
	v58 =	vld.idx.msk [tilespmem:v41+s13+$0x0], $0xffff  }
0x5df: {  	v12 =	vor.u32 v52, v38;
	[tilespmem:s31+$0xFFFFFD00] =	vst v34;
	v63 =	vld.idx.msk [tilespmem:v54+s13+$0x0], $0xffff  }
0x5e0: {  	v38 =	vor.u32 v15, v35;
	v25 =	vld.idx.msk [tilespmem:v43+s13+$0x0], $0xffff;
	[tilespmem:s31+$0xFFFFFE00] =	vst v2  }
0x5e1: {  	v40 =	vor.u32 v52, v35;
	v9 =	vld.idx.msk [tilespmem:v37+s13+$0x0], $0xffff;
	[tilespmem:s31+$0xFFFFF900] =	vst v0  }
0x5e2: {  	v43 =	vor.u32 v62, v35;
	v59 =	vld.idx.msk [tilespmem:v42+s13+$0x0], $0xffff;
	[tilespmem:s31+$0xFFFFFF00] =	vst v7  }
0x5e3: {  	v62 =	vld.idx.msk [tilespmem:v45+s13+$0x0], $0xffff;
	[tilespmem:s31+$0xFFFFFA00] =	vst v58  }
0x5e4: {  	v4 =	vld.idx.msk [tilespmem:v12+s13+$0x0], $0xffff;
	[tilespmem:s31+$0xFFFFFC00] =	vst v63  }
0x5e5: {  	v1 =	vld.idx.msk [tilespmem:v38+s13+$0x0], $0xffff;
	[tilespmem:s31+$0xFFFFFC80] =	vst v25  }
0x5e6: {  	v3 =	vld.idx.msk [tilespmem:v40+s13+$0x0], $0xffff;
	[tilespmem:s31+$0xFFFFFF80] =	vst v9  }
0x5e7: {  	s21 =	sadd.s32 $0x1, s21;
	v60 =	vld.idx.msk [tilespmem:v43+s13+$0x0], $0xffff;
	[tilespmem:s31+$0xFFFFFA80] =	vst v59  }
0x5e8: {  	s22 =	sadd.s32 s6, s22;
	p0 =	sne.s32 s21, $0x64;
	[tilespmem:s31+$0xFFFFFB80] =	vst v62  }
.Ltmp3:
0x5e9: {  	s22 =	sshll.u32 s22, $0xA;
	[tilespmem:s31+$0xFFFFFD80] =	vst v4;
	(pc) =	sbr.rel @p0 .LBB2_4-.Ltmp3, $4  }
0x5ea: {  	s22 =	sadd.s32 s23, s22;
	[tilespmem:s31+$0xFFFFF880] =	vst v1  }
0x5eb: {  	s22 =	sshrl.u32 s22, $0x3;
	[tilespmem:s31+$0xFFFFF980] =	vst v3  }
0x5ec: {  	s22 =	sadd.s32 s2, s22;
	v41 =	vmov v44;
	v44 =	vmov v56;
	[tilespmem:s31+$0xFFFFFB00] =	vst v60  }
0x5ed: {  	v37 =	vmovc v19;
	v63 =	vmovc v29;
	v29 =	vmov v36;
	v59 =	vmov v31;
	v62 =	vmov v21;
	[hbm4b:s22+s14] =	stream.strided.scatter [tilespmem:s17], [sflag:$0x2], $0x2000, s15, s14, $0x38;
	[tilespmem:$0x15400] =	vst v63  }
0x5ee: {  	_ =	swait.ge [sflag:s18], $0x2000  }
0x5ef: {  	[sflag:s18] =	ssyncset.done $0x0  }
0x5f0: {  	[sflag:s18] =	ssyncadd.s32 $0xFFFFE000  }
0x5f1: {  	_ =	swait.ge [sflag:s18], $0x2000  }
0x5f2: {  	v3 =	vld [tilespmem:$0x1FCC0]  }
0x5f3: {  	v4 =	vld [tilespmem:$0x1FCD0]  }
0x5f4: {  	v5 =	vld [tilespmem:$0x1FCE0]  }
0x5f5: {  	v6 =	vld [tilespmem:$0x1FCF0]  }
0x5f6: {  	v7 =	vld [tilespmem:$0x1FD00]  }
0x5f7: {  	v8 =	vld [tilespmem:$0x1FD10]  }
0x5f8: {  	v9 =	vld [tilespmem:$0x1FD20]  }
0x5f9: {  	v10 =	vld [tilespmem:$0x1FD30]  }
0x5fa: {  	v11 =	vld [tilespmem:$0x1FD40]  }
0x5fb: {  	v12 =	vld [tilespmem:$0x1FD50]  }
0x5fc: {  	v13 =	vld [tilespmem:$0x1FD60]  }
0x5fd: {  	v14 =	vld [tilespmem:$0x1FD70]  }
0x5fe: {  	v15 =	vld [tilespmem:$0x1FD80]  }
0x5ff: {  	v16 =	vld [tilespmem:$0x1FD90]  }
0x600: {  	v17 =	vld [tilespmem:$0x1FDA0]  }
0x601: {  	v18 =	vld [tilespmem:$0x1FDB0]  }
0x602: {  	v19 =	vld [tilespmem:$0x1FDC0]  }
0x603: {  	v20 =	vld [tilespmem:$0x1FDD0]  }
0x604: {  	v21 =	vld [tilespmem:$0x1FDE0]  }
0x605: {  	v22 =	vld [tilespmem:$0x1FDF0]  }
0x606: {  	v23 =	vld [tilespmem:$0x1FE00]  }
0x607: {  	v24 =	vld [tilespmem:$0x1FE10]  }
0x608: {  	v25 =	vld [tilespmem:$0x1FE20]  }
0x609: {  	v26 =	vld [tilespmem:$0x1FE30]  }
0x60a: {  	v27 =	vld [tilespmem:$0x1FE40]  }
0x60b: {  	s19 =	sadd.s32 $0x1, s19;
	v28 =	vld [tilespmem:$0x1FE50]  }
0x60c: {  	v45 =	vmov v29;
	p0 =	sne.s32 s19, s7;
	v29 =	vld [tilespmem:$0x1FE60]  }
.Ltmp4:
0x60d: {  	v30 =	vld [tilespmem:$0x1FE70];
	(pc) =	sbr.rel @p0 .LBB2_1-.Ltmp4, $4  }
0x60e: {  	v31 =	vld [tilespmem:$0x1FE80]  }
0x60f: {  	v32 =	vld [tilespmem:$0x1FE90]  }
0x610: {  	[sflag:s18] =	ssyncset.done $0x0;
	v34 =	vld [tilespmem:$0x1FEA0]  }
0x611: {  	v35 =	vld [tilespmem:$0x1FEB0];
	[sflag:s18] =	ssyncadd.s32 $0xFFFFE000  }
0x612: {  	_ =	sfence.sel $0x180000  }
0x613: {  	[bflag:$0x0] =	sbarrier.arrive $0xFFFF  }
0x614: {  	p0 =	sne.s32 s0, $0x0;
	_ =	strace $0x90000047  }
0x615: {  	s0 =	sadd.s32 @!p0 $0x100000, s1;
	[bflag:$0x2] =	sbarrier.arrive $0xFFFF  }
0x616: {  	[sflag:s0] =	ssyncadd.tile.s32 @!p0 $0x1;
	_ =	shalt  }
.Lfunc_end2:
_tile_overlayer_lowered:
.L_overlay_start_2:
0x617: {  	(tag) =	ssettag $0x2  }
0x618: {  	s0 =	rddreg [dreg:$0x0];
	s2 =	stileid.u32  }
0x619: {  	s1 =	rddreg [dreg:$0x1];
	p0 =	sne.s32 s2, $0x0  }
0x61a: {  	s3 =	rddreg [dreg:$0x2];
	[bflag:$0x3] =	sbarrier.arrive $0xFFFF;
	s2 =	simm.s32 @!p0 $0x1C03  }
0x61b: {  	[timem:s3], [sflag:s2] =	dma.local @!p0 [hbm:s0], s1  }
0x61c: {  	s0 =	simm.s32 @!p0 $0x3  }
0x61d: {  	_ =	swait.ge @!p0 [sflag:s0], s1  }
0x61e: {  	s1 =	ssub.s32 @!p0 $0x0, s1;
	[sflag:s0] =	ssyncset.done @!p0 $0x0  }
0x61f: {  	[sflag:s0] =	ssyncadd.s32 @!p0 s1  }
0x620: {  	[bflag:$0x3] =	sbarrier.arrive $0xFFFF  }
0x621: {  	_ =	shalt  }

</sc_bundles>
